<compile_context>
chip_gen: v7x
topology: tpu7x:2x2x1
jax: 0.10.2.dev20260603
libtpu: 0.0.44.dev20260713+nightly
codegen_flags: <defaults>
</compile_context>

<pallas_src>
import functools

import numpy as np

import jax
import jax.numpy as jnp
from jax import lax
from jax.experimental import pallas as pl
from jax.experimental.pallas import tpu as pltpu
from jax.experimental.pallas import tpu_sc as plsc

N = 10000
NPAD = 10240
D = 128
NC = 2
NS = 16
NW = NC * NS
WIN = 128
ROWS_PER_TILE = NPAD // NS
RBLK = 2000
GRID = N // RBLK


@functools.cache
def _get_mesh():
    return plsc.VectorSubcoreMesh(core_axis_name="c", subcore_axis_name="s",
                                  num_cores=NC, num_subcores=NS)


def _num_windows_per_tile(E):
    nw_t = -(-E // (NW * WIN))
    if nw_t % 2 == 0:
        nw_t += 1
    return nw_t


@functools.cache
def _make_deg_kernel(nw_t):
    @functools.partial(
        pl.kernel,
        out_type=jax.ShapeDtypeStruct((NC, NPAD, 16), jnp.float32),
        mesh=_get_mesh(),
        scratch_types=[
            pltpu.VMEM((WIN, 16), jnp.float32),
            pltpu.VMEM((WIN, 16), jnp.float32),
            pltpu.VMEM((nw_t, WIN), jnp.int32),
            pltpu.VMEM_SHARED((NPAD, 16), jnp.float32),
            pltpu.SemaphoreType.DMA,
        ],
    )
    def deg_kernel(dst_hbm, deg_hbm, ones_v, buf_v, didx, acc, sem):
        cid = lax.axis_index("c")
        sid = lax.axis_index("s")
        tid = cid * NS + sid
        initval = jnp.where(cid == 0, 1.0, 0.0).astype(jnp.float32)

        pltpu.sync_copy(dst_hbm.at[tid], didx)

        @pl.loop(0, WIN)
        def _(r):
            ones_v.at[r][...] = jnp.full((16,), 1.0, jnp.float32)
            buf_v.at[r][...] = jnp.full((16,), initval, jnp.float32)

        row0 = sid * ROWS_PER_TILE

        nchunks = ROWS_PER_TILE // WIN

        @pl.loop(0, nchunks)
        def _(k):
            pltpu.async_copy(buf_v, acc.at[pl.ds(row0 + k * WIN, WIN)], sem)

        @pl.loop(0, nchunks)
        def _(k):
            pltpu.make_async_copy(buf_v, acc.at[pl.ds(row0 + k * WIN, WIN)],
                                  sem).wait()

        plsc.subcore_barrier()

        @pl.loop(0, nw_t)
        def _(w):
            pltpu.sync_copy(ones_v, acc.at[didx.at[w]], add=True)

        plsc.subcore_barrier()

        @pl.loop(0, nchunks)
        def _(k):
            pltpu.sync_copy(acc.at[pl.ds(row0 + k * WIN, WIN)], buf_v)
            pltpu.sync_copy(buf_v, deg_hbm.at[cid, pl.ds(row0 + k * WIN, WIN)])

    return deg_kernel


@functools.cache
def _make_msg_kernel(nw_t):
    assert nw_t % 2 == 1

    @functools.partial(
        pl.kernel,
        out_type=jax.ShapeDtypeStruct((NC, NPAD, D), jnp.float32),
        mesh=_get_mesh(),
        scratch_types=[
            pltpu.VMEM((WIN, D), jnp.float32),
            pltpu.VMEM((WIN, D), jnp.float32),
            pltpu.VMEM((WIN,), jnp.int32),
            pltpu.VMEM((WIN,), jnp.int32),
            pltpu.VMEM((nw_t, WIN), jnp.int32),
            pltpu.VMEM_SHARED((NPAD, D), jnp.float32),
            pltpu.SemaphoreType.DMA,
            pltpu.SemaphoreType.DMA,
            pltpu.SemaphoreType.DMA,
            pltpu.SemaphoreType.DMA,
        ],
    )
    def msg_kernel(hs_hbm, src_hbm, dst_hbm, out_hbm,
                   rows_a, rows_b, sidx_a, sidx_b, didx, acc,
                   gsem_a, gsem_b, isem_a, isem_b):
        cid = lax.axis_index("c")
        sid = lax.axis_index("s")
        tid = cid * NS + sid
        src_t = src_hbm.at[tid]

        pltpu.sync_copy(dst_hbm.at[tid], didx)

        @pl.loop(0, WIN)
        def _(r):
            @pl.loop(0, D // 16)
            def _(c):
                rows_a.at[r, pl.ds(c * 16, 16)][...] = jnp.zeros((16,), jnp.float32)

        row0 = sid * ROWS_PER_TILE

        @pl.loop(0, ROWS_PER_TILE // WIN)
        def _(k):
            pltpu.async_copy(rows_a, acc.at[pl.ds(row0 + k * WIN, WIN)], gsem_a)

        @pl.loop(0, ROWS_PER_TILE // WIN)
        def _(k):
            pltpu.make_async_copy(rows_a, acc.at[pl.ds(row0 + k * WIN, WIN)],
                                  gsem_a).wait()

        plsc.subcore_barrier()

        def sstart(w, sbuf, sem):
            pltpu.async_copy(src_t.at[w], sbuf, sem)

        def swait(w, sbuf, sem):
            pltpu.make_async_copy(src_t.at[w], sbuf, sem).wait()

        def gstart(sbuf, rbuf, sem):
            pltpu.async_copy(hs_hbm.at[sbuf], rbuf, sem)

        def gwait(sbuf, rbuf, sem):
            pltpu.make_async_copy(hs_hbm.at[sbuf], rbuf, sem).wait()

        def sadd(w, rbuf):
            pltpu.sync_copy(rbuf, acc.at[didx.at[w]], add=True)

        pltpu.sync_copy(src_t.at[0], sidx_a)
        gstart(sidx_a, rows_a, gsem_a)
        sstart(1, sidx_b, isem_b)

        @pl.loop(0, (nw_t - 1) // 2)
        def _(i):
            w = 2 * i
            gwait(sidx_a, rows_a, gsem_a)
            swait(w + 1, sidx_b, isem_b)
            gstart(sidx_b, rows_b, gsem_b)
            sstart(w + 2, sidx_a, isem_a)
            sadd(w, rows_a)
            gwait(sidx_b, rows_b, gsem_b)
            swait(w + 2, sidx_a, isem_a)
            gstart(sidx_a, rows_a, gsem_a)

            @pl.when(w + 3 < nw_t)
            def _():
                sstart(w + 3, sidx_b, isem_b)

            sadd(w + 1, rows_b)

        gwait(sidx_a, rows_a, gsem_a)
        sadd(nw_t - 1, rows_a)

        plsc.subcore_barrier()

        nchunks = ROWS_PER_TILE // WIN
        bufs = (rows_a, rows_b)
        sems = (gsem_a, gsem_b)

        def acc_sl(k):
            return acc.at[pl.ds(row0 + k * WIN, WIN)]

        pltpu.async_copy(acc_sl(0), rows_a, gsem_a)
        for k in range(nchunks):
            cur, csem = bufs[k % 2], sems[k % 2]
            pltpu.make_async_copy(acc_sl(k), cur, csem).wait()
            if k + 1 < nchunks:
                pltpu.async_copy(acc_sl(k + 1), bufs[(k + 1) % 2],
                                 sems[(k + 1) % 2])
            pltpu.sync_copy(cur, out_hbm.at[cid, pl.ds(row0 + k * WIN, WIN)])

    return msg_kernel


def _dinv_from_deg(deg_ref):
    d = deg_ref[0] + deg_ref[1]
    return lax.rsqrt(d[:, 0:1])


def _mmscale_body(x_ref, w_ref, deg_ref, o_ref):
    h = jnp.dot(x_ref[...], w_ref[...], preferred_element_type=jnp.float32)
    o_ref[...] = h * _dinv_from_deg(deg_ref)


def _stage2_body(m_ref, hs_ref, deg_ref, w_ref, b_ref, o_ref):
    dinv = _dinv_from_deg(deg_ref)
    t = (m_ref[0] + m_ref[1] + hs_ref[...]) * dinv + b_ref[...]
    g = jnp.where(t > 0.0, t, jnp.exp(jnp.minimum(t, 0.0)) - 1.0)
    o_ref[...] = jnp.dot(g, w_ref[...],
                         preferred_element_type=jnp.float32) * dinv


def _stage3_body(m_ref, hs_ref, deg_ref, b_ref, o_ref):
    dinv = _dinv_from_deg(deg_ref)
    o_ref[...] = (m_ref[0] + m_ref[1] + hs_ref[...]) * dinv + b_ref[...]


_row_spec = pl.BlockSpec((RBLK, D), lambda i: (i, 0))
_deg_spec = pl.BlockSpec((NC, RBLK, 16), lambda i: (0, i, 0))
_msg_spec = pl.BlockSpec((NC, RBLK, D), lambda i: (0, i, 0))
_w_spec = pl.BlockSpec((D, D), lambda i: (0, 0))
_b_spec = pl.BlockSpec((1, D), lambda i: (0, 0))
_out_t = jax.ShapeDtypeStruct((NPAD, D), jnp.float32)

_tc_mmscale = pl.pallas_call(
    _mmscale_body, grid=(GRID,),
    in_specs=[_row_spec, _w_spec, _deg_spec],
    out_specs=_row_spec, out_shape=_out_t)

_tc_stage2 = pl.pallas_call(
    _stage2_body, grid=(GRID,),
    in_specs=[_msg_spec, _row_spec, _deg_spec, _w_spec, _b_spec],
    out_specs=_row_spec, out_shape=_out_t)

_tc_stage3 = pl.pallas_call(
    _stage3_body, grid=(GRID,),
    in_specs=[_msg_spec, _row_spec, _deg_spec, _b_spec],
    out_specs=_row_spec,
    out_shape=jax.ShapeDtypeStruct((N, D), jnp.float32))


def kernel(x, edge_index, W1, b1, W2, b2):
    E = edge_index.shape[1]
    nw_t = _num_windows_per_tile(E)
    epad = nw_t * NW * WIN - E

    pad_nodes = jnp.asarray(
        N + (np.arange(epad, dtype=np.int32) % (NPAD - N)), dtype=jnp.int32)
    src = jnp.concatenate([edge_index[0], pad_nodes]).reshape(NW, nw_t, WIN)
    dst = jnp.concatenate([edge_index[1], pad_nodes]).reshape(NW, nw_t, WIN)

    b1r = b1.reshape(1, D)
    b2r = b2.reshape(1, D)

    deg_k = _make_deg_kernel(nw_t)
    msg_k = _make_msg_kernel(nw_t)

    degp = deg_k(dst)
    hs1 = _tc_mmscale(x, W1, degp)
    m1 = msg_k(hs1, src, dst)
    hs2 = _tc_stage2(m1, hs1, degp, W2, b1r)
    m2 = msg_k(hs2, src, dst)
    return _tc_stage3(m2, hs2, degp, b2r)

# --- scband reference (transcript-rebuilt; emitter-appended) ---
"""Pipeline reference for scband-thgcagent-1417339207757 (READ-ONLY COPY).

The authoritative reference and input builder live on the scoring server;
editing this copy changes nothing except your own understanding.
"""

import jax, jax.numpy as jnp
import numpy as np


def gcn_conv(x, edge_index, W, b):
    # GCNConv semantics: add self-loops, symmetric normalization D^-1/2 A D^-1/2 X W + b
    N = x.shape[0]
    loop = jnp.arange(N, dtype=edge_index.dtype)
    src = jnp.concatenate([edge_index[0], loop])
    dst = jnp.concatenate([edge_index[1], loop])
    h = x @ W
    deg = jnp.zeros((N,), dtype=x.dtype).at[dst].add(1.0)
    dinv = jax.lax.rsqrt(jnp.maximum(deg, 1.0))
    norm = dinv[src] * dinv[dst]
    msg = jnp.take(h, src, axis=0) * norm[:, None]
    out = jnp.zeros_like(h).at[dst].add(msg)
    return out + b


def setup_inputs(seed: int = 0) -> dict:
    key = jax.random.key(seed)
    ks = jax.random.split(key, 6)
    N, E, D, H = 10000, 320000, 128, 128
    x = jax.random.normal(ks[0], (N, D), dtype=jnp.float32)
    edge_index = jax.random.randint(ks[1], (2, E), 0, N, dtype=jnp.int32)
    W1 = jax.random.normal(ks[2], (D, H), dtype=jnp.float32) * (1.0 / np.sqrt(D))
    b1 = jnp.zeros((H,), dtype=jnp.float32)
    W2 = jax.random.normal(ks[3], (H, H), dtype=jnp.float32) * (1.0 / np.sqrt(H))
    b2 = jnp.zeros((H,), dtype=jnp.float32)
    return {"x": x, "edge_index": edge_index, "W1": W1, "b1": b1, "W2": W2, "b2": b2}


def reference(x, edge_index, W1, b1, W2, b2):
    # GATComm with num_layers=2: GCNConv -> ELU -> (dropout off, eval) -> GCNConv
    h = gcn_conv(x, edge_index, W1, b1)
    h = jax.nn.elu(h)
    out = gcn_conv(h, edge_index, W2, b2)
    return out

if __name__ == "__main__":
    import jax
    _d = setup_inputs()
    print(jax.jit(kernel)(*tuple(_d.values())))

</pallas_src>

<mosaic_0001>
#map = affine_map<(d0, d1) -> (0, 0)>
#map1 = affine_map<(d0, d1) -> (0, 0, 0)>
module attributes {stable_mosaic.version = 14 : i64} {
  func.func @msg_kernel(%arg0: i32, %arg1: i32, %arg2: memref<10240x128xf32, #tpu.memory_space<hbm>>, %arg3: memref<32x79x128xi32, #tpu.memory_space<hbm>>, %arg4: memref<32x79x128xi32, #tpu.memory_space<hbm>>, %arg5: memref<2x10240x128xf32, #tpu.memory_space<hbm>>, %arg6: memref<128x128xf32, #tpu.memory_space<vmem>>, %arg7: memref<128x128xf32, #tpu.memory_space<vmem>>, %arg8: memref<128xi32, #tpu.memory_space<vmem>>, %arg9: memref<128xi32, #tpu.memory_space<vmem>>, %arg10: memref<79x128xi32, #tpu.memory_space<vmem>>, %arg11: memref<10240x128xf32, #tpu.memory_space<vmem_shared>>, %arg12: memref<!tpu.dma_semaphore, #tpu.memory_space<semaphore_mem>>, %arg13: memref<!tpu.dma_semaphore, #tpu.memory_space<semaphore_mem>>, %arg14: memref<!tpu.dma_semaphore, #tpu.memory_space<semaphore_mem>>, %arg15: memref<!tpu.dma_semaphore, #tpu.memory_space<semaphore_mem>>) attributes {dimension_semantics = [#tpu.dimension_semantics<core_parallel>, #tpu.dimension_semantics<subcore_parallel>], iteration_bounds = array<i64: 2, 16>, scalar_prefetch = 0 : i64, scratch_operands = 10 : i64, tpu.core_type = #tpu.core_type<sc_vector_subcore>, window_params = [{transform_indices = #map}, {transform_indices = #map1}, {transform_indices = #map1}, {transform_indices = #map1}]} {
    %mul3A = arith.constant 16 : i32
    %mul3A_0 = arith.muli %arg0, %mul3A : i32
    %add3A = arith.addi %mul3A_0, %arg1 : i32
    "tpu.region"() ({
      %run_scoped3A_113 = tpu.sem_alloc : memref<!tpu.dma_semaphore, #tpu.memory_space<semaphore_mem>>
      %dma_start3A_114 = arith.constant 0 : i32
      %dma_start3A_115 = arith.constant 0 : i32
      %dma_start3A_116 = tpu.memref_slice %arg4[%add3A, %dma_start3A_114, %dma_start3A_115] : memref<32x79x128xi32, #tpu.memory_space<hbm>> -> memref<1x79x128xi32, #tpu.memory_space<hbm>>
      %dma_start3A_117 = tpu.memref_squeeze %dma_start3A_116 : memref<1x79x128xi32, #tpu.memory_space<hbm>> -> memref<79x128xi32, #tpu.memory_space<hbm>>
      %dma_start3A_118 = arith.constant 0 : i32
      %dma_start3A_119 = arith.constant 0 : i32
      %dma_start3A_120 = tpu.memref_slice %arg4[%add3A, %dma_start3A_118, %dma_start3A_119] : memref<32x79x128xi32, #tpu.memory_space<hbm>> -> memref<1x79x128xi32, #tpu.memory_space<hbm>>
      %dma_start3A_121 = tpu.memref_squeeze %dma_start3A_120 : memref<1x79x128xi32, #tpu.memory_space<hbm>> -> memref<79x128xi32, #tpu.memory_space<hbm>>
      tpu.enqueue_dma source(%dma_start3A_121 : memref<79x128xi32, #tpu.memory_space<hbm>>) target(%arg10 : memref<79x128xi32, #tpu.memory_space<vmem>>) target_semaphore(%run_scoped3A_113 : memref<!tpu.dma_semaphore, #tpu.memory_space<semaphore_mem>>)
      %dma_wait3A_122 = arith.constant 0 : i32
      %dma_wait3A_123 = arith.constant 0 : i32
      %dma_wait3A_124 = tpu.memref_slice %arg4[%add3A, %dma_wait3A_122, %dma_wait3A_123] : memref<32x79x128xi32, #tpu.memory_space<hbm>> -> memref<1x79x128xi32, #tpu.memory_space<hbm>>
      %dma_wait3A_125 = tpu.memref_squeeze %dma_wait3A_124 : memref<1x79x128xi32, #tpu.memory_space<hbm>> -> memref<79x128xi32, #tpu.memory_space<hbm>>
      %dma_wait3A_126 = arith.constant 0 : i32
      %dma_wait3A_127 = arith.constant 0 : i32
      %dma_wait3A_128 = tpu.memref_slice %arg4[%add3A, %dma_wait3A_126, %dma_wait3A_127] : memref<32x79x128xi32, #tpu.memory_space<hbm>> -> memref<1x79x128xi32, #tpu.memory_space<hbm>>
      %dma_wait3A_129 = tpu.memref_squeeze %dma_wait3A_128 : memref<1x79x128xi32, #tpu.memory_space<hbm>> -> memref<79x128xi32, #tpu.memory_space<hbm>>
      tpu.wait_dma2 semaphore(%run_scoped3A_113 : memref<!tpu.dma_semaphore, #tpu.memory_space<semaphore_mem>>) src(%dma_wait3A_129 : memref<79x128xi32, #tpu.memory_space<hbm>>) dst(%arg10 : memref<79x128xi32, #tpu.memory_space<vmem>>)
      tpu.yield
    }) : () -> ()
    %scan3A = arith.constant 0 : i32
    %scan3A_1 = arith.constant 128 : i32
    %scan3A_2 = arith.addi %scan3A, %scan3A_1 : i32
    %scan3A_3 = arith.constant 1 : i32
    scf.for %scan3A_113 = %scan3A to %scan3A_2 step %scan3A_3  : i32 {
      %mul3A_114 = arith.constant 1 : i32
      %mul3A_115 = arith.muli %scan3A_113, %mul3A_114 : i32
      %add3A_116 = arith.constant 0 : i32
      %add3A_117 = arith.addi %add3A_116, %mul3A_115 : i32
      %scan3A_118 = arith.constant 0 : i32
      %scan3A_119 = arith.constant 8 : i32
      %scan3A_120 = arith.addi %scan3A_118, %scan3A_119 : i32
      %scan3A_121 = arith.constant 1 : i32
      scf.for %scan3A_123 = %scan3A_118 to %scan3A_120 step %scan3A_121  : i32 {
        %mul3A_124 = arith.constant 1 : i32
        %mul3A_125 = arith.muli %scan3A_123, %mul3A_124 : i32
        %add3A_126 = arith.constant 0 : i32
        %add3A_127 = arith.addi %add3A_126, %mul3A_125 : i32
        %broadcast_in_dim3A = arith.constant 0.000000e+00 : f32
        %broadcast_in_dim3A_128 = vector.broadcast %broadcast_in_dim3A : f32 to vector<16xf32>
        %mul3A_129 = arith.constant 16 : i32
        %mul3A_130 = arith.muli %add3A_127, %mul3A_129 : i32
        %swap3A = arith.index_cast %add3A_117 : i32 to index
        %swap3A_131 = arith.index_cast %mul3A_130 : i32 to index
        %swap3A_132 = tpu.vector_load %arg6[%swap3A, %swap3A_131] {strides = array<i32>} : memref<128x128xf32, #tpu.memory_space<vmem>>, vector<1x16xf32>,
        %swap3A_133 = vector.shape_cast %swap3A_132 : vector<1x16xf32> to vector<16xf32>
        %swap3A_134 = vector.shape_cast %broadcast_in_dim3A_128 : vector<16xf32> to vector<1x16xf32>
        tpu.vector_store %arg6[%swap3A, %swap3A_131], %swap3A_134 {strides = array<i32>} : memref<128x128xf32, #tpu.memory_space<vmem>>, vector<1x16xf32>,
      }
      %scan3A_122 = arith.constant 8 : i32
    }
    %scan3A_4 = arith.constant 128 : i32
    %mul3A_5 = arith.constant 640 : i32
    %mul3A_6 = arith.muli %arg1, %mul3A_5 : i32
    %scan3A_7 = arith.constant 0 : i32
    %scan3A_8 = arith.constant 5 : i32
    %scan3A_9 = arith.addi %scan3A_7, %scan3A_8 : i32
    %scan3A_10 = arith.constant 1 : i32
    scf.for %scan3A_113 = %scan3A_7 to %scan3A_9 step %scan3A_10  : i32 {
      %mul3A_114 = arith.constant 1 : i32
      %mul3A_115 = arith.muli %scan3A_113, %mul3A_114 : i32
      %add3A_116 = arith.constant 0 : i32
      %add3A_117 = arith.addi %add3A_116, %mul3A_115 : i32
      %mul3A_118 = arith.constant 128 : i32
      %mul3A_119 = arith.muli %add3A_117, %mul3A_118 : i32
      %add3A_120 = arith.addi %mul3A_6, %mul3A_119 : i32
      %dma_start3A_121 = arith.constant 0 : i32
      %dma_start3A_122 = tpu.memref_slice %arg11[%add3A_120, %dma_start3A_121] : memref<10240x128xf32, #tpu.memory_space<vmem_shared>> -> memref<128x128xf32, #tpu.memory_space<vmem_shared>>
      %dma_start3A_123 = arith.constant 0 : i32
      %dma_start3A_124 = tpu.memref_slice %arg11[%add3A_120, %dma_start3A_123] : memref<10240x128xf32, #tpu.memory_space<vmem_shared>> -> memref<128x128xf32, #tpu.memory_space<vmem_shared>>
      tpu.enqueue_dma source(%arg6 : memref<128x128xf32, #tpu.memory_space<vmem>>) target(%dma_start3A_124 : memref<128x128xf32, #tpu.memory_space<vmem_shared>>) target_semaphore(%arg12 : memref<!tpu.dma_semaphore, #tpu.memory_space<semaphore_mem>>)
    }
    %scan3A_11 = arith.constant 5 : i32
    %scan3A_12 = arith.constant 0 : i32
    %scan3A_13 = arith.constant 5 : i32
    %scan3A_14 = arith.addi %scan3A_12, %scan3A_13 : i32
    %scan3A_15 = arith.constant 1 : i32
    scf.for %scan3A_113 = %scan3A_12 to %scan3A_14 step %scan3A_15  : i32 {
      %mul3A_114 = arith.constant 1 : i32
      %mul3A_115 = arith.muli %scan3A_113, %mul3A_114 : i32
      %add3A_116 = arith.constant 0 : i32
      %add3A_117 = arith.addi %add3A_116, %mul3A_115 : i32
      %mul3A_118 = arith.constant 128 : i32
      %mul3A_119 = arith.muli %add3A_117, %mul3A_118 : i32
      %add3A_120 = arith.addi %mul3A_6, %mul3A_119 : i32
      %dma_wait3A_121 = arith.constant 0 : i32
      %dma_wait3A_122 = tpu.memref_slice %arg11[%add3A_120, %dma_wait3A_121] : memref<10240x128xf32, #tpu.memory_space<vmem_shared>> -> memref<128x128xf32, #tpu.memory_space<vmem_shared>>
      %dma_wait3A_123 = arith.constant 0 : i32
      %dma_wait3A_124 = tpu.memref_slice %arg11[%add3A_120, %dma_wait3A_123] : memref<10240x128xf32, #tpu.memory_space<vmem_shared>> -> memref<128x128xf32, #tpu.memory_space<vmem_shared>>
      tpu.wait_dma2 semaphore(%arg12 : memref<!tpu.dma_semaphore, #tpu.memory_space<semaphore_mem>>) src(%arg6 : memref<128x128xf32, #tpu.memory_space<vmem>>) dst(%dma_wait3A_124 : memref<128x128xf32, #tpu.memory_space<vmem_shared>>)
    }
    %scan3A_16 = arith.constant 5 : i32
    %barrier3A = arith.constant 0 : index
    tpu.barrier barrier_id(%barrier3A)
    %run_scoped3A = arith.constant 0 : i32
    "tpu.region"() ({
      %run_scoped3A_113 = tpu.sem_alloc : memref<!tpu.dma_semaphore, #tpu.memory_space<semaphore_mem>>
      %dma_start3A_114 = arith.constant 0 : i32
      %dma_start3A_115 = arith.constant 0 : i32
      %dma_start3A_116 = tpu.memref_slice %arg3[%add3A, %dma_start3A_114, %dma_start3A_115] : memref<32x79x128xi32, #tpu.memory_space<hbm>> -> memref<1x79x128xi32, #tpu.memory_space<hbm>>
      %dma_start3A_117 = tpu.memref_squeeze %dma_start3A_116 : memref<1x79x128xi32, #tpu.memory_space<hbm>> -> memref<79x128xi32, #tpu.memory_space<hbm>>
      %dma_start3A_118 = arith.constant 0 : i32
      %dma_start3A_119 = tpu.memref_slice %dma_start3A_117[%run_scoped3A, %dma_start3A_118] : memref<79x128xi32, #tpu.memory_space<hbm>> -> memref<1x128xi32, #tpu.memory_space<hbm>>
      %dma_start3A_120 = tpu.memref_squeeze %dma_start3A_119 : memref<1x128xi32, #tpu.memory_space<hbm>> -> memref<128xi32, #tpu.memory_space<hbm>>
      %dma_start3A_121 = arith.constant 0 : i32
      %dma_start3A_122 = arith.constant 0 : i32
      %dma_start3A_123 = tpu.memref_slice %arg3[%add3A, %dma_start3A_121, %dma_start3A_122] : memref<32x79x128xi32, #tpu.memory_space<hbm>> -> memref<1x79x128xi32, #tpu.memory_space<hbm>>
      %dma_start3A_124 = tpu.memref_squeeze %dma_start3A_123 : memref<1x79x128xi32, #tpu.memory_space<hbm>> -> memref<79x128xi32, #tpu.memory_space<hbm>>
      %dma_start3A_125 = arith.constant 0 : i32
      %dma_start3A_126 = tpu.memref_slice %dma_start3A_124[%run_scoped3A, %dma_start3A_125] : memref<79x128xi32, #tpu.memory_space<hbm>> -> memref<1x128xi32, #tpu.memory_space<hbm>>
      %dma_start3A_127 = tpu.memref_squeeze %dma_start3A_126 : memref<1x128xi32, #tpu.memory_space<hbm>> -> memref<128xi32, #tpu.memory_space<hbm>>
      tpu.enqueue_dma source(%dma_start3A_127 : memref<128xi32, #tpu.memory_space<hbm>>) target(%arg8 : memref<128xi32, #tpu.memory_space<vmem>>) target_semaphore(%run_scoped3A_113 : memref<!tpu.dma_semaphore, #tpu.memory_space<semaphore_mem>>)
      %dma_wait3A_128 = arith.constant 0 : i32
      %dma_wait3A_129 = arith.constant 0 : i32
      %dma_wait3A_130 = tpu.memref_slice %arg3[%add3A, %dma_wait3A_128, %dma_wait3A_129] : memref<32x79x128xi32, #tpu.memory_space<hbm>> -> memref<1x79x128xi32, #tpu.memory_space<hbm>>
      %dma_wait3A_131 = tpu.memref_squeeze %dma_wait3A_130 : memref<1x79x128xi32, #tpu.memory_space<hbm>> -> memref<79x128xi32, #tpu.memory_space<hbm>>
      %dma_wait3A_132 = arith.constant 0 : i32
      %dma_wait3A_133 = tpu.memref_slice %dma_wait3A_131[%run_scoped3A, %dma_wait3A_132] : memref<79x128xi32, #tpu.memory_space<hbm>> -> memref<1x128xi32, #tpu.memory_space<hbm>>
      %dma_wait3A_134 = tpu.memref_squeeze %dma_wait3A_133 : memref<1x128xi32, #tpu.memory_space<hbm>> -> memref<128xi32, #tpu.memory_space<hbm>>
      %dma_wait3A_135 = arith.constant 0 : i32
      %dma_wait3A_136 = arith.constant 0 : i32
      %dma_wait3A_137 = tpu.memref_slice %arg3[%add3A, %dma_wait3A_135, %dma_wait3A_136] : memref<32x79x128xi32, #tpu.memory_space<hbm>> -> memref<1x79x128xi32, #tpu.memory_space<hbm>>
      %dma_wait3A_138 = tpu.memref_squeeze %dma_wait3A_137 : memref<1x79x128xi32, #tpu.memory_space<hbm>> -> memref<79x128xi32, #tpu.memory_space<hbm>>
      %dma_wait3A_139 = arith.constant 0 : i32
      %dma_wait3A_140 = tpu.memref_slice %dma_wait3A_138[%run_scoped3A, %dma_wait3A_139] : memref<79x128xi32, #tpu.memory_space<hbm>> -> memref<1x128xi32, #tpu.memory_space<hbm>>
      %dma_wait3A_141 = tpu.memref_squeeze %dma_wait3A_140 : memref<1x128xi32, #tpu.memory_space<hbm>> -> memref<128xi32, #tpu.memory_space<hbm>>
      tpu.wait_dma2 semaphore(%run_scoped3A_113 : memref<!tpu.dma_semaphore, #tpu.memory_space<semaphore_mem>>) src(%dma_wait3A_141 : memref<128xi32, #tpu.memory_space<hbm>>) dst(%arg8 : memref<128xi32, #tpu.memory_space<vmem>>)
      tpu.yield
    }) : () -> ()
    %dma_start3A = arith.constant 0 : i32
    %dma_start3A_17 = arith.constant 0 : i32
    %dma_start3A_18 = tpu.memref_slice %arg2[%dma_start3A, %dma_start3A_17] : memref<10240x128xf32, #tpu.memory_space<hbm>> -> memref<10240x128xf32, #tpu.memory_space<hbm>>
    tpu.enqueue_indirect_dma source(%dma_start3A_18 : memref<10240x128xf32, #tpu.memory_space<hbm>>) target(%arg6 : memref<128x128xf32, #tpu.memory_space<vmem>>) offsets(%arg8 : memref<128xi32, #tpu.memory_space<vmem>>) semaphore(%arg12 : memref<!tpu.dma_semaphore, #tpu.memory_space<semaphore_mem>>)
    %dma_start3A_19 = arith.constant 1 : i32
    %dma_start3A_20 = arith.constant 0 : i32
    %dma_start3A_21 = arith.constant 0 : i32
    %dma_start3A_22 = tpu.memref_slice %arg3[%add3A, %dma_start3A_20, %dma_start3A_21] : memref<32x79x128xi32, #tpu.memory_space<hbm>> -> memref<1x79x128xi32, #tpu.memory_space<hbm>>
    %dma_start3A_23 = tpu.memref_squeeze %dma_start3A_22 : memref<1x79x128xi32, #tpu.memory_space<hbm>> -> memref<79x128xi32, #tpu.memory_space<hbm>>
    %dma_start3A_24 = arith.constant 0 : i32
    %dma_start3A_25 = tpu.memref_slice %dma_start3A_23[%dma_start3A_19, %dma_start3A_24] : memref<79x128xi32, #tpu.memory_space<hbm>> -> memref<1x128xi32, #tpu.memory_space<hbm>>
    %dma_start3A_26 = tpu.memref_squeeze %dma_start3A_25 : memref<1x128xi32, #tpu.memory_space<hbm>> -> memref<128xi32, #tpu.memory_space<hbm>>
    %dma_start3A_27 = arith.constant 0 : i32
    %dma_start3A_28 = arith.constant 0 : i32
    %dma_start3A_29 = tpu.memref_slice %arg3[%add3A, %dma_start3A_27, %dma_start3A_28] : memref<32x79x128xi32, #tpu.memory_space<hbm>> -> memref<1x79x128xi32, #tpu.memory_space<hbm>>
    %dma_start3A_30 = tpu.memref_squeeze %dma_start3A_29 : memref<1x79x128xi32, #tpu.memory_space<hbm>> -> memref<79x128xi32, #tpu.memory_space<hbm>>
    %dma_start3A_31 = arith.constant 0 : i32
    %dma_start3A_32 = tpu.memref_slice %dma_start3A_30[%dma_start3A_19, %dma_start3A_31] : memref<79x128xi32, #tpu.memory_space<hbm>> -> memref<1x128xi32, #tpu.memory_space<hbm>>
    %dma_start3A_33 = tpu.memref_squeeze %dma_start3A_32 : memref<1x128xi32, #tpu.memory_space<hbm>> -> memref<128xi32, #tpu.memory_space<hbm>>
    tpu.enqueue_dma source(%dma_start3A_33 : memref<128xi32, #tpu.memory_space<hbm>>) target(%arg9 : memref<128xi32, #tpu.memory_space<vmem>>) target_semaphore(%arg15 : memref<!tpu.dma_semaphore, #tpu.memory_space<semaphore_mem>>)
    %scan3A_34 = arith.constant 0 : i32
    %scan3A_35 = arith.constant 39 : i32
    %scan3A_36 = arith.addi %scan3A_34, %scan3A_35 : i32
    %scan3A_37 = arith.constant 1 : i32
    scf.for %scan3A_113 = %scan3A_34 to %scan3A_36 step %scan3A_37  : i32 {
      %mul3A_114 = arith.constant 1 : i32
      %mul3A_115 = arith.muli %scan3A_113, %mul3A_114 : i32
      %add3A_116 = arith.constant 0 : i32
      %add3A_117 = arith.addi %add3A_116, %mul3A_115 : i32
      %mul3A_118 = arith.constant 2 : i32
      %mul3A_119 = arith.muli %mul3A_118, %add3A_117 : i32
      %dma_wait3A_120 = arith.constant 0 : i32
      %dma_wait3A_121 = arith.constant 0 : i32
      %dma_wait3A_122 = tpu.memref_slice %arg2[%dma_wait3A_120, %dma_wait3A_121] : memref<10240x128xf32, #tpu.memory_space<hbm>> -> memref<10240x128xf32, #tpu.memory_space<hbm>>
      tpu.wait_indirect_dma semaphore(%arg12 : memref<!tpu.dma_semaphore, #tpu.memory_space<semaphore_mem>>) src(%dma_wait3A_122 : memref<10240x128xf32, #tpu.memory_space<hbm>>) dst(%arg6 : memref<128x128xf32, #tpu.memory_space<vmem>>)
      %add3A_123 = arith.constant 1 : i32
      %add3A_124 = arith.addi %mul3A_119, %add3A_123 : i32
      %dma_wait3A_125 = arith.constant 0 : i32
      %dma_wait3A_126 = arith.constant 0 : i32
      %dma_wait3A_127 = tpu.memref_slice %arg3[%add3A, %dma_wait3A_125, %dma_wait3A_126] : memref<32x79x128xi32, #tpu.memory_space<hbm>> -> memref<1x79x128xi32, #tpu.memory_space<hbm>>
      %dma_wait3A_128 = tpu.memref_squeeze %dma_wait3A_127 : memref<1x79x128xi32, #tpu.memory_space<hbm>> -> memref<79x128xi32, #tpu.memory_space<hbm>>
      %dma_wait3A_129 = arith.constant 0 : i32
      %dma_wait3A_130 = tpu.memref_slice %dma_wait3A_128[%add3A_124, %dma_wait3A_129] : memref<79x128xi32, #tpu.memory_space<hbm>> -> memref<1x128xi32, #tpu.memory_space<hbm>>
      %dma_wait3A_131 = tpu.memref_squeeze %dma_wait3A_130 : memref<1x128xi32, #tpu.memory_space<hbm>> -> memref<128xi32, #tpu.memory_space<hbm>>
      %dma_wait3A_132 = arith.constant 0 : i32
      %dma_wait3A_133 = arith.constant 0 : i32
      %dma_wait3A_134 = tpu.memref_slice %arg3[%add3A, %dma_wait3A_132, %dma_wait3A_133] : memref<32x79x128xi32, #tpu.memory_space<hbm>> -> memref<1x79x128xi32, #tpu.memory_space<hbm>>
      %dma_wait3A_135 = tpu.memref_squeeze %dma_wait3A_134 : memref<1x79x128xi32, #tpu.memory_space<hbm>> -> memref<79x128xi32, #tpu.memory_space<hbm>>
      %dma_wait3A_136 = arith.constant 0 : i32
      %dma_wait3A_137 = tpu.memref_slice %dma_wait3A_135[%add3A_124, %dma_wait3A_136] : memref<79x128xi32, #tpu.memory_space<hbm>> -> memref<1x128xi32, #tpu.memory_space<hbm>>
      %dma_wait3A_138 = tpu.memref_squeeze %dma_wait3A_137 : memref<1x128xi32, #tpu.memory_space<hbm>> -> memref<128xi32, #tpu.memory_space<hbm>>
      tpu.wait_dma2 semaphore(%arg15 : memref<!tpu.dma_semaphore, #tpu.memory_space<semaphore_mem>>) src(%dma_wait3A_138 : memref<128xi32, #tpu.memory_space<hbm>>) dst(%arg9 : memref<128xi32, #tpu.memory_space<vmem>>)
      %dma_start3A_139 = arith.constant 0 : i32
      %dma_start3A_140 = arith.constant 0 : i32
      %dma_start3A_141 = tpu.memref_slice %arg2[%dma_start3A_139, %dma_start3A_140] : memref<10240x128xf32, #tpu.memory_space<hbm>> -> memref<10240x128xf32, #tpu.memory_space<hbm>>
      tpu.enqueue_indirect_dma source(%dma_start3A_141 : memref<10240x128xf32, #tpu.memory_space<hbm>>) target(%arg7 : memref<128x128xf32, #tpu.memory_space<vmem>>) offsets(%arg9 : memref<128xi32, #tpu.memory_space<vmem>>) semaphore(%arg13 : memref<!tpu.dma_semaphore, #tpu.memory_space<semaphore_mem>>)
      %add3A_142 = arith.constant 2 : i32
      %add3A_143 = arith.addi %mul3A_119, %add3A_142 : i32
      %dma_start3A_144 = arith.constant 0 : i32
      %dma_start3A_145 = arith.constant 0 : i32
      %dma_start3A_146 = tpu.memref_slice %arg3[%add3A, %dma_start3A_144, %dma_start3A_145] : memref<32x79x128xi32, #tpu.memory_space<hbm>> -> memref<1x79x128xi32, #tpu.memory_space<hbm>>
      %dma_start3A_147 = tpu.memref_squeeze %dma_start3A_146 : memref<1x79x128xi32, #tpu.memory_space<hbm>> -> memref<79x128xi32, #tpu.memory_space<hbm>>
      %dma_start3A_148 = arith.constant 0 : i32
      %dma_start3A_149 = tpu.memref_slice %dma_start3A_147[%add3A_143, %dma_start3A_148] : memref<79x128xi32, #tpu.memory_space<hbm>> -> memref<1x128xi32, #tpu.memory_space<hbm>>
      %dma_start3A_150 = tpu.memref_squeeze %dma_start3A_149 : memref<1x128xi32, #tpu.memory_space<hbm>> -> memref<128xi32, #tpu.memory_space<hbm>>
      %dma_start3A_151 = arith.constant 0 : i32
      %dma_start3A_152 = arith.constant 0 : i32
      %dma_start3A_153 = tpu.memref_slice %arg3[%add3A, %dma_start3A_151, %dma_start3A_152] : memref<32x79x128xi32, #tpu.memory_space<hbm>> -> memref<1x79x128xi32, #tpu.memory_space<hbm>>
      %dma_start3A_154 = tpu.memref_squeeze %dma_start3A_153 : memref<1x79x128xi32, #tpu.memory_space<hbm>> -> memref<79x128xi32, #tpu.memory_space<hbm>>
      %dma_start3A_155 = arith.constant 0 : i32
      %dma_start3A_156 = tpu.memref_slice %dma_start3A_154[%add3A_143, %dma_start3A_155] : memref<79x128xi32, #tpu.memory_space<hbm>> -> memref<1x128xi32, #tpu.memory_space<hbm>>
      %dma_start3A_157 = tpu.memref_squeeze %dma_start3A_156 : memref<1x128xi32, #tpu.memory_space<hbm>> -> memref<128xi32, #tpu.memory_space<hbm>>
      tpu.enqueue_dma source(%dma_start3A_157 : memref<128xi32, #tpu.memory_space<hbm>>) target(%arg8 : memref<128xi32, #tpu.memory_space<vmem>>) target_semaphore(%arg14 : memref<!tpu.dma_semaphore, #tpu.memory_space<semaphore_mem>>)
      "tpu.region"() ({
        %run_scoped3A_186 = tpu.sem_alloc : memref<!tpu.dma_semaphore, #tpu.memory_space<semaphore_mem>>
        %dma_start3A_187 = arith.constant 0 : i32
        %dma_start3A_188 = tpu.memref_slice %arg10[%mul3A_119, %dma_start3A_187] : memref<79x128xi32, #tpu.memory_space<vmem>> -> memref<1x128xi32, #tpu.memory_space<vmem>>
        %dma_start3A_189 = tpu.memref_squeeze %dma_start3A_188 : memref<1x128xi32, #tpu.memory_space<vmem>> -> memref<128xi32, #tpu.memory_space<vmem>>
        %dma_start3A_190 = arith.constant 0 : i32
        %dma_start3A_191 = arith.constant 0 : i32
        %dma_start3A_192 = tpu.memref_slice %arg11[%dma_start3A_190, %dma_start3A_191] : memref<10240x128xf32, #tpu.memory_space<vmem_shared>> -> memref<10240x128xf32, #tpu.memory_space<vmem_shared>>
        tpu.enqueue_indirect_dma source(%arg6 : memref<128x128xf32, #tpu.memory_space<vmem>>) target(%dma_start3A_192 : memref<10240x128xf32, #tpu.memory_space<vmem_shared>>) offsets(%dma_start3A_189 : memref<128xi32, #tpu.memory_space<vmem>>) semaphore(%run_scoped3A_186 : memref<!tpu.dma_semaphore, #tpu.memory_space<semaphore_mem>>) {add = true}
        %dma_wait3A_193 = arith.constant 0 : i32
        %dma_wait3A_194 = tpu.memref_slice %arg10[%mul3A_119, %dma_wait3A_193] : memref<79x128xi32, #tpu.memory_space<vmem>> -> memref<1x128xi32, #tpu.memory_space<vmem>>
        %dma_wait3A_195 = tpu.memref_squeeze %dma_wait3A_194 : memref<1x128xi32, #tpu.memory_space<vmem>> -> memref<128xi32, #tpu.memory_space<vmem>>
        %dma_wait3A_196 = arith.constant 0 : i32
        %dma_wait3A_197 = arith.constant 0 : i32
        %dma_wait3A_198 = tpu.memref_slice %arg11[%dma_wait3A_196, %dma_wait3A_197] : memref<10240x128xf32, #tpu.memory_space<vmem_shared>> -> memref<10240x128xf32, #tpu.memory_space<vmem_shared>>
        tpu.wait_indirect_dma semaphore(%run_scoped3A_186 : memref<!tpu.dma_semaphore, #tpu.memory_space<semaphore_mem>>) src(%arg6 : memref<128x128xf32, #tpu.memory_space<vmem>>) dst(%dma_wait3A_198 : memref<10240x128xf32, #tpu.memory_space<vmem_shared>>)
        tpu.yield
      }) : () -> ()
      %dma_wait3A_158 = arith.constant 0 : i32
      %dma_wait3A_159 = arith.constant 0 : i32
      %dma_wait3A_160 = tpu.memref_slice %arg2[%dma_wait3A_158, %dma_wait3A_159] : memref<10240x128xf32, #tpu.memory_space<hbm>> -> memref<10240x128xf32, #tpu.memory_space<hbm>>
      tpu.wait_indirect_dma semaphore(%arg13 : memref<!tpu.dma_semaphore, #tpu.memory_space<semaphore_mem>>) src(%dma_wait3A_160 : memref<10240x128xf32, #tpu.memory_space<hbm>>) dst(%arg7 : memref<128x128xf32, #tpu.memory_space<vmem>>)
      %add3A_161 = arith.constant 2 : i32
      %add3A_162 = arith.addi %mul3A_119, %add3A_161 : i32
      %dma_wait3A_163 = arith.constant 0 : i32
      %dma_wait3A_164 = arith.constant 0 : i32
      %dma_wait3A_165 = tpu.memref_slice %arg3[%add3A, %dma_wait3A_163, %dma_wait3A_164] : memref<32x79x128xi32, #tpu.memory_space<hbm>> -> memref<1x79x128xi32, #tpu.memory_space<hbm>>
      %dma_wait3A_166 = tpu.memref_squeeze %dma_wait3A_165 : memref<1x79x128xi32, #tpu.memory_space<hbm>> -> memref<79x128xi32, #tpu.memory_space<hbm>>
      %dma_wait3A_167 = arith.constant 0 : i32
      %dma_wait3A_168 = tpu.memref_slice %dma_wait3A_166[%add3A_162, %dma_wait3A_167] : memref<79x128xi32, #tpu.memory_space<hbm>> -> memref<1x128xi32, #tpu.memory_space<hbm>>
      %dma_wait3A_169 = tpu.memref_squeeze %dma_wait3A_168 : memref<1x128xi32, #tpu.memory_space<hbm>> -> memref<128xi32, #tpu.memory_space<hbm>>
      %dma_wait3A_170 = arith.constant 0 : i32
      %dma_wait3A_171 = arith.constant 0 : i32
      %dma_wait3A_172 = tpu.memref_slice %arg3[%add3A, %dma_wait3A_170, %dma_wait3A_171] : memref<32x79x128xi32, #tpu.memory_space<hbm>> -> memref<1x79x128xi32, #tpu.memory_space<hbm>>
      %dma_wait3A_173 = tpu.memref_squeeze %dma_wait3A_172 : memref<1x79x128xi32, #tpu.memory_space<hbm>> -> memref<79x128xi32, #tpu.memory_space<hbm>>
      %dma_wait3A_174 = arith.constant 0 : i32
      %dma_wait3A_175 = tpu.memref_slice %dma_wait3A_173[%add3A_162, %dma_wait3A_174] : memref<79x128xi32, #tpu.memory_space<hbm>> -> memref<1x128xi32, #tpu.memory_space<hbm>>
      %dma_wait3A_176 = tpu.memref_squeeze %dma_wait3A_175 : memref<1x128xi32, #tpu.memory_space<hbm>> -> memref<128xi32, #tpu.memory_space<hbm>>
      tpu.wait_dma2 semaphore(%arg14 : memref<!tpu.dma_semaphore, #tpu.memory_space<semaphore_mem>>) src(%dma_wait3A_176 : memref<128xi32, #tpu.memory_space<hbm>>) dst(%arg8 : memref<128xi32, #tpu.memory_space<vmem>>)
      %dma_start3A_177 = arith.constant 0 : i32
      %dma_start3A_178 = arith.constant 0 : i32
      %dma_start3A_179 = tpu.memref_slice %arg2[%dma_start3A_177, %dma_start3A_178] : memref<10240x128xf32, #tpu.memory_space<hbm>> -> memref<10240x128xf32, #tpu.memory_space<hbm>>
      tpu.enqueue_indirect_dma source(%dma_start3A_179 : memref<10240x128xf32, #tpu.memory_space<hbm>>) target(%arg6 : memref<128x128xf32, #tpu.memory_space<vmem>>) offsets(%arg8 : memref<128xi32, #tpu.memory_space<vmem>>) semaphore(%arg12 : memref<!tpu.dma_semaphore, #tpu.memory_space<semaphore_mem>>)
      %add3A_180 = arith.constant 3 : i32
      %add3A_181 = arith.addi %mul3A_119, %add3A_180 : i32
      %lt3A = arith.constant 79 : i32
      %lt3A_182 = arith.cmpi slt, %add3A_181, %lt3A : i32
      %convert_element_type3A = arith.extui %lt3A_182 : i1 to i32
      %cond3A = arith.constant 0 : i32
      %cond3A_183 = arith.cmpi ne, %convert_element_type3A, %cond3A : i32
      scf.if %cond3A_183 {
        %add3A_186 = arith.constant 3 : i32
        %add3A_187 = arith.addi %mul3A_119, %add3A_186 : i32
        %dma_start3A_188 = arith.constant 0 : i32
        %dma_start3A_189 = arith.constant 0 : i32
        %dma_start3A_190 = tpu.memref_slice %arg3[%add3A, %dma_start3A_188, %dma_start3A_189] : memref<32x79x128xi32, #tpu.memory_space<hbm>> -> memref<1x79x128xi32, #tpu.memory_space<hbm>>
        %dma_start3A_191 = tpu.memref_squeeze %dma_start3A_190 : memref<1x79x128xi32, #tpu.memory_space<hbm>> -> memref<79x128xi32, #tpu.memory_space<hbm>>
        %dma_start3A_192 = arith.constant 0 : i32
        %dma_start3A_193 = tpu.memref_slice %dma_start3A_191[%add3A_187, %dma_start3A_192] : memref<79x128xi32, #tpu.memory_space<hbm>> -> memref<1x128xi32, #tpu.memory_space<hbm>>
        %dma_start3A_194 = tpu.memref_squeeze %dma_start3A_193 : memref<1x128xi32, #tpu.memory_space<hbm>> -> memref<128xi32, #tpu.memory_space<hbm>>
        %dma_start3A_195 = arith.constant 0 : i32
        %dma_start3A_196 = arith.constant 0 : i32
        %dma_start3A_197 = tpu.memref_slice %arg3[%add3A, %dma_start3A_195, %dma_start3A_196] : memref<32x79x128xi32, #tpu.memory_space<hbm>> -> memref<1x79x128xi32, #tpu.memory_space<hbm>>
        %dma_start3A_198 = tpu.memref_squeeze %dma_start3A_197 : memref<1x79x128xi32, #tpu.memory_space<hbm>> -> memref<79x128xi32, #tpu.memory_space<hbm>>
        %dma_start3A_199 = arith.constant 0 : i32
        %dma_start3A_200 = tpu.memref_slice %dma_start3A_198[%add3A_187, %dma_start3A_199] : memref<79x128xi32, #tpu.memory_space<hbm>> -> memref<1x128xi32, #tpu.memory_space<hbm>>
        %dma_start3A_201 = tpu.memref_squeeze %dma_start3A_200 : memref<1x128xi32, #tpu.memory_space<hbm>> -> memref<128xi32, #tpu.memory_space<hbm>>
        tpu.enqueue_dma source(%dma_start3A_201 : memref<128xi32, #tpu.memory_space<hbm>>) target(%arg9 : memref<128xi32, #tpu.memory_space<vmem>>) target_semaphore(%arg15 : memref<!tpu.dma_semaphore, #tpu.memory_space<semaphore_mem>>)
      } else {
      }
      %add3A_184 = arith.constant 1 : i32
      %add3A_185 = arith.addi %mul3A_119, %add3A_184 : i32
      "tpu.region"() ({
        %run_scoped3A_186 = tpu.sem_alloc : memref<!tpu.dma_semaphore, #tpu.memory_space<semaphore_mem>>
        %dma_start3A_187 = arith.constant 0 : i32
        %dma_start3A_188 = tpu.memref_slice %arg10[%add3A_185, %dma_start3A_187] : memref<79x128xi32, #tpu.memory_space<vmem>> -> memref<1x128xi32, #tpu.memory_space<vmem>>
        %dma_start3A_189 = tpu.memref_squeeze %dma_start3A_188 : memref<1x128xi32, #tpu.memory_space<vmem>> -> memref<128xi32, #tpu.memory_space<vmem>>
        %dma_start3A_190 = arith.constant 0 : i32
        %dma_start3A_191 = arith.constant 0 : i32
        %dma_start3A_192 = tpu.memref_slice %arg11[%dma_start3A_190, %dma_start3A_191] : memref<10240x128xf32, #tpu.memory_space<vmem_shared>> -> memref<10240x128xf32, #tpu.memory_space<vmem_shared>>
        tpu.enqueue_indirect_dma source(%arg7 : memref<128x128xf32, #tpu.memory_space<vmem>>) target(%dma_start3A_192 : memref<10240x128xf32, #tpu.memory_space<vmem_shared>>) offsets(%dma_start3A_189 : memref<128xi32, #tpu.memory_space<vmem>>) semaphore(%run_scoped3A_186 : memref<!tpu.dma_semaphore, #tpu.memory_space<semaphore_mem>>) {add = true}
        %dma_wait3A_193 = arith.constant 0 : i32
        %dma_wait3A_194 = tpu.memref_slice %arg10[%add3A_185, %dma_wait3A_193] : memref<79x128xi32, #tpu.memory_space<vmem>> -> memref<1x128xi32, #tpu.memory_space<vmem>>
        %dma_wait3A_195 = tpu.memref_squeeze %dma_wait3A_194 : memref<1x128xi32, #tpu.memory_space<vmem>> -> memref<128xi32, #tpu.memory_space<vmem>>
        %dma_wait3A_196 = arith.constant 0 : i32
        %dma_wait3A_197 = arith.constant 0 : i32
        %dma_wait3A_198 = tpu.memref_slice %arg11[%dma_wait3A_196, %dma_wait3A_197] : memref<10240x128xf32, #tpu.memory_space<vmem_shared>> -> memref<10240x128xf32, #tpu.memory_space<vmem_shared>>
        tpu.wait_indirect_dma semaphore(%run_scoped3A_186 : memref<!tpu.dma_semaphore, #tpu.memory_space<semaphore_mem>>) src(%arg7 : memref<128x128xf32, #tpu.memory_space<vmem>>) dst(%dma_wait3A_198 : memref<10240x128xf32, #tpu.memory_space<vmem_shared>>)
        tpu.yield
      }) : () -> ()
    }
    %scan3A_38 = arith.constant 39 : i32
    %dma_wait3A = arith.constant 0 : i32
    %dma_wait3A_39 = arith.constant 0 : i32
    %dma_wait3A_40 = tpu.memref_slice %arg2[%dma_wait3A, %dma_wait3A_39] : memref<10240x128xf32, #tpu.memory_space<hbm>> -> memref<10240x128xf32, #tpu.memory_space<hbm>>
    tpu.wait_indirect_dma semaphore(%arg12 : memref<!tpu.dma_semaphore, #tpu.memory_space<semaphore_mem>>) src(%dma_wait3A_40 : memref<10240x128xf32, #tpu.memory_space<hbm>>) dst(%arg6 : memref<128x128xf32, #tpu.memory_space<vmem>>)
    %run_scoped3A_41 = arith.constant 78 : i32
    "tpu.region"() ({
      %run_scoped3A_113 = tpu.sem_alloc : memref<!tpu.dma_semaphore, #tpu.memory_space<semaphore_mem>>
      %dma_start3A_114 = arith.constant 0 : i32
      %dma_start3A_115 = tpu.memref_slice %arg10[%run_scoped3A_41, %dma_start3A_114] : memref<79x128xi32, #tpu.memory_space<vmem>> -> memref<1x128xi32, #tpu.memory_space<vmem>>
      %dma_start3A_116 = tpu.memref_squeeze %dma_start3A_115 : memref<1x128xi32, #tpu.memory_space<vmem>> -> memref<128xi32, #tpu.memory_space<vmem>>
      %dma_start3A_117 = arith.constant 0 : i32
      %dma_start3A_118 = arith.constant 0 : i32
      %dma_start3A_119 = tpu.memref_slice %arg11[%dma_start3A_117, %dma_start3A_118] : memref<10240x128xf32, #tpu.memory_space<vmem_shared>> -> memref<10240x128xf32, #tpu.memory_space<vmem_shared>>
      tpu.enqueue_indirect_dma source(%arg6 : memref<128x128xf32, #tpu.memory_space<vmem>>) target(%dma_start3A_119 : memref<10240x128xf32, #tpu.memory_space<vmem_shared>>) offsets(%dma_start3A_116 : memref<128xi32, #tpu.memory_space<vmem>>) semaphore(%run_scoped3A_113 : memref<!tpu.dma_semaphore, #tpu.memory_space<semaphore_mem>>) {add = true}
      %dma_wait3A_120 = arith.constant 0 : i32
      %dma_wait3A_121 = tpu.memref_slice %arg10[%run_scoped3A_41, %dma_wait3A_120] : memref<79x128xi32, #tpu.memory_space<vmem>> -> memref<1x128xi32, #tpu.memory_space<vmem>>
      %dma_wait3A_122 = tpu.memref_squeeze %dma_wait3A_121 : memref<1x128xi32, #tpu.memory_space<vmem>> -> memref<128xi32, #tpu.memory_space<vmem>>
      %dma_wait3A_123 = arith.constant 0 : i32
      %dma_wait3A_124 = arith.constant 0 : i32
      %dma_wait3A_125 = tpu.memref_slice %arg11[%dma_wait3A_123, %dma_wait3A_124] : memref<10240x128xf32, #tpu.memory_space<vmem_shared>> -> memref<10240x128xf32, #tpu.memory_space<vmem_shared>>
      tpu.wait_indirect_dma semaphore(%run_scoped3A_113 : memref<!tpu.dma_semaphore, #tpu.memory_space<semaphore_mem>>) src(%arg6 : memref<128x128xf32, #tpu.memory_space<vmem>>) dst(%dma_wait3A_125 : memref<10240x128xf32, #tpu.memory_space<vmem_shared>>)
      tpu.yield
    }) : () -> ()
    %barrier3A_42 = arith.constant 0 : index
    tpu.barrier barrier_id(%barrier3A_42)
    %add3A_43 = arith.constant 0 : i32
    %add3A_44 = arith.addi %mul3A_6, %add3A_43 : i32
    %dma_start3A_45 = arith.constant 0 : i32
    %dma_start3A_46 = tpu.memref_slice %arg11[%add3A_44, %dma_start3A_45] : memref<10240x128xf32, #tpu.memory_space<vmem_shared>> -> memref<128x128xf32, #tpu.memory_space<vmem_shared>>
    %dma_start3A_47 = arith.constant 0 : i32
    %dma_start3A_48 = tpu.memref_slice %arg11[%add3A_44, %dma_start3A_47] : memref<10240x128xf32, #tpu.memory_space<vmem_shared>> -> memref<128x128xf32, #tpu.memory_space<vmem_shared>>
    tpu.enqueue_dma source(%dma_start3A_48 : memref<128x128xf32, #tpu.memory_space<vmem_shared>>) target(%arg6 : memref<128x128xf32, #tpu.memory_space<vmem>>) target_semaphore(%arg12 : memref<!tpu.dma_semaphore, #tpu.memory_space<semaphore_mem>>)
    %add3A_49 = arith.constant 0 : i32
    %add3A_50 = arith.addi %mul3A_6, %add3A_49 : i32
    %dma_wait3A_51 = arith.constant 0 : i32
    %dma_wait3A_52 = tpu.memref_slice %arg11[%add3A_50, %dma_wait3A_51] : memref<10240x128xf32, #tpu.memory_space<vmem_shared>> -> memref<128x128xf32, #tpu.memory_space<vmem_shared>>
    %dma_wait3A_53 = arith.constant 0 : i32
    %dma_wait3A_54 = tpu.memref_slice %arg11[%add3A_50, %dma_wait3A_53] : memref<10240x128xf32, #tpu.memory_space<vmem_shared>> -> memref<128x128xf32, #tpu.memory_space<vmem_shared>>
    tpu.wait_dma2 semaphore(%arg12 : memref<!tpu.dma_semaphore, #tpu.memory_space<semaphore_mem>>) src(%dma_wait3A_54 : memref<128x128xf32, #tpu.memory_space<vmem_shared>>) dst(%arg6 : memref<128x128xf32, #tpu.memory_space<vmem>>)
    %add3A_55 = arith.constant 128 : i32
    %add3A_56 = arith.addi %mul3A_6, %add3A_55 : i32
    %dma_start3A_57 = arith.constant 0 : i32
    %dma_start3A_58 = tpu.memref_slice %arg11[%add3A_56, %dma_start3A_57] : memref<10240x128xf32, #tpu.memory_space<vmem_shared>> -> memref<128x128xf32, #tpu.memory_space<vmem_shared>>
    %dma_start3A_59 = arith.constant 0 : i32
    %dma_start3A_60 = tpu.memref_slice %arg11[%add3A_56, %dma_start3A_59] : memref<10240x128xf32, #tpu.memory_space<vmem_shared>> -> memref<128x128xf32, #tpu.memory_space<vmem_shared>>
    tpu.enqueue_dma source(%dma_start3A_60 : memref<128x128xf32, #tpu.memory_space<vmem_shared>>) target(%arg7 : memref<128x128xf32, #tpu.memory_space<vmem>>) target_semaphore(%arg13 : memref<!tpu.dma_semaphore, #tpu.memory_space<semaphore_mem>>)
    %add3A_61 = arith.constant 0 : i32
    %add3A_62 = arith.addi %mul3A_6, %add3A_61 : i32
    "tpu.region"() ({
      %run_scoped3A_113 = tpu.sem_alloc : memref<!tpu.dma_semaphore, #tpu.memory_space<semaphore_mem>>
      %dma_start3A_114 = arith.constant 0 : i32
      %dma_start3A_115 = tpu.memref_slice %arg5[%arg0, %add3A_62, %dma_start3A_114] : memref<2x10240x128xf32, #tpu.memory_space<hbm>> -> memref<1x128x128xf32, #tpu.memory_space<hbm>>
      %dma_start3A_116 = tpu.memref_squeeze %dma_start3A_115 : memref<1x128x128xf32, #tpu.memory_space<hbm>> -> memref<128x128xf32, #tpu.memory_space<hbm>>
      %dma_start3A_117 = arith.constant 0 : i32
      %dma_start3A_118 = tpu.memref_slice %arg5[%arg0, %add3A_62, %dma_start3A_117] : memref<2x10240x128xf32, #tpu.memory_space<hbm>> -> memref<1x128x128xf32, #tpu.memory_space<hbm>>
      %dma_start3A_119 = tpu.memref_squeeze %dma_start3A_118 : memref<1x128x128xf32, #tpu.memory_space<hbm>> -> memref<128x128xf32, #tpu.memory_space<hbm>>
      tpu.enqueue_dma source(%arg6 : memref<128x128xf32, #tpu.memory_space<vmem>>) target(%dma_start3A_119 : memref<128x128xf32, #tpu.memory_space<hbm>>) target_semaphore(%run_scoped3A_113 : memref<!tpu.dma_semaphore, #tpu.memory_space<semaphore_mem>>)
      %dma_wait3A_120 = arith.constant 0 : i32
      %dma_wait3A_121 = tpu.memref_slice %arg5[%arg0, %add3A_62, %dma_wait3A_120] : memref<2x10240x128xf32, #tpu.memory_space<hbm>> -> memref<1x128x128xf32, #tpu.memory_space<hbm>>
      %dma_wait3A_122 = tpu.memref_squeeze %dma_wait3A_121 : memref<1x128x128xf32, #tpu.memory_space<hbm>> -> memref<128x128xf32, #tpu.memory_space<hbm>>
      %dma_wait3A_123 = arith.constant 0 : i32
      %dma_wait3A_124 = tpu.memref_slice %arg5[%arg0, %add3A_62, %dma_wait3A_123] : memref<2x10240x128xf32, #tpu.memory_space<hbm>> -> memref<1x128x128xf32, #tpu.memory_space<hbm>>
      %dma_wait3A_125 = tpu.memref_squeeze %dma_wait3A_124 : memref<1x128x128xf32, #tpu.memory_space<hbm>> -> memref<128x128xf32, #tpu.memory_space<hbm>>
      tpu.wait_dma2 semaphore(%run_scoped3A_113 : memref<!tpu.dma_semaphore, #tpu.memory_space<semaphore_mem>>) src(%arg6 : memref<128x128xf32, #tpu.memory_space<vmem>>) dst(%dma_wait3A_125 : memref<128x128xf32, #tpu.memory_space<hbm>>)
      tpu.yield
    }) : () -> ()
    %add3A_63 = arith.constant 128 : i32
    %add3A_64 = arith.addi %mul3A_6, %add3A_63 : i32
    %dma_wait3A_65 = arith.constant 0 : i32
    %dma_wait3A_66 = tpu.memref_slice %arg11[%add3A_64, %dma_wait3A_65] : memref<10240x128xf32, #tpu.memory_space<vmem_shared>> -> memref<128x128xf32, #tpu.memory_space<vmem_shared>>
    %dma_wait3A_67 = arith.constant 0 : i32
    %dma_wait3A_68 = tpu.memref_slice %arg11[%add3A_64, %dma_wait3A_67] : memref<10240x128xf32, #tpu.memory_space<vmem_shared>> -> memref<128x128xf32, #tpu.memory_space<vmem_shared>>
    tpu.wait_dma2 semaphore(%arg13 : memref<!tpu.dma_semaphore, #tpu.memory_space<semaphore_mem>>) src(%dma_wait3A_68 : memref<128x128xf32, #tpu.memory_space<vmem_shared>>) dst(%arg7 : memref<128x128xf32, #tpu.memory_space<vmem>>)
    %add3A_69 = arith.constant 256 : i32
    %add3A_70 = arith.addi %mul3A_6, %add3A_69 : i32
    %dma_start3A_71 = arith.constant 0 : i32
    %dma_start3A_72 = tpu.memref_slice %arg11[%add3A_70, %dma_start3A_71] : memref<10240x128xf32, #tpu.memory_space<vmem_shared>> -> memref<128x128xf32, #tpu.memory_space<vmem_shared>>
    %dma_start3A_73 = arith.constant 0 : i32
    %dma_start3A_74 = tpu.memref_slice %arg11[%add3A_70, %dma_start3A_73] : memref<10240x128xf32, #tpu.memory_space<vmem_shared>> -> memref<128x128xf32, #tpu.memory_space<vmem_shared>>
    tpu.enqueue_dma source(%dma_start3A_74 : memref<128x128xf32, #tpu.memory_space<vmem_shared>>) target(%arg6 : memref<128x128xf32, #tpu.memory_space<vmem>>) target_semaphore(%arg12 : memref<!tpu.dma_semaphore, #tpu.memory_space<semaphore_mem>>)
    %add3A_75 = arith.constant 128 : i32
    %add3A_76 = arith.addi %mul3A_6, %add3A_75 : i32
    "tpu.region"() ({
      %run_scoped3A_113 = tpu.sem_alloc : memref<!tpu.dma_semaphore, #tpu.memory_space<semaphore_mem>>
      %dma_start3A_114 = arith.constant 0 : i32
      %dma_start3A_115 = tpu.memref_slice %arg5[%arg0, %add3A_76, %dma_start3A_114] : memref<2x10240x128xf32, #tpu.memory_space<hbm>> -> memref<1x128x128xf32, #tpu.memory_space<hbm>>
      %dma_start3A_116 = tpu.memref_squeeze %dma_start3A_115 : memref<1x128x128xf32, #tpu.memory_space<hbm>> -> memref<128x128xf32, #tpu.memory_space<hbm>>
      %dma_start3A_117 = arith.constant 0 : i32
      %dma_start3A_118 = tpu.memref_slice %arg5[%arg0, %add3A_76, %dma_start3A_117] : memref<2x10240x128xf32, #tpu.memory_space<hbm>> -> memref<1x128x128xf32, #tpu.memory_space<hbm>>
      %dma_start3A_119 = tpu.memref_squeeze %dma_start3A_118 : memref<1x128x128xf32, #tpu.memory_space<hbm>> -> memref<128x128xf32, #tpu.memory_space<hbm>>
      tpu.enqueue_dma source(%arg7 : memref<128x128xf32, #tpu.memory_space<vmem>>) target(%dma_start3A_119 : memref<128x128xf32, #tpu.memory_space<hbm>>) target_semaphore(%run_scoped3A_113 : memref<!tpu.dma_semaphore, #tpu.memory_space<semaphore_mem>>)
      %dma_wait3A_120 = arith.constant 0 : i32
      %dma_wait3A_121 = tpu.memref_slice %arg5[%arg0, %add3A_76, %dma_wait3A_120] : memref<2x10240x128xf32, #tpu.memory_space<hbm>> -> memref<1x128x128xf32, #tpu.memory_space<hbm>>
      %dma_wait3A_122 = tpu.memref_squeeze %dma_wait3A_121 : memref<1x128x128xf32, #tpu.memory_space<hbm>> -> memref<128x128xf32, #tpu.memory_space<hbm>>
      %dma_wait3A_123 = arith.constant 0 : i32
      %dma_wait3A_124 = tpu.memref_slice %arg5[%arg0, %add3A_76, %dma_wait3A_123] : memref<2x10240x128xf32, #tpu.memory_space<hbm>> -> memref<1x128x128xf32, #tpu.memory_space<hbm>>
      %dma_wait3A_125 = tpu.memref_squeeze %dma_wait3A_124 : memref<1x128x128xf32, #tpu.memory_space<hbm>> -> memref<128x128xf32, #tpu.memory_space<hbm>>
      tpu.wait_dma2 semaphore(%run_scoped3A_113 : memref<!tpu.dma_semaphore, #tpu.memory_space<semaphore_mem>>) src(%arg7 : memref<128x128xf32, #tpu.memory_space<vmem>>) dst(%dma_wait3A_125 : memref<128x128xf32, #tpu.memory_space<hbm>>)
      tpu.yield
    }) : () -> ()
    %add3A_77 = arith.constant 256 : i32
    %add3A_78 = arith.addi %mul3A_6, %add3A_77 : i32
    %dma_wait3A_79 = arith.constant 0 : i32
    %dma_wait3A_80 = tpu.memref_slice %arg11[%add3A_78, %dma_wait3A_79] : memref<10240x128xf32, #tpu.memory_space<vmem_shared>> -> memref<128x128xf32, #tpu.memory_space<vmem_shared>>
    %dma_wait3A_81 = arith.constant 0 : i32
    %dma_wait3A_82 = tpu.memref_slice %arg11[%add3A_78, %dma_wait3A_81] : memref<10240x128xf32, #tpu.memory_space<vmem_shared>> -> memref<128x128xf32, #tpu.memory_space<vmem_shared>>
    tpu.wait_dma2 semaphore(%arg12 : memref<!tpu.dma_semaphore, #tpu.memory_space<semaphore_mem>>) src(%dma_wait3A_82 : memref<128x128xf32, #tpu.memory_space<vmem_shared>>) dst(%arg6 : memref<128x128xf32, #tpu.memory_space<vmem>>)
    %add3A_83 = arith.constant 384 : i32
    %add3A_84 = arith.addi %mul3A_6, %add3A_83 : i32
    %dma_start3A_85 = arith.constant 0 : i32
    %dma_start3A_86 = tpu.memref_slice %arg11[%add3A_84, %dma_start3A_85] : memref<10240x128xf32, #tpu.memory_space<vmem_shared>> -> memref<128x128xf32, #tpu.memory_space<vmem_shared>>
    %dma_start3A_87 = arith.constant 0 : i32
    %dma_start3A_88 = tpu.memref_slice %arg11[%add3A_84, %dma_start3A_87] : memref<10240x128xf32, #tpu.memory_space<vmem_shared>> -> memref<128x128xf32, #tpu.memory_space<vmem_shared>>
    tpu.enqueue_dma source(%dma_start3A_88 : memref<128x128xf32, #tpu.memory_space<vmem_shared>>) target(%arg7 : memref<128x128xf32, #tpu.memory_space<vmem>>) target_semaphore(%arg13 : memref<!tpu.dma_semaphore, #tpu.memory_space<semaphore_mem>>)
    %add3A_89 = arith.constant 256 : i32
    %add3A_90 = arith.addi %mul3A_6, %add3A_89 : i32
    "tpu.region"() ({
      %run_scoped3A_113 = tpu.sem_alloc : memref<!tpu.dma_semaphore, #tpu.memory_space<semaphore_mem>>
      %dma_start3A_114 = arith.constant 0 : i32
      %dma_start3A_115 = tpu.memref_slice %arg5[%arg0, %add3A_90, %dma_start3A_114] : memref<2x10240x128xf32, #tpu.memory_space<hbm>> -> memref<1x128x128xf32, #tpu.memory_space<hbm>>
      %dma_start3A_116 = tpu.memref_squeeze %dma_start3A_115 : memref<1x128x128xf32, #tpu.memory_space<hbm>> -> memref<128x128xf32, #tpu.memory_space<hbm>>
      %dma_start3A_117 = arith.constant 0 : i32
      %dma_start3A_118 = tpu.memref_slice %arg5[%arg0, %add3A_90, %dma_start3A_117] : memref<2x10240x128xf32, #tpu.memory_space<hbm>> -> memref<1x128x128xf32, #tpu.memory_space<hbm>>
      %dma_start3A_119 = tpu.memref_squeeze %dma_start3A_118 : memref<1x128x128xf32, #tpu.memory_space<hbm>> -> memref<128x128xf32, #tpu.memory_space<hbm>>
      tpu.enqueue_dma source(%arg6 : memref<128x128xf32, #tpu.memory_space<vmem>>) target(%dma_start3A_119 : memref<128x128xf32, #tpu.memory_space<hbm>>) target_semaphore(%run_scoped3A_113 : memref<!tpu.dma_semaphore, #tpu.memory_space<semaphore_mem>>)
      %dma_wait3A_120 = arith.constant 0 : i32
      %dma_wait3A_121 = tpu.memref_slice %arg5[%arg0, %add3A_90, %dma_wait3A_120] : memref<2x10240x128xf32, #tpu.memory_space<hbm>> -> memref<1x128x128xf32, #tpu.memory_space<hbm>>
      %dma_wait3A_122 = tpu.memref_squeeze %dma_wait3A_121 : memref<1x128x128xf32, #tpu.memory_space<hbm>> -> memref<128x128xf32, #tpu.memory_space<hbm>>
      %dma_wait3A_123 = arith.constant 0 : i32
      %dma_wait3A_124 = tpu.memref_slice %arg5[%arg0, %add3A_90, %dma_wait3A_123] : memref<2x10240x128xf32, #tpu.memory_space<hbm>> -> memref<1x128x128xf32, #tpu.memory_space<hbm>>
      %dma_wait3A_125 = tpu.memref_squeeze %dma_wait3A_124 : memref<1x128x128xf32, #tpu.memory_space<hbm>> -> memref<128x128xf32, #tpu.memory_space<hbm>>
      tpu.wait_dma2 semaphore(%run_scoped3A_113 : memref<!tpu.dma_semaphore, #tpu.memory_space<semaphore_mem>>) src(%arg6 : memref<128x128xf32, #tpu.memory_space<vmem>>) dst(%dma_wait3A_125 : memref<128x128xf32, #tpu.memory_space<hbm>>)
      tpu.yield
    }) : () -> ()
    %add3A_91 = arith.constant 384 : i32
    %add3A_92 = arith.addi %mul3A_6, %add3A_91 : i32
    %dma_wait3A_93 = arith.constant 0 : i32
    %dma_wait3A_94 = tpu.memref_slice %arg11[%add3A_92, %dma_wait3A_93] : memref<10240x128xf32, #tpu.memory_space<vmem_shared>> -> memref<128x128xf32, #tpu.memory_space<vmem_shared>>
    %dma_wait3A_95 = arith.constant 0 : i32
    %dma_wait3A_96 = tpu.memref_slice %arg11[%add3A_92, %dma_wait3A_95] : memref<10240x128xf32, #tpu.memory_space<vmem_shared>> -> memref<128x128xf32, #tpu.memory_space<vmem_shared>>
    tpu.wait_dma2 semaphore(%arg13 : memref<!tpu.dma_semaphore, #tpu.memory_space<semaphore_mem>>) src(%dma_wait3A_96 : memref<128x128xf32, #tpu.memory_space<vmem_shared>>) dst(%arg7 : memref<128x128xf32, #tpu.memory_space<vmem>>)
    %add3A_97 = arith.constant 512 : i32
    %add3A_98 = arith.addi %mul3A_6, %add3A_97 : i32
    %dma_start3A_99 = arith.constant 0 : i32
    %dma_start3A_100 = tpu.memref_slice %arg11[%add3A_98, %dma_start3A_99] : memref<10240x128xf32, #tpu.memory_space<vmem_shared>> -> memref<128x128xf32, #tpu.memory_space<vmem_shared>>
    %dma_start3A_101 = arith.constant 0 : i32
    %dma_start3A_102 = tpu.memref_slice %arg11[%add3A_98, %dma_start3A_101] : memref<10240x128xf32, #tpu.memory_space<vmem_shared>> -> memref<128x128xf32, #tpu.memory_space<vmem_shared>>
    tpu.enqueue_dma source(%dma_start3A_102 : memref<128x128xf32, #tpu.memory_space<vmem_shared>>) target(%arg6 : memref<128x128xf32, #tpu.memory_space<vmem>>) target_semaphore(%arg12 : memref<!tpu.dma_semaphore, #tpu.memory_space<semaphore_mem>>)
    %add3A_103 = arith.constant 384 : i32
    %add3A_104 = arith.addi %mul3A_6, %add3A_103 : i32
    "tpu.region"() ({
      %run_scoped3A_113 = tpu.sem_alloc : memref<!tpu.dma_semaphore, #tpu.memory_space<semaphore_mem>>
      %dma_start3A_114 = arith.constant 0 : i32
      %dma_start3A_115 = tpu.memref_slice %arg5[%arg0, %add3A_104, %dma_start3A_114] : memref<2x10240x128xf32, #tpu.memory_space<hbm>> -> memref<1x128x128xf32, #tpu.memory_space<hbm>>
      %dma_start3A_116 = tpu.memref_squeeze %dma_start3A_115 : memref<1x128x128xf32, #tpu.memory_space<hbm>> -> memref<128x128xf32, #tpu.memory_space<hbm>>
      %dma_start3A_117 = arith.constant 0 : i32
      %dma_start3A_118 = tpu.memref_slice %arg5[%arg0, %add3A_104, %dma_start3A_117] : memref<2x10240x128xf32, #tpu.memory_space<hbm>> -> memref<1x128x128xf32, #tpu.memory_space<hbm>>
      %dma_start3A_119 = tpu.memref_squeeze %dma_start3A_118 : memref<1x128x128xf32, #tpu.memory_space<hbm>> -> memref<128x128xf32, #tpu.memory_space<hbm>>
      tpu.enqueue_dma source(%arg7 : memref<128x128xf32, #tpu.memory_space<vmem>>) target(%dma_start3A_119 : memref<128x128xf32, #tpu.memory_space<hbm>>) target_semaphore(%run_scoped3A_113 : memref<!tpu.dma_semaphore, #tpu.memory_space<semaphore_mem>>)
      %dma_wait3A_120 = arith.constant 0 : i32
      %dma_wait3A_121 = tpu.memref_slice %arg5[%arg0, %add3A_104, %dma_wait3A_120] : memref<2x10240x128xf32, #tpu.memory_space<hbm>> -> memref<1x128x128xf32, #tpu.memory_space<hbm>>
      %dma_wait3A_122 = tpu.memref_squeeze %dma_wait3A_121 : memref<1x128x128xf32, #tpu.memory_space<hbm>> -> memref<128x128xf32, #tpu.memory_space<hbm>>
      %dma_wait3A_123 = arith.constant 0 : i32
      %dma_wait3A_124 = tpu.memref_slice %arg5[%arg0, %add3A_104, %dma_wait3A_123] : memref<2x10240x128xf32, #tpu.memory_space<hbm>> -> memref<1x128x128xf32, #tpu.memory_space<hbm>>
      %dma_wait3A_125 = tpu.memref_squeeze %dma_wait3A_124 : memref<1x128x128xf32, #tpu.memory_space<hbm>> -> memref<128x128xf32, #tpu.memory_space<hbm>>
      tpu.wait_dma2 semaphore(%run_scoped3A_113 : memref<!tpu.dma_semaphore, #tpu.memory_space<semaphore_mem>>) src(%arg7 : memref<128x128xf32, #tpu.memory_space<vmem>>) dst(%dma_wait3A_125 : memref<128x128xf32, #tpu.memory_space<hbm>>)
      tpu.yield
    }) : () -> ()
    %add3A_105 = arith.constant 512 : i32
    %add3A_106 = arith.addi %mul3A_6, %add3A_105 : i32
    %dma_wait3A_107 = arith.constant 0 : i32
    %dma_wait3A_108 = tpu.memref_slice %arg11[%add3A_106, %dma_wait3A_107] : memref<10240x128xf32, #tpu.memory_space<vmem_shared>> -> memref<128x128xf32, #tpu.memory_space<vmem_shared>>
    %dma_wait3A_109 = arith.constant 0 : i32
    %dma_wait3A_110 = tpu.memref_slice %arg11[%add3A_106, %dma_wait3A_109] : memref<10240x128xf32, #tpu.memory_space<vmem_shared>> -> memref<128x128xf32, #tpu.memory_space<vmem_shared>>
    tpu.wait_dma2 semaphore(%arg12 : memref<!tpu.dma_semaphore, #tpu.memory_space<semaphore_mem>>) src(%dma_wait3A_110 : memref<128x128xf32, #tpu.memory_space<vmem_shared>>) dst(%arg6 : memref<128x128xf32, #tpu.memory_space<vmem>>)
    %add3A_111 = arith.constant 512 : i32
    %add3A_112 = arith.addi %mul3A_6, %add3A_111 : i32
    "tpu.region"() ({
      %run_scoped3A_113 = tpu.sem_alloc : memref<!tpu.dma_semaphore, #tpu.memory_space<semaphore_mem>>
      %dma_start3A_114 = arith.constant 0 : i32
      %dma_start3A_115 = tpu.memref_slice %arg5[%arg0, %add3A_112, %dma_start3A_114] : memref<2x10240x128xf32, #tpu.memory_space<hbm>> -> memref<1x128x128xf32, #tpu.memory_space<hbm>>
      %dma_start3A_116 = tpu.memref_squeeze %dma_start3A_115 : memref<1x128x128xf32, #tpu.memory_space<hbm>> -> memref<128x128xf32, #tpu.memory_space<hbm>>
      %dma_start3A_117 = arith.constant 0 : i32
      %dma_start3A_118 = tpu.memref_slice %arg5[%arg0, %add3A_112, %dma_start3A_117] : memref<2x10240x128xf32, #tpu.memory_space<hbm>> -> memref<1x128x128xf32, #tpu.memory_space<hbm>>
      %dma_start3A_119 = tpu.memref_squeeze %dma_start3A_118 : memref<1x128x128xf32, #tpu.memory_space<hbm>> -> memref<128x128xf32, #tpu.memory_space<hbm>>
      tpu.enqueue_dma source(%arg6 : memref<128x128xf32, #tpu.memory_space<vmem>>) target(%dma_start3A_119 : memref<128x128xf32, #tpu.memory_space<hbm>>) target_semaphore(%run_scoped3A_113 : memref<!tpu.dma_semaphore, #tpu.memory_space<semaphore_mem>>)
      %dma_wait3A_120 = arith.constant 0 : i32
      %dma_wait3A_121 = tpu.memref_slice %arg5[%arg0, %add3A_112, %dma_wait3A_120] : memref<2x10240x128xf32, #tpu.memory_space<hbm>> -> memref<1x128x128xf32, #tpu.memory_space<hbm>>
      %dma_wait3A_122 = tpu.memref_squeeze %dma_wait3A_121 : memref<1x128x128xf32, #tpu.memory_space<hbm>> -> memref<128x128xf32, #tpu.memory_space<hbm>>
      %dma_wait3A_123 = arith.constant 0 : i32
      %dma_wait3A_124 = tpu.memref_slice %arg5[%arg0, %add3A_112, %dma_wait3A_123] : memref<2x10240x128xf32, #tpu.memory_space<hbm>> -> memref<1x128x128xf32, #tpu.memory_space<hbm>>
      %dma_wait3A_125 = tpu.memref_squeeze %dma_wait3A_124 : memref<1x128x128xf32, #tpu.memory_space<hbm>> -> memref<128x128xf32, #tpu.memory_space<hbm>>
      tpu.wait_dma2 semaphore(%run_scoped3A_113 : memref<!tpu.dma_semaphore, #tpu.memory_space<semaphore_mem>>) src(%arg6 : memref<128x128xf32, #tpu.memory_space<vmem>>) dst(%dma_wait3A_125 : memref<128x128xf32, #tpu.memory_space<hbm>>)
      tpu.yield
    }) : () -> ()
    return
  }
}

#map = affine_map<(d0, d1) -> (0, 0)>
#map1 = affine_map<(d0, d1) -> (0, 0, 0)>
module attributes {stable_mosaic.version = 14 : i64} {
  func.func @msg_kernel(%arg0: i32, %arg1: i32, %arg2: memref<10240x128xf32, #tpu.memory_space<hbm>>, %arg3: memref<32x79x128xi32, #tpu.memory_space<hbm>>, %arg4: memref<32x79x128xi32, #tpu.memory_space<hbm>>, %arg5: memref<2x10240x128xf32, #tpu.memory_space<hbm>>, %arg6: memref<128x128xf32, #tpu.memory_space<vmem>>, %arg7: memref<128x128xf32, #tpu.memory_space<vmem>>, %arg8: memref<128xi32, #tpu.memory_space<vmem>>, %arg9: memref<128xi32, #tpu.memory_space<vmem>>, %arg10: memref<79x128xi32, #tpu.memory_space<vmem>>, %arg11: memref<10240x128xf32, #tpu.memory_space<vmem_shared>>, %arg12: memref<!tpu.dma_semaphore, #tpu.memory_space<semaphore_mem>>, %arg13: memref<!tpu.dma_semaphore, #tpu.memory_space<semaphore_mem>>, %arg14: memref<!tpu.dma_semaphore, #tpu.memory_space<semaphore_mem>>, %arg15: memref<!tpu.dma_semaphore, #tpu.memory_space<semaphore_mem>>) attributes {dimension_semantics = [#tpu.dimension_semantics<core_parallel>, #tpu.dimension_semantics<subcore_parallel>], iteration_bounds = array<i64: 2, 16>, scalar_prefetch = 0 : i64, scratch_operands = 10 : i64, tpu.core_type = #tpu.core_type<sc_vector_subcore>, window_params = [{transform_indices = #map}, {transform_indices = #map1}, {transform_indices = #map1}, {transform_indices = #map1}]} {
    %mul3A = arith.constant 16 : i32
    %mul3A_0 = arith.muli %arg0, %mul3A : i32
    %add3A = arith.addi %mul3A_0, %arg1 : i32
    "tpu.region"() ({
      %run_scoped3A_113 = tpu.sem_alloc : memref<!tpu.dma_semaphore, #tpu.memory_space<semaphore_mem>>
      %dma_start3A_114 = arith.constant 0 : i32
      %dma_start3A_115 = arith.constant 0 : i32
      %dma_start3A_116 = tpu.memref_slice %arg4[%add3A, %dma_start3A_114, %dma_start3A_115] : memref<32x79x128xi32, #tpu.memory_space<hbm>> -> memref<1x79x128xi32, #tpu.memory_space<hbm>>
      %dma_start3A_117 = tpu.memref_squeeze %dma_start3A_116 : memref<1x79x128xi32, #tpu.memory_space<hbm>> -> memref<79x128xi32, #tpu.memory_space<hbm>>
      %dma_start3A_118 = arith.constant 0 : i32
      %dma_start3A_119 = arith.constant 0 : i32
      %dma_start3A_120 = tpu.memref_slice %arg4[%add3A, %dma_start3A_118, %dma_start3A_119] : memref<32x79x128xi32, #tpu.memory_space<hbm>> -> memref<1x79x128xi32, #tpu.memory_space<hbm>>
      %dma_start3A_121 = tpu.memref_squeeze %dma_start3A_120 : memref<1x79x128xi32, #tpu.memory_space<hbm>> -> memref<79x128xi32, #tpu.memory_space<hbm>>
      tpu.enqueue_dma source(%dma_start3A_121 : memref<79x128xi32, #tpu.memory_space<hbm>>) target(%arg10 : memref<79x128xi32, #tpu.memory_space<vmem>>) target_semaphore(%run_scoped3A_113 : memref<!tpu.dma_semaphore, #tpu.memory_space<semaphore_mem>>)
      %dma_wait3A_122 = arith.constant 0 : i32
      %dma_wait3A_123 = arith.constant 0 : i32
      %dma_wait3A_124 = tpu.memref_slice %arg4[%add3A, %dma_wait3A_122, %dma_wait3A_123] : memref<32x79x128xi32, #tpu.memory_space<hbm>> -> memref<1x79x128xi32, #tpu.memory_space<hbm>>
      %dma_wait3A_125 = tpu.memref_squeeze %dma_wait3A_124 : memref<1x79x128xi32, #tpu.memory_space<hbm>> -> memref<79x128xi32, #tpu.memory_space<hbm>>
      %dma_wait3A_126 = arith.constant 0 : i32
      %dma_wait3A_127 = arith.constant 0 : i32
      %dma_wait3A_128 = tpu.memref_slice %arg4[%add3A, %dma_wait3A_126, %dma_wait3A_127] : memref<32x79x128xi32, #tpu.memory_space<hbm>> -> memref<1x79x128xi32, #tpu.memory_space<hbm>>
      %dma_wait3A_129 = tpu.memref_squeeze %dma_wait3A_128 : memref<1x79x128xi32, #tpu.memory_space<hbm>> -> memref<79x128xi32, #tpu.memory_space<hbm>>
      tpu.wait_dma2 semaphore(%run_scoped3A_113 : memref<!tpu.dma_semaphore, #tpu.memory_space<semaphore_mem>>) src(%dma_wait3A_129 : memref<79x128xi32, #tpu.memory_space<hbm>>) dst(%arg10 : memref<79x128xi32, #tpu.memory_space<vmem>>)
      tpu.yield
    }) : () -> ()
    %scan3A = arith.constant 0 : i32
    %scan3A_1 = arith.constant 128 : i32
    %scan3A_2 = arith.addi %scan3A, %scan3A_1 : i32
    %scan3A_3 = arith.constant 1 : i32
    scf.for %scan3A_113 = %scan3A to %scan3A_2 step %scan3A_3  : i32 {
      %mul3A_114 = arith.constant 1 : i32
      %mul3A_115 = arith.muli %scan3A_113, %mul3A_114 : i32
      %add3A_116 = arith.constant 0 : i32
      %add3A_117 = arith.addi %add3A_116, %mul3A_115 : i32
      %scan3A_118 = arith.constant 0 : i32
      %scan3A_119 = arith.constant 8 : i32
      %scan3A_120 = arith.addi %scan3A_118, %scan3A_119 : i32
      %scan3A_121 = arith.constant 1 : i32
      scf.for %scan3A_123 = %scan3A_118 to %scan3A_120 step %scan3A_121  : i32 {
        %mul3A_124 = arith.constant 1 : i32
        %mul3A_125 = arith.muli %scan3A_123, %mul3A_124 : i32
        %add3A_126 = arith.constant 0 : i32
        %add3A_127 = arith.addi %add3A_126, %mul3A_125 : i32
        %broadcast_in_dim3A = arith.constant 0.000000e+00 : f32
        %broadcast_in_dim3A_128 = vector.broadcast %broadcast_in_dim3A : f32 to vector<16xf32>
        %mul3A_129 = arith.constant 16 : i32
        %mul3A_130 = arith.muli %add3A_127, %mul3A_129 : i32
        %swap3A = arith.index_cast %add3A_117 : i32 to index
        %swap3A_131 = arith.index_cast %mul3A_130 : i32 to index
        %swap3A_132 = tpu.vector_load %arg6[%swap3A, %swap3A_131] {strides = array<i32>} : memref<128x128xf32, #tpu.memory_space<vmem>>, vector<1x16xf32>,
        %swap3A_133 = vector.shape_cast %swap3A_132 : vector<1x16xf32> to vector<16xf32>
        %swap3A_134 = vector.shape_cast %broadcast_in_dim3A_128 : vector<16xf32> to vector<1x16xf32>
        tpu.vector_store %arg6[%swap3A, %swap3A_131], %swap3A_134 {strides = array<i32>} : memref<128x128xf32, #tpu.memory_space<vmem>>, vector<1x16xf32>,
      }
      %scan3A_122 = arith.constant 8 : i32
    }
    %scan3A_4 = arith.constant 128 : i32
    %mul3A_5 = arith.constant 640 : i32
    %mul3A_6 = arith.muli %arg1, %mul3A_5 : i32
    %scan3A_7 = arith.constant 0 : i32
    %scan3A_8 = arith.constant 5 : i32
    %scan3A_9 = arith.addi %scan3A_7, %scan3A_8 : i32
    %scan3A_10 = arith.constant 1 : i32
    scf.for %scan3A_113 = %scan3A_7 to %scan3A_9 step %scan3A_10  : i32 {
      %mul3A_114 = arith.constant 1 : i32
      %mul3A_115 = arith.muli %scan3A_113, %mul3A_114 : i32
      %add3A_116 = arith.constant 0 : i32
      %add3A_117 = arith.addi %add3A_116, %mul3A_115 : i32
      %mul3A_118 = arith.constant 128 : i32
      %mul3A_119 = arith.muli %add3A_117, %mul3A_118 : i32
      %add3A_120 = arith.addi %mul3A_6, %mul3A_119 : i32
      %dma_start3A_121 = arith.constant 0 : i32
      %dma_start3A_122 = tpu.memref_slice %arg11[%add3A_120, %dma_start3A_121] : memref<10240x128xf32, #tpu.memory_space<vmem_shared>> -> memref<128x128xf32, #tpu.memory_space<vmem_shared>>
      %dma_start3A_123 = arith.constant 0 : i32
      %dma_start3A_124 = tpu.memref_slice %arg11[%add3A_120, %dma_start3A_123] : memref<10240x128xf32, #tpu.memory_space<vmem_shared>> -> memref<128x128xf32, #tpu.memory_space<vmem_shared>>
      tpu.enqueue_dma source(%arg6 : memref<128x128xf32, #tpu.memory_space<vmem>>) target(%dma_start3A_124 : memref<128x128xf32, #tpu.memory_space<vmem_shared>>) target_semaphore(%arg12 : memref<!tpu.dma_semaphore, #tpu.memory_space<semaphore_mem>>)
    }
    %scan3A_11 = arith.constant 5 : i32
    %scan3A_12 = arith.constant 0 : i32
    %scan3A_13 = arith.constant 5 : i32
    %scan3A_14 = arith.addi %scan3A_12, %scan3A_13 : i32
    %scan3A_15 = arith.constant 1 : i32
    scf.for %scan3A_113 = %scan3A_12 to %scan3A_14 step %scan3A_15  : i32 {
      %mul3A_114 = arith.constant 1 : i32
      %mul3A_115 = arith.muli %scan3A_113, %mul3A_114 : i32
      %add3A_116 = arith.constant 0 : i32
      %add3A_117 = arith.addi %add3A_116, %mul3A_115 : i32
      %mul3A_118 = arith.constant 128 : i32
      %mul3A_119 = arith.muli %add3A_117, %mul3A_118 : i32
      %add3A_120 = arith.addi %mul3A_6, %mul3A_119 : i32
      %dma_wait3A_121 = arith.constant 0 : i32
      %dma_wait3A_122 = tpu.memref_slice %arg11[%add3A_120, %dma_wait3A_121] : memref<10240x128xf32, #tpu.memory_space<vmem_shared>> -> memref<128x128xf32, #tpu.memory_space<vmem_shared>>
      %dma_wait3A_123 = arith.constant 0 : i32
      %dma_wait3A_124 = tpu.memref_slice %arg11[%add3A_120, %dma_wait3A_123] : memref<10240x128xf32, #tpu.memory_space<vmem_shared>> -> memref<128x128xf32, #tpu.memory_space<vmem_shared>>
      tpu.wait_dma2 semaphore(%arg12 : memref<!tpu.dma_semaphore, #tpu.memory_space<semaphore_mem>>) src(%arg6 : memref<128x128xf32, #tpu.memory_space<vmem>>) dst(%dma_wait3A_124 : memref<128x128xf32, #tpu.memory_space<vmem_shared>>)
    }
    %scan3A_16 = arith.constant 5 : i32
    %barrier3A = arith.constant 0 : index
    tpu.barrier barrier_id(%barrier3A)
    %run_scoped3A = arith.constant 0 : i32
    "tpu.region"() ({
      %run_scoped3A_113 = tpu.sem_alloc : memref<!tpu.dma_semaphore, #tpu.memory_space<semaphore_mem>>
      %dma_start3A_114 = arith.constant 0 : i32
      %dma_start3A_115 = arith.constant 0 : i32
      %dma_start3A_116 = tpu.memref_slice %arg3[%add3A, %dma_start3A_114, %dma_start3A_115] : memref<32x79x128xi32, #tpu.memory_space<hbm>> -> memref<1x79x128xi32, #tpu.memory_space<hbm>>
      %dma_start3A_117 = tpu.memref_squeeze %dma_start3A_116 : memref<1x79x128xi32, #tpu.memory_space<hbm>> -> memref<79x128xi32, #tpu.memory_space<hbm>>
      %dma_start3A_118 = arith.constant 0 : i32
      %dma_start3A_119 = tpu.memref_slice %dma_start3A_117[%run_scoped3A, %dma_start3A_118] : memref<79x128xi32, #tpu.memory_space<hbm>> -> memref<1x128xi32, #tpu.memory_space<hbm>>
      %dma_start3A_120 = tpu.memref_squeeze %dma_start3A_119 : memref<1x128xi32, #tpu.memory_space<hbm>> -> memref<128xi32, #tpu.memory_space<hbm>>
      %dma_start3A_121 = arith.constant 0 : i32
      %dma_start3A_122 = arith.constant 0 : i32
      %dma_start3A_123 = tpu.memref_slice %arg3[%add3A, %dma_start3A_121, %dma_start3A_122] : memref<32x79x128xi32, #tpu.memory_space<hbm>> -> memref<1x79x128xi32, #tpu.memory_space<hbm>>
      %dma_start3A_124 = tpu.memref_squeeze %dma_start3A_123 : memref<1x79x128xi32, #tpu.memory_space<hbm>> -> memref<79x128xi32, #tpu.memory_space<hbm>>
      %dma_start3A_125 = arith.constant 0 : i32
      %dma_start3A_126 = tpu.memref_slice %dma_start3A_124[%run_scoped3A, %dma_start3A_125] : memref<79x128xi32, #tpu.memory_space<hbm>> -> memref<1x128xi32, #tpu.memory_space<hbm>>
      %dma_start3A_127 = tpu.memref_squeeze %dma_start3A_126 : memref<1x128xi32, #tpu.memory_space<hbm>> -> memref<128xi32, #tpu.memory_space<hbm>>
      tpu.enqueue_dma source(%dma_start3A_127 : memref<128xi32, #tpu.memory_space<hbm>>) target(%arg8 : memref<128xi32, #tpu.memory_space<vmem>>) target_semaphore(%run_scoped3A_113 : memref<!tpu.dma_semaphore, #tpu.memory_space<semaphore_mem>>)
      %dma_wait3A_128 = arith.constant 0 : i32
      %dma_wait3A_129 = arith.constant 0 : i32
      %dma_wait3A_130 = tpu.memref_slice %arg3[%add3A, %dma_wait3A_128, %dma_wait3A_129] : memref<32x79x128xi32, #tpu.memory_space<hbm>> -> memref<1x79x128xi32, #tpu.memory_space<hbm>>
      %dma_wait3A_131 = tpu.memref_squeeze %dma_wait3A_130 : memref<1x79x128xi32, #tpu.memory_space<hbm>> -> memref<79x128xi32, #tpu.memory_space<hbm>>
      %dma_wait3A_132 = arith.constant 0 : i32
      %dma_wait3A_133 = tpu.memref_slice %dma_wait3A_131[%run_scoped3A, %dma_wait3A_132] : memref<79x128xi32, #tpu.memory_space<hbm>> -> memref<1x128xi32, #tpu.memory_space<hbm>>
      %dma_wait3A_134 = tpu.memref_squeeze %dma_wait3A_133 : memref<1x128xi32, #tpu.memory_space<hbm>> -> memref<128xi32, #tpu.memory_space<hbm>>
      %dma_wait3A_135 = arith.constant 0 : i32
      %dma_wait3A_136 = arith.constant 0 : i32
      %dma_wait3A_137 = tpu.memref_slice %arg3[%add3A, %dma_wait3A_135, %dma_wait3A_136] : memref<32x79x128xi32, #tpu.memory_space<hbm>> -> memref<1x79x128xi32, #tpu.memory_space<hbm>>
      %dma_wait3A_138 = tpu.memref_squeeze %dma_wait3A_137 : memref<1x79x128xi32, #tpu.memory_space<hbm>> -> memref<79x128xi32, #tpu.memory_space<hbm>>
      %dma_wait3A_139 = arith.constant 0 : i32
      %dma_wait3A_140 = tpu.memref_slice %dma_wait3A_138[%run_scoped3A, %dma_wait3A_139] : memref<79x128xi32, #tpu.memory_space<hbm>> -> memref<1x128xi32, #tpu.memory_space<hbm>>
      %dma_wait3A_141 = tpu.memref_squeeze %dma_wait3A_140 : memref<1x128xi32, #tpu.memory_space<hbm>> -> memref<128xi32, #tpu.memory_space<hbm>>
      tpu.wait_dma2 semaphore(%run_scoped3A_113 : memref<!tpu.dma_semaphore, #tpu.memory_space<semaphore_mem>>) src(%dma_wait3A_141 : memref<128xi32, #tpu.memory_space<hbm>>) dst(%arg8 : memref<128xi32, #tpu.memory_space<vmem>>)
      tpu.yield
    }) : () -> ()
    %dma_start3A = arith.constant 0 : i32
    %dma_start3A_17 = arith.constant 0 : i32
    %dma_start3A_18 = tpu.memref_slice %arg2[%dma_start3A, %dma_start3A_17] : memref<10240x128xf32, #tpu.memory_space<hbm>> -> memref<10240x128xf32, #tpu.memory_space<hbm>>
    tpu.enqueue_indirect_dma source(%dma_start3A_18 : memref<10240x128xf32, #tpu.memory_space<hbm>>) target(%arg6 : memref<128x128xf32, #tpu.memory_space<vmem>>) offsets(%arg8 : memref<128xi32, #tpu.memory_space<vmem>>) semaphore(%arg12 : memref<!tpu.dma_semaphore, #tpu.memory_space<semaphore_mem>>)
    %dma_start3A_19 = arith.constant 1 : i32
    %dma_start3A_20 = arith.constant 0 : i32
    %dma_start3A_21 = arith.constant 0 : i32
    %dma_start3A_22 = tpu.memref_slice %arg3[%add3A, %dma_start3A_20, %dma_start3A_21] : memref<32x79x128xi32, #tpu.memory_space<hbm>> -> memref<1x79x128xi32, #tpu.memory_space<hbm>>
    %dma_start3A_23 = tpu.memref_squeeze %dma_start3A_22 : memref<1x79x128xi32, #tpu.memory_space<hbm>> -> memref<79x128xi32, #tpu.memory_space<hbm>>
    %dma_start3A_24 = arith.constant 0 : i32
    %dma_start3A_25 = tpu.memref_slice %dma_start3A_23[%dma_start3A_19, %dma_start3A_24] : memref<79x128xi32, #tpu.memory_space<hbm>> -> memref<1x128xi32, #tpu.memory_space<hbm>>
    %dma_start3A_26 = tpu.memref_squeeze %dma_start3A_25 : memref<1x128xi32, #tpu.memory_space<hbm>> -> memref<128xi32, #tpu.memory_space<hbm>>
    %dma_start3A_27 = arith.constant 0 : i32
    %dma_start3A_28 = arith.constant 0 : i32
    %dma_start3A_29 = tpu.memref_slice %arg3[%add3A, %dma_start3A_27, %dma_start3A_28] : memref<32x79x128xi32, #tpu.memory_space<hbm>> -> memref<1x79x128xi32, #tpu.memory_space<hbm>>
    %dma_start3A_30 = tpu.memref_squeeze %dma_start3A_29 : memref<1x79x128xi32, #tpu.memory_space<hbm>> -> memref<79x128xi32, #tpu.memory_space<hbm>>
    %dma_start3A_31 = arith.constant 0 : i32
    %dma_start3A_32 = tpu.memref_slice %dma_start3A_30[%dma_start3A_19, %dma_start3A_31] : memref<79x128xi32, #tpu.memory_space<hbm>> -> memref<1x128xi32, #tpu.memory_space<hbm>>
    %dma_start3A_33 = tpu.memref_squeeze %dma_start3A_32 : memref<1x128xi32, #tpu.memory_space<hbm>> -> memref<128xi32, #tpu.memory_space<hbm>>
    tpu.enqueue_dma source(%dma_start3A_33 : memref<128xi32, #tpu.memory_space<hbm>>) target(%arg9 : memref<128xi32, #tpu.memory_space<vmem>>) target_semaphore(%arg15 : memref<!tpu.dma_semaphore, #tpu.memory_space<semaphore_mem>>)
    %scan3A_34 = arith.constant 0 : i32
    %scan3A_35 = arith.constant 39 : i32
    %scan3A_36 = arith.addi %scan3A_34, %scan3A_35 : i32
    %scan3A_37 = arith.constant 1 : i32
    scf.for %scan3A_113 = %scan3A_34 to %scan3A_36 step %scan3A_37  : i32 {
      %mul3A_114 = arith.constant 1 : i32
      %mul3A_115 = arith.muli %scan3A_113, %mul3A_114 : i32
      %add3A_116 = arith.constant 0 : i32
      %add3A_117 = arith.addi %add3A_116, %mul3A_115 : i32
      %mul3A_118 = arith.constant 2 : i32
      %mul3A_119 = arith.muli %mul3A_118, %add3A_117 : i32
      %dma_wait3A_120 = arith.constant 0 : i32
      %dma_wait3A_121 = arith.constant 0 : i32
      %dma_wait3A_122 = tpu.memref_slice %arg2[%dma_wait3A_120, %dma_wait3A_121] : memref<10240x128xf32, #tpu.memory_space<hbm>> -> memref<10240x128xf32, #tpu.memory_space<hbm>>
      tpu.wait_indirect_dma semaphore(%arg12 : memref<!tpu.dma_semaphore, #tpu.memory_space<semaphore_mem>>) src(%dma_wait3A_122 : memref<10240x128xf32, #tpu.memory_space<hbm>>) dst(%arg6 : memref<128x128xf32, #tpu.memory_space<vmem>>)
      %add3A_123 = arith.constant 1 : i32
      %add3A_124 = arith.addi %mul3A_119, %add3A_123 : i32
      %dma_wait3A_125 = arith.constant 0 : i32
      %dma_wait3A_126 = arith.constant 0 : i32
      %dma_wait3A_127 = tpu.memref_slice %arg3[%add3A, %dma_wait3A_125, %dma_wait3A_126] : memref<32x79x128xi32, #tpu.memory_space<hbm>> -> memref<1x79x128xi32, #tpu.memory_space<hbm>>
      %dma_wait3A_128 = tpu.memref_squeeze %dma_wait3A_127 : memref<1x79x128xi32, #tpu.memory_space<hbm>> -> memref<79x128xi32, #tpu.memory_space<hbm>>
      %dma_wait3A_129 = arith.constant 0 : i32
      %dma_wait3A_130 = tpu.memref_slice %dma_wait3A_128[%add3A_124, %dma_wait3A_129] : memref<79x128xi32, #tpu.memory_space<hbm>> -> memref<1x128xi32, #tpu.memory_space<hbm>>
      %dma_wait3A_131 = tpu.memref_squeeze %dma_wait3A_130 : memref<1x128xi32, #tpu.memory_space<hbm>> -> memref<128xi32, #tpu.memory_space<hbm>>
      %dma_wait3A_132 = arith.constant 0 : i32
      %dma_wait3A_133 = arith.constant 0 : i32
      %dma_wait3A_134 = tpu.memref_slice %arg3[%add3A, %dma_wait3A_132, %dma_wait3A_133] : memref<32x79x128xi32, #tpu.memory_space<hbm>> -> memref<1x79x128xi32, #tpu.memory_space<hbm>>
      %dma_wait3A_135 = tpu.memref_squeeze %dma_wait3A_134 : memref<1x79x128xi32, #tpu.memory_space<hbm>> -> memref<79x128xi32, #tpu.memory_space<hbm>>
      %dma_wait3A_136 = arith.constant 0 : i32
      %dma_wait3A_137 = tpu.memref_slice %dma_wait3A_135[%add3A_124, %dma_wait3A_136] : memref<79x128xi32, #tpu.memory_space<hbm>> -> memref<1x128xi32, #tpu.memory_space<hbm>>
      %dma_wait3A_138 = tpu.memref_squeeze %dma_wait3A_137 : memref<1x128xi32, #tpu.memory_space<hbm>> -> memref<128xi32, #tpu.memory_space<hbm>>
      tpu.wait_dma2 semaphore(%arg15 : memref<!tpu.dma_semaphore, #tpu.memory_space<semaphore_mem>>) src(%dma_wait3A_138 : memref<128xi32, #tpu.memory_space<hbm>>) dst(%arg9 : memref<128xi32, #tpu.memory_space<vmem>>)
      %dma_start3A_139 = arith.constant 0 : i32
      %dma_start3A_140 = arith.constant 0 : i32
      %dma_start3A_141 = tpu.memref_slice %arg2[%dma_start3A_139, %dma_start3A_140] : memref<10240x128xf32, #tpu.memory_space<hbm>> -> memref<10240x128xf32, #tpu.memory_space<hbm>>
      tpu.enqueue_indirect_dma source(%dma_start3A_141 : memref<10240x128xf32, #tpu.memory_space<hbm>>) target(%arg7 : memref<128x128xf32, #tpu.memory_space<vmem>>) offsets(%arg9 : memref<128xi32, #tpu.memory_space<vmem>>) semaphore(%arg13 : memref<!tpu.dma_semaphore, #tpu.memory_space<semaphore_mem>>)
      %add3A_142 = arith.constant 2 : i32
      %add3A_143 = arith.addi %mul3A_119, %add3A_142 : i32
      %dma_start3A_144 = arith.constant 0 : i32
      %dma_start3A_145 = arith.constant 0 : i32
      %dma_start3A_146 = tpu.memref_slice %arg3[%add3A, %dma_start3A_144, %dma_start3A_145] : memref<32x79x128xi32, #tpu.memory_space<hbm>> -> memref<1x79x128xi32, #tpu.memory_space<hbm>>
      %dma_start3A_147 = tpu.memref_squeeze %dma_start3A_146 : memref<1x79x128xi32, #tpu.memory_space<hbm>> -> memref<79x128xi32, #tpu.memory_space<hbm>>
      %dma_start3A_148 = arith.constant 0 : i32
      %dma_start3A_149 = tpu.memref_slice %dma_start3A_147[%add3A_143, %dma_start3A_148] : memref<79x128xi32, #tpu.memory_space<hbm>> -> memref<1x128xi32, #tpu.memory_space<hbm>>
      %dma_start3A_150 = tpu.memref_squeeze %dma_start3A_149 : memref<1x128xi32, #tpu.memory_space<hbm>> -> memref<128xi32, #tpu.memory_space<hbm>>
      %dma_start3A_151 = arith.constant 0 : i32
      %dma_start3A_152 = arith.constant 0 : i32
      %dma_start3A_153 = tpu.memref_slice %arg3[%add3A, %dma_start3A_151, %dma_start3A_152] : memref<32x79x128xi32, #tpu.memory_space<hbm>> -> memref<1x79x128xi32, #tpu.memory_space<hbm>>
      %dma_start3A_154 = tpu.memref_squeeze %dma_start3A_153 : memref<1x79x128xi32, #tpu.memory_space<hbm>> -> memref<79x128xi32, #tpu.memory_space<hbm>>
      %dma_start3A_155 = arith.constant 0 : i32
      %dma_start3A_156 = tpu.memref_slice %dma_start3A_154[%add3A_143, %dma_start3A_155] : memref<79x128xi32, #tpu.memory_space<hbm>> -> memref<1x128xi32, #tpu.memory_space<hbm>>
      %dma_start3A_157 = tpu.memref_squeeze %dma_start3A_156 : memref<1x128xi32, #tpu.memory_space<hbm>> -> memref<128xi32, #tpu.memory_space<hbm>>
      tpu.enqueue_dma source(%dma_start3A_157 : memref<128xi32, #tpu.memory_space<hbm>>) target(%arg8 : memref<128xi32, #tpu.memory_space<vmem>>) target_semaphore(%arg14 : memref<!tpu.dma_semaphore, #tpu.memory_space<semaphore_mem>>)
      "tpu.region"() ({
        %run_scoped3A_186 = tpu.sem_alloc : memref<!tpu.dma_semaphore, #tpu.memory_space<semaphore_mem>>
        %dma_start3A_187 = arith.constant 0 : i32
        %dma_start3A_188 = tpu.memref_slice %arg10[%mul3A_119, %dma_start3A_187] : memref<79x128xi32, #tpu.memory_space<vmem>> -> memref<1x128xi32, #tpu.memory_space<vmem>>
        %dma_start3A_189 = tpu.memref_squeeze %dma_start3A_188 : memref<1x128xi32, #tpu.memory_space<vmem>> -> memref<128xi32, #tpu.memory_space<vmem>>
        %dma_start3A_190 = arith.constant 0 : i32
        %dma_start3A_191 = arith.constant 0 : i32
        %dma_start3A_192 = tpu.memref_slice %arg11[%dma_start3A_190, %dma_start3A_191] : memref<10240x128xf32, #tpu.memory_space<vmem_shared>> -> memref<10240x128xf32, #tpu.memory_space<vmem_shared>>
        tpu.enqueue_indirect_dma source(%arg6 : memref<128x128xf32, #tpu.memory_space<vmem>>) target(%dma_start3A_192 : memref<10240x128xf32, #tpu.memory_space<vmem_shared>>) offsets(%dma_start3A_189 : memref<128xi32, #tpu.memory_space<vmem>>) semaphore(%run_scoped3A_186 : memref<!tpu.dma_semaphore, #tpu.memory_space<semaphore_mem>>) {add = true}
        %dma_wait3A_193 = arith.constant 0 : i32
        %dma_wait3A_194 = tpu.memref_slice %arg10[%mul3A_119, %dma_wait3A_193] : memref<79x128xi32, #tpu.memory_space<vmem>> -> memref<1x128xi32, #tpu.memory_space<vmem>>
        %dma_wait3A_195 = tpu.memref_squeeze %dma_wait3A_194 : memref<1x128xi32, #tpu.memory_space<vmem>> -> memref<128xi32, #tpu.memory_space<vmem>>
        %dma_wait3A_196 = arith.constant 0 : i32
        %dma_wait3A_197 = arith.constant 0 : i32
        %dma_wait3A_198 = tpu.memref_slice %arg11[%dma_wait3A_196, %dma_wait3A_197] : memref<10240x128xf32, #tpu.memory_space<vmem_shared>> -> memref<10240x128xf32, #tpu.memory_space<vmem_shared>>
        tpu.wait_indirect_dma semaphore(%run_scoped3A_186 : memref<!tpu.dma_semaphore, #tpu.memory_space<semaphore_mem>>) src(%arg6 : memref<128x128xf32, #tpu.memory_space<vmem>>) dst(%dma_wait3A_198 : memref<10240x128xf32, #tpu.memory_space<vmem_shared>>)
        tpu.yield
      }) : () -> ()
      %dma_wait3A_158 = arith.constant 0 : i32
      %dma_wait3A_159 = arith.constant 0 : i32
      %dma_wait3A_160 = tpu.memref_slice %arg2[%dma_wait3A_158, %dma_wait3A_159] : memref<10240x128xf32, #tpu.memory_space<hbm>> -> memref<10240x128xf32, #tpu.memory_space<hbm>>
      tpu.wait_indirect_dma semaphore(%arg13 : memref<!tpu.dma_semaphore, #tpu.memory_space<semaphore_mem>>) src(%dma_wait3A_160 : memref<10240x128xf32, #tpu.memory_space<hbm>>) dst(%arg7 : memref<128x128xf32, #tpu.memory_space<vmem>>)
      %add3A_161 = arith.constant 2 : i32
      %add3A_162 = arith.addi %mul3A_119, %add3A_161 : i32
      %dma_wait3A_163 = arith.constant 0 : i32
      %dma_wait3A_164 = arith.constant 0 : i32
      %dma_wait3A_165 = tpu.memref_slice %arg3[%add3A, %dma_wait3A_163, %dma_wait3A_164] : memref<32x79x128xi32, #tpu.memory_space<hbm>> -> memref<1x79x128xi32, #tpu.memory_space<hbm>>
      %dma_wait3A_166 = tpu.memref_squeeze %dma_wait3A_165 : memref<1x79x128xi32, #tpu.memory_space<hbm>> -> memref<79x128xi32, #tpu.memory_space<hbm>>
      %dma_wait3A_167 = arith.constant 0 : i32
      %dma_wait3A_168 = tpu.memref_slice %dma_wait3A_166[%add3A_162, %dma_wait3A_167] : memref<79x128xi32, #tpu.memory_space<hbm>> -> memref<1x128xi32, #tpu.memory_space<hbm>>
      %dma_wait3A_169 = tpu.memref_squeeze %dma_wait3A_168 : memref<1x128xi32, #tpu.memory_space<hbm>> -> memref<128xi32, #tpu.memory_space<hbm>>
      %dma_wait3A_170 = arith.constant 0 : i32
      %dma_wait3A_171 = arith.constant 0 : i32
      %dma_wait3A_172 = tpu.memref_slice %arg3[%add3A, %dma_wait3A_170, %dma_wait3A_171] : memref<32x79x128xi32, #tpu.memory_space<hbm>> -> memref<1x79x128xi32, #tpu.memory_space<hbm>>
      %dma_wait3A_173 = tpu.memref_squeeze %dma_wait3A_172 : memref<1x79x128xi32, #tpu.memory_space<hbm>> -> memref<79x128xi32, #tpu.memory_space<hbm>>
      %dma_wait3A_174 = arith.constant 0 : i32
      %dma_wait3A_175 = tpu.memref_slice %dma_wait3A_173[%add3A_162, %dma_wait3A_174] : memref<79x128xi32, #tpu.memory_space<hbm>> -> memref<1x128xi32, #tpu.memory_space<hbm>>
      %dma_wait3A_176 = tpu.memref_squeeze %dma_wait3A_175 : memref<1x128xi32, #tpu.memory_space<hbm>> -> memref<128xi32, #tpu.memory_space<hbm>>
      tpu.wait_dma2 semaphore(%arg14 : memref<!tpu.dma_semaphore, #tpu.memory_space<semaphore_mem>>) src(%dma_wait3A_176 : memref<128xi32, #tpu.memory_space<hbm>>) dst(%arg8 : memref<128xi32, #tpu.memory_space<vmem>>)
      %dma_start3A_177 = arith.constant 0 : i32
      %dma_start3A_178 = arith.constant 0 : i32
      %dma_start3A_179 = tpu.memref_slice %arg2[%dma_start3A_177, %dma_start3A_178] : memref<10240x128xf32, #tpu.memory_space<hbm>> -> memref<10240x128xf32, #tpu.memory_space<hbm>>
      tpu.enqueue_indirect_dma source(%dma_start3A_179 : memref<10240x128xf32, #tpu.memory_space<hbm>>) target(%arg6 : memref<128x128xf32, #tpu.memory_space<vmem>>) offsets(%arg8 : memref<128xi32, #tpu.memory_space<vmem>>) semaphore(%arg12 : memref<!tpu.dma_semaphore, #tpu.memory_space<semaphore_mem>>)
      %add3A_180 = arith.constant 3 : i32
      %add3A_181 = arith.addi %mul3A_119, %add3A_180 : i32
      %lt3A = arith.constant 79 : i32
      %lt3A_182 = arith.cmpi slt, %add3A_181, %lt3A : i32
      %convert_element_type3A = arith.extui %lt3A_182 : i1 to i32
      %cond3A = arith.constant 0 : i32
      %cond3A_183 = arith.cmpi ne, %convert_element_type3A, %cond3A : i32
      scf.if %cond3A_183 {
        %add3A_186 = arith.constant 3 : i32
        %add3A_187 = arith.addi %mul3A_119, %add3A_186 : i32
        %dma_start3A_188 = arith.constant 0 : i32
        %dma_start3A_189 = arith.constant 0 : i32
        %dma_start3A_190 = tpu.memref_slice %arg3[%add3A, %dma_start3A_188, %dma_start3A_189] : memref<32x79x128xi32, #tpu.memory_space<hbm>> -> memref<1x79x128xi32, #tpu.memory_space<hbm>>
        %dma_start3A_191 = tpu.memref_squeeze %dma_start3A_190 : memref<1x79x128xi32, #tpu.memory_space<hbm>> -> memref<79x128xi32, #tpu.memory_space<hbm>>
        %dma_start3A_192 = arith.constant 0 : i32
        %dma_start3A_193 = tpu.memref_slice %dma_start3A_191[%add3A_187, %dma_start3A_192] : memref<79x128xi32, #tpu.memory_space<hbm>> -> memref<1x128xi32, #tpu.memory_space<hbm>>
        %dma_start3A_194 = tpu.memref_squeeze %dma_start3A_193 : memref<1x128xi32, #tpu.memory_space<hbm>> -> memref<128xi32, #tpu.memory_space<hbm>>
        %dma_start3A_195 = arith.constant 0 : i32
        %dma_start3A_196 = arith.constant 0 : i32
        %dma_start3A_197 = tpu.memref_slice %arg3[%add3A, %dma_start3A_195, %dma_start3A_196] : memref<32x79x128xi32, #tpu.memory_space<hbm>> -> memref<1x79x128xi32, #tpu.memory_space<hbm>>
        %dma_start3A_198 = tpu.memref_squeeze %dma_start3A_197 : memref<1x79x128xi32, #tpu.memory_space<hbm>> -> memref<79x128xi32, #tpu.memory_space<hbm>>
        %dma_start3A_199 = arith.constant 0 : i32
        %dma_start3A_200 = tpu.memref_slice %dma_start3A_198[%add3A_187, %dma_start3A_199] : memref<79x128xi32, #tpu.memory_space<hbm>> -> memref<1x128xi32, #tpu.memory_space<hbm>>
        %dma_start3A_201 = tpu.memref_squeeze %dma_start3A_200 : memref<1x128xi32, #tpu.memory_space<hbm>> -> memref<128xi32, #tpu.memory_space<hbm>>
        tpu.enqueue_dma source(%dma_start3A_201 : memref<128xi32, #tpu.memory_space<hbm>>) target(%arg9 : memref<128xi32, #tpu.memory_space<vmem>>) target_semaphore(%arg15 : memref<!tpu.dma_semaphore, #tpu.memory_space<semaphore_mem>>)
      } else {
      }
      %add3A_184 = arith.constant 1 : i32
      %add3A_185 = arith.addi %mul3A_119, %add3A_184 : i32
      "tpu.region"() ({
        %run_scoped3A_186 = tpu.sem_alloc : memref<!tpu.dma_semaphore, #tpu.memory_space<semaphore_mem>>
        %dma_start3A_187 = arith.constant 0 : i32
        %dma_start3A_188 = tpu.memref_slice %arg10[%add3A_185, %dma_start3A_187] : memref<79x128xi32, #tpu.memory_space<vmem>> -> memref<1x128xi32, #tpu.memory_space<vmem>>
        %dma_start3A_189 = tpu.memref_squeeze %dma_start3A_188 : memref<1x128xi32, #tpu.memory_space<vmem>> -> memref<128xi32, #tpu.memory_space<vmem>>
        %dma_start3A_190 = arith.constant 0 : i32
        %dma_start3A_191 = arith.constant 0 : i32
        %dma_start3A_192 = tpu.memref_slice %arg11[%dma_start3A_190, %dma_start3A_191] : memref<10240x128xf32, #tpu.memory_space<vmem_shared>> -> memref<10240x128xf32, #tpu.memory_space<vmem_shared>>
        tpu.enqueue_indirect_dma source(%arg7 : memref<128x128xf32, #tpu.memory_space<vmem>>) target(%dma_start3A_192 : memref<10240x128xf32, #tpu.memory_space<vmem_shared>>) offsets(%dma_start3A_189 : memref<128xi32, #tpu.memory_space<vmem>>) semaphore(%run_scoped3A_186 : memref<!tpu.dma_semaphore, #tpu.memory_space<semaphore_mem>>) {add = true}
        %dma_wait3A_193 = arith.constant 0 : i32
        %dma_wait3A_194 = tpu.memref_slice %arg10[%add3A_185, %dma_wait3A_193] : memref<79x128xi32, #tpu.memory_space<vmem>> -> memref<1x128xi32, #tpu.memory_space<vmem>>
        %dma_wait3A_195 = tpu.memref_squeeze %dma_wait3A_194 : memref<1x128xi32, #tpu.memory_space<vmem>> -> memref<128xi32, #tpu.memory_space<vmem>>
        %dma_wait3A_196 = arith.constant 0 : i32
        %dma_wait3A_197 = arith.constant 0 : i32
        %dma_wait3A_198 = tpu.memref_slice %arg11[%dma_wait3A_196, %dma_wait3A_197] : memref<10240x128xf32, #tpu.memory_space<vmem_shared>> -> memref<10240x128xf32, #tpu.memory_space<vmem_shared>>
        tpu.wait_indirect_dma semaphore(%run_scoped3A_186 : memref<!tpu.dma_semaphore, #tpu.memory_space<semaphore_mem>>) src(%arg7 : memref<128x128xf32, #tpu.memory_space<vmem>>) dst(%dma_wait3A_198 : memref<10240x128xf32, #tpu.memory_space<vmem_shared>>)
        tpu.yield
      }) : () -> ()
    }
    %scan3A_38 = arith.constant 39 : i32
    %dma_wait3A = arith.constant 0 : i32
    %dma_wait3A_39 = arith.constant 0 : i32
    %dma_wait3A_40 = tpu.memref_slice %arg2[%dma_wait3A, %dma_wait3A_39] : memref<10240x128xf32, #tpu.memory_space<hbm>> -> memref<10240x128xf32, #tpu.memory_space<hbm>>
    tpu.wait_indirect_dma semaphore(%arg12 : memref<!tpu.dma_semaphore, #tpu.memory_space<semaphore_mem>>) src(%dma_wait3A_40 : memref<10240x128xf32, #tpu.memory_space<hbm>>) dst(%arg6 : memref<128x128xf32, #tpu.memory_space<vmem>>)
    %run_scoped3A_41 = arith.constant 78 : i32
    "tpu.region"() ({
      %run_scoped3A_113 = tpu.sem_alloc : memref<!tpu.dma_semaphore, #tpu.memory_space<semaphore_mem>>
      %dma_start3A_114 = arith.constant 0 : i32
      %dma_start3A_115 = tpu.memref_slice %arg10[%run_scoped3A_41, %dma_start3A_114] : memref<79x128xi32, #tpu.memory_space<vmem>> -> memref<1x128xi32, #tpu.memory_space<vmem>>
      %dma_start3A_116 = tpu.memref_squeeze %dma_start3A_115 : memref<1x128xi32, #tpu.memory_space<vmem>> -> memref<128xi32, #tpu.memory_space<vmem>>
      %dma_start3A_117 = arith.constant 0 : i32
      %dma_start3A_118 = arith.constant 0 : i32
      %dma_start3A_119 = tpu.memref_slice %arg11[%dma_start3A_117, %dma_start3A_118] : memref<10240x128xf32, #tpu.memory_space<vmem_shared>> -> memref<10240x128xf32, #tpu.memory_space<vmem_shared>>
      tpu.enqueue_indirect_dma source(%arg6 : memref<128x128xf32, #tpu.memory_space<vmem>>) target(%dma_start3A_119 : memref<10240x128xf32, #tpu.memory_space<vmem_shared>>) offsets(%dma_start3A_116 : memref<128xi32, #tpu.memory_space<vmem>>) semaphore(%run_scoped3A_113 : memref<!tpu.dma_semaphore, #tpu.memory_space<semaphore_mem>>) {add = true}
      %dma_wait3A_120 = arith.constant 0 : i32
      %dma_wait3A_121 = tpu.memref_slice %arg10[%run_scoped3A_41, %dma_wait3A_120] : memref<79x128xi32, #tpu.memory_space<vmem>> -> memref<1x128xi32, #tpu.memory_space<vmem>>
      %dma_wait3A_122 = tpu.memref_squeeze %dma_wait3A_121 : memref<1x128xi32, #tpu.memory_space<vmem>> -> memref<128xi32, #tpu.memory_space<vmem>>
      %dma_wait3A_123 = arith.constant 0 : i32
      %dma_wait3A_124 = arith.constant 0 : i32
      %dma_wait3A_125 = tpu.memref_slice %arg11[%dma_wait3A_123, %dma_wait3A_124] : memref<10240x128xf32, #tpu.memory_space<vmem_shared>> -> memref<10240x128xf32, #tpu.memory_space<vmem_shared>>
      tpu.wait_indirect_dma semaphore(%run_scoped3A_113 : memref<!tpu.dma_semaphore, #tpu.memory_space<semaphore_mem>>) src(%arg6 : memref<128x128xf32, #tpu.memory_space<vmem>>) dst(%dma_wait3A_125 : memref<10240x128xf32, #tpu.memory_space<vmem_shared>>)
      tpu.yield
    }) : () -> ()
    %barrier3A_42 = arith.constant 0 : index
    tpu.barrier barrier_id(%barrier3A_42)
    %add3A_43 = arith.constant 0 : i32
    %add3A_44 = arith.addi %mul3A_6, %add3A_43 : i32
    %dma_start3A_45 = arith.constant 0 : i32
    %dma_start3A_46 = tpu.memref_slice %arg11[%add3A_44, %dma_start3A_45] : memref<10240x128xf32, #tpu.memory_space<vmem_shared>> -> memref<128x128xf32, #tpu.memory_space<vmem_shared>>
    %dma_start3A_47 = arith.constant 0 : i32
    %dma_start3A_48 = tpu.memref_slice %arg11[%add3A_44, %dma_start3A_47] : memref<10240x128xf32, #tpu.memory_space<vmem_shared>> -> memref<128x128xf32, #tpu.memory_space<vmem_shared>>
    tpu.enqueue_dma source(%dma_start3A_48 : memref<128x128xf32, #tpu.memory_space<vmem_shared>>) target(%arg6 : memref<128x128xf32, #tpu.memory_space<vmem>>) target_semaphore(%arg12 : memref<!tpu.dma_semaphore, #tpu.memory_space<semaphore_mem>>)
    %add3A_49 = arith.constant 0 : i32
    %add3A_50 = arith.addi %mul3A_6, %add3A_49 : i32
    %dma_wait3A_51 = arith.constant 0 : i32
    %dma_wait3A_52 = tpu.memref_slice %arg11[%add3A_50, %dma_wait3A_51] : memref<10240x128xf32, #tpu.memory_space<vmem_shared>> -> memref<128x128xf32, #tpu.memory_space<vmem_shared>>
    %dma_wait3A_53 = arith.constant 0 : i32
    %dma_wait3A_54 = tpu.memref_slice %arg11[%add3A_50, %dma_wait3A_53] : memref<10240x128xf32, #tpu.memory_space<vmem_shared>> -> memref<128x128xf32, #tpu.memory_space<vmem_shared>>
    tpu.wait_dma2 semaphore(%arg12 : memref<!tpu.dma_semaphore, #tpu.memory_space<semaphore_mem>>) src(%dma_wait3A_54 : memref<128x128xf32, #tpu.memory_space<vmem_shared>>) dst(%arg6 : memref<128x128xf32, #tpu.memory_space<vmem>>)
    %add3A_55 = arith.constant 128 : i32
    %add3A_56 = arith.addi %mul3A_6, %add3A_55 : i32
    %dma_start3A_57 = arith.constant 0 : i32
    %dma_start3A_58 = tpu.memref_slice %arg11[%add3A_56, %dma_start3A_57] : memref<10240x128xf32, #tpu.memory_space<vmem_shared>> -> memref<128x128xf32, #tpu.memory_space<vmem_shared>>
    %dma_start3A_59 = arith.constant 0 : i32
    %dma_start3A_60 = tpu.memref_slice %arg11[%add3A_56, %dma_start3A_59] : memref<10240x128xf32, #tpu.memory_space<vmem_shared>> -> memref<128x128xf32, #tpu.memory_space<vmem_shared>>
    tpu.enqueue_dma source(%dma_start3A_60 : memref<128x128xf32, #tpu.memory_space<vmem_shared>>) target(%arg7 : memref<128x128xf32, #tpu.memory_space<vmem>>) target_semaphore(%arg13 : memref<!tpu.dma_semaphore, #tpu.memory_space<semaphore_mem>>)
    %add3A_61 = arith.constant 0 : i32
    %add3A_62 = arith.addi %mul3A_6, %add3A_61 : i32
    "tpu.region"() ({
      %run_scoped3A_113 = tpu.sem_alloc : memref<!tpu.dma_semaphore, #tpu.memory_space<semaphore_mem>>
      %dma_start3A_114 = arith.constant 0 : i32
      %dma_start3A_115 = tpu.memref_slice %arg5[%arg0, %add3A_62, %dma_start3A_114] : memref<2x10240x128xf32, #tpu.memory_space<hbm>> -> memref<1x128x128xf32, #tpu.memory_space<hbm>>
      %dma_start3A_116 = tpu.memref_squeeze %dma_start3A_115 : memref<1x128x128xf32, #tpu.memory_space<hbm>> -> memref<128x128xf32, #tpu.memory_space<hbm>>
      %dma_start3A_117 = arith.constant 0 : i32
      %dma_start3A_118 = tpu.memref_slice %arg5[%arg0, %add3A_62, %dma_start3A_117] : memref<2x10240x128xf32, #tpu.memory_space<hbm>> -> memref<1x128x128xf32, #tpu.memory_space<hbm>>
      %dma_start3A_119 = tpu.memref_squeeze %dma_start3A_118 : memref<1x128x128xf32, #tpu.memory_space<hbm>> -> memref<128x128xf32, #tpu.memory_space<hbm>>
      tpu.enqueue_dma source(%arg6 : memref<128x128xf32, #tpu.memory_space<vmem>>) target(%dma_start3A_119 : memref<128x128xf32, #tpu.memory_space<hbm>>) target_semaphore(%run_scoped3A_113 : memref<!tpu.dma_semaphore, #tpu.memory_space<semaphore_mem>>)
      %dma_wait3A_120 = arith.constant 0 : i32
      %dma_wait3A_121 = tpu.memref_slice %arg5[%arg0, %add3A_62, %dma_wait3A_120] : memref<2x10240x128xf32, #tpu.memory_space<hbm>> -> memref<1x128x128xf32, #tpu.memory_space<hbm>>
      %dma_wait3A_122 = tpu.memref_squeeze %dma_wait3A_121 : memref<1x128x128xf32, #tpu.memory_space<hbm>> -> memref<128x128xf32, #tpu.memory_space<hbm>>
      %dma_wait3A_123 = arith.constant 0 : i32
      %dma_wait3A_124 = tpu.memref_slice %arg5[%arg0, %add3A_62, %dma_wait3A_123] : memref<2x10240x128xf32, #tpu.memory_space<hbm>> -> memref<1x128x128xf32, #tpu.memory_space<hbm>>
      %dma_wait3A_125 = tpu.memref_squeeze %dma_wait3A_124 : memref<1x128x128xf32, #tpu.memory_space<hbm>> -> memref<128x128xf32, #tpu.memory_space<hbm>>
      tpu.wait_dma2 semaphore(%run_scoped3A_113 : memref<!tpu.dma_semaphore, #tpu.memory_space<semaphore_mem>>) src(%arg6 : memref<128x128xf32, #tpu.memory_space<vmem>>) dst(%dma_wait3A_125 : memref<128x128xf32, #tpu.memory_space<hbm>>)
      tpu.yield
    }) : () -> ()
    %add3A_63 = arith.constant 128 : i32
    %add3A_64 = arith.addi %mul3A_6, %add3A_63 : i32
    %dma_wait3A_65 = arith.constant 0 : i32
    %dma_wait3A_66 = tpu.memref_slice %arg11[%add3A_64, %dma_wait3A_65] : memref<10240x128xf32, #tpu.memory_space<vmem_shared>> -> memref<128x128xf32, #tpu.memory_space<vmem_shared>>
    %dma_wait3A_67 = arith.constant 0 : i32
    %dma_wait3A_68 = tpu.memref_slice %arg11[%add3A_64, %dma_wait3A_67] : memref<10240x128xf32, #tpu.memory_space<vmem_shared>> -> memref<128x128xf32, #tpu.memory_space<vmem_shared>>
    tpu.wait_dma2 semaphore(%arg13 : memref<!tpu.dma_semaphore, #tpu.memory_space<semaphore_mem>>) src(%dma_wait3A_68 : memref<128x128xf32, #tpu.memory_space<vmem_shared>>) dst(%arg7 : memref<128x128xf32, #tpu.memory_space<vmem>>)
    %add3A_69 = arith.constant 256 : i32
    %add3A_70 = arith.addi %mul3A_6, %add3A_69 : i32
    %dma_start3A_71 = arith.constant 0 : i32
    %dma_start3A_72 = tpu.memref_slice %arg11[%add3A_70, %dma_start3A_71] : memref<10240x128xf32, #tpu.memory_space<vmem_shared>> -> memref<128x128xf32, #tpu.memory_space<vmem_shared>>
    %dma_start3A_73 = arith.constant 0 : i32
    %dma_start3A_74 = tpu.memref_slice %arg11[%add3A_70, %dma_start3A_73] : memref<10240x128xf32, #tpu.memory_space<vmem_shared>> -> memref<128x128xf32, #tpu.memory_space<vmem_shared>>
    tpu.enqueue_dma source(%dma_start3A_74 : memref<128x128xf32, #tpu.memory_space<vmem_shared>>) target(%arg6 : memref<128x128xf32, #tpu.memory_space<vmem>>) target_semaphore(%arg12 : memref<!tpu.dma_semaphore, #tpu.memory_space<semaphore_mem>>)
    %add3A_75 = arith.constant 128 : i32
    %add3A_76 = arith.addi %mul3A_6, %add3A_75 : i32
    "tpu.region"() ({
      %run_scoped3A_113 = tpu.sem_alloc : memref<!tpu.dma_semaphore, #tpu.memory_space<semaphore_mem>>
      %dma_start3A_114 = arith.constant 0 : i32
      %dma_start3A_115 = tpu.memref_slice %arg5[%arg0, %add3A_76, %dma_start3A_114] : memref<2x10240x128xf32, #tpu.memory_space<hbm>> -> memref<1x128x128xf32, #tpu.memory_space<hbm>>
      %dma_start3A_116 = tpu.memref_squeeze %dma_start3A_115 : memref<1x128x128xf32, #tpu.memory_space<hbm>> -> memref<128x128xf32, #tpu.memory_space<hbm>>
      %dma_start3A_117 = arith.constant 0 : i32
      %dma_start3A_118 = tpu.memref_slice %arg5[%arg0, %add3A_76, %dma_start3A_117] : memref<2x10240x128xf32, #tpu.memory_space<hbm>> -> memref<1x128x128xf32, #tpu.memory_space<hbm>>
      %dma_start3A_119 = tpu.memref_squeeze %dma_start3A_118 : memref<1x128x128xf32, #tpu.memory_space<hbm>> -> memref<128x128xf32, #tpu.memory_space<hbm>>
      tpu.enqueue_dma source(%arg7 : memref<128x128xf32, #tpu.memory_space<vmem>>) target(%dma_start3A_119 : memref<128x128xf32, #tpu.memory_space<hbm>>) target_semaphore(%run_scoped3A_113 : memref<!tpu.dma_semaphore, #tpu.memory_space<semaphore_mem>>)
      %dma_wait3A_120 = arith.constant 0 : i32
      %dma_wait3A_121 = tpu.memref_slice %arg5[%arg0, %add3A_76, %dma_wait3A_120] : memref<2x10240x128xf32, #tpu.memory_space<hbm>> -> memref<1x128x128xf32, #tpu.memory_space<hbm>>
      %dma_wait3A_122 = tpu.memref_squeeze %dma_wait3A_121 : memref<1x128x128xf32, #tpu.memory_space<hbm>> -> memref<128x128xf32, #tpu.memory_space<hbm>>
      %dma_wait3A_123 = arith.constant 0 : i32
      %dma_wait3A_124 = tpu.memref_slice %arg5[%arg0, %add3A_76, %dma_wait3A_123] : memref<2x10240x128xf32, #tpu.memory_space<hbm>> -> memref<1x128x128xf32, #tpu.memory_space<hbm>>
      %dma_wait3A_125 = tpu.memref_squeeze %dma_wait3A_124 : memref<1x128x128xf32, #tpu.memory_space<hbm>> -> memref<128x128xf32, #tpu.memory_space<hbm>>
      tpu.wait_dma2 semaphore(%run_scoped3A_113 : memref<!tpu.dma_semaphore, #tpu.memory_space<semaphore_mem>>) src(%arg7 : memref<128x128xf32, #tpu.memory_space<vmem>>) dst(%dma_wait3A_125 : memref<128x128xf32, #tpu.memory_space<hbm>>)
      tpu.yield
    }) : () -> ()
    %add3A_77 = arith.constant 256 : i32
    %add3A_78 = arith.addi %mul3A_6, %add3A_77 : i32
    %dma_wait3A_79 = arith.constant 0 : i32
    %dma_wait3A_80 = tpu.memref_slice %arg11[%add3A_78, %dma_wait3A_79] : memref<10240x128xf32, #tpu.memory_space<vmem_shared>> -> memref<128x128xf32, #tpu.memory_space<vmem_shared>>
    %dma_wait3A_81 = arith.constant 0 : i32
    %dma_wait3A_82 = tpu.memref_slice %arg11[%add3A_78, %dma_wait3A_81] : memref<10240x128xf32, #tpu.memory_space<vmem_shared>> -> memref<128x128xf32, #tpu.memory_space<vmem_shared>>
    tpu.wait_dma2 semaphore(%arg12 : memref<!tpu.dma_semaphore, #tpu.memory_space<semaphore_mem>>) src(%dma_wait3A_82 : memref<128x128xf32, #tpu.memory_space<vmem_shared>>) dst(%arg6 : memref<128x128xf32, #tpu.memory_space<vmem>>)
    %add3A_83 = arith.constant 384 : i32
    %add3A_84 = arith.addi %mul3A_6, %add3A_83 : i32
    %dma_start3A_85 = arith.constant 0 : i32
    %dma_start3A_86 = tpu.memref_slice %arg11[%add3A_84, %dma_start3A_85] : memref<10240x128xf32, #tpu.memory_space<vmem_shared>> -> memref<128x128xf32, #tpu.memory_space<vmem_shared>>
    %dma_start3A_87 = arith.constant 0 : i32
    %dma_start3A_88 = tpu.memref_slice %arg11[%add3A_84, %dma_start3A_87] : memref<10240x128xf32, #tpu.memory_space<vmem_shared>> -> memref<128x128xf32, #tpu.memory_space<vmem_shared>>
    tpu.enqueue_dma source(%dma_start3A_88 : memref<128x128xf32, #tpu.memory_space<vmem_shared>>) target(%arg7 : memref<128x128xf32, #tpu.memory_space<vmem>>) target_semaphore(%arg13 : memref<!tpu.dma_semaphore, #tpu.memory_space<semaphore_mem>>)
    %add3A_89 = arith.constant 256 : i32
    %add3A_90 = arith.addi %mul3A_6, %add3A_89 : i32
    "tpu.region"() ({
      %run_scoped3A_113 = tpu.sem_alloc : memref<!tpu.dma_semaphore, #tpu.memory_space<semaphore_mem>>
      %dma_start3A_114 = arith.constant 0 : i32
      %dma_start3A_115 = tpu.memref_slice %arg5[%arg0, %add3A_90, %dma_start3A_114] : memref<2x10240x128xf32, #tpu.memory_space<hbm>> -> memref<1x128x128xf32, #tpu.memory_space<hbm>>
      %dma_start3A_116 = tpu.memref_squeeze %dma_start3A_115 : memref<1x128x128xf32, #tpu.memory_space<hbm>> -> memref<128x128xf32, #tpu.memory_space<hbm>>
      %dma_start3A_117 = arith.constant 0 : i32
      %dma_start3A_118 = tpu.memref_slice %arg5[%arg0, %add3A_90, %dma_start3A_117] : memref<2x10240x128xf32, #tpu.memory_space<hbm>> -> memref<1x128x128xf32, #tpu.memory_space<hbm>>
      %dma_start3A_119 = tpu.memref_squeeze %dma_start3A_118 : memref<1x128x128xf32, #tpu.memory_space<hbm>> -> memref<128x128xf32, #tpu.memory_space<hbm>>
      tpu.enqueue_dma source(%arg6 : memref<128x128xf32, #tpu.memory_space<vmem>>) target(%dma_start3A_119 : memref<128x128xf32, #tpu.memory_space<hbm>>) target_semaphore(%run_scoped3A_113 : memref<!tpu.dma_semaphore, #tpu.memory_space<semaphore_mem>>)
      %dma_wait3A_120 = arith.constant 0 : i32
      %dma_wait3A_121 = tpu.memref_slice %arg5[%arg0, %add3A_90, %dma_wait3A_120] : memref<2x10240x128xf32, #tpu.memory_space<hbm>> -> memref<1x128x128xf32, #tpu.memory_space<hbm>>
      %dma_wait3A_122 = tpu.memref_squeeze %dma_wait3A_121 : memref<1x128x128xf32, #tpu.memory_space<hbm>> -> memref<128x128xf32, #tpu.memory_space<hbm>>
      %dma_wait3A_123 = arith.constant 0 : i32
      %dma_wait3A_124 = tpu.memref_slice %arg5[%arg0, %add3A_90, %dma_wait3A_123] : memref<2x10240x128xf32, #tpu.memory_space<hbm>> -> memref<1x128x128xf32, #tpu.memory_space<hbm>>
      %dma_wait3A_125 = tpu.memref_squeeze %dma_wait3A_124 : memref<1x128x128xf32, #tpu.memory_space<hbm>> -> memref<128x128xf32, #tpu.memory_space<hbm>>
      tpu.wait_dma2 semaphore(%run_scoped3A_113 : memref<!tpu.dma_semaphore, #tpu.memory_space<semaphore_mem>>) src(%arg6 : memref<128x128xf32, #tpu.memory_space<vmem>>) dst(%dma_wait3A_125 : memref<128x128xf32, #tpu.memory_space<hbm>>)
      tpu.yield
    }) : () -> ()
    %add3A_91 = arith.constant 384 : i32
    %add3A_92 = arith.addi %mul3A_6, %add3A_91 : i32
    %dma_wait3A_93 = arith.constant 0 : i32
    %dma_wait3A_94 = tpu.memref_slice %arg11[%add3A_92, %dma_wait3A_93] : memref<10240x128xf32, #tpu.memory_space<vmem_shared>> -> memref<128x128xf32, #tpu.memory_space<vmem_shared>>
    %dma_wait3A_95 = arith.constant 0 : i32
    %dma_wait3A_96 = tpu.memref_slice %arg11[%add3A_92, %dma_wait3A_95] : memref<10240x128xf32, #tpu.memory_space<vmem_shared>> -> memref<128x128xf32, #tpu.memory_space<vmem_shared>>
    tpu.wait_dma2 semaphore(%arg13 : memref<!tpu.dma_semaphore, #tpu.memory_space<semaphore_mem>>) src(%dma_wait3A_96 : memref<128x128xf32, #tpu.memory_space<vmem_shared>>) dst(%arg7 : memref<128x128xf32, #tpu.memory_space<vmem>>)
    %add3A_97 = arith.constant 512 : i32
    %add3A_98 = arith.addi %mul3A_6, %add3A_97 : i32
    %dma_start3A_99 = arith.constant 0 : i32
    %dma_start3A_100 = tpu.memref_slice %arg11[%add3A_98, %dma_start3A_99] : memref<10240x128xf32, #tpu.memory_space<vmem_shared>> -> memref<128x128xf32, #tpu.memory_space<vmem_shared>>
    %dma_start3A_101 = arith.constant 0 : i32
    %dma_start3A_102 = tpu.memref_slice %arg11[%add3A_98, %dma_start3A_101] : memref<10240x128xf32, #tpu.memory_space<vmem_shared>> -> memref<128x128xf32, #tpu.memory_space<vmem_shared>>
    tpu.enqueue_dma source(%dma_start3A_102 : memref<128x128xf32, #tpu.memory_space<vmem_shared>>) target(%arg6 : memref<128x128xf32, #tpu.memory_space<vmem>>) target_semaphore(%arg12 : memref<!tpu.dma_semaphore, #tpu.memory_space<semaphore_mem>>)
    %add3A_103 = arith.constant 384 : i32
    %add3A_104 = arith.addi %mul3A_6, %add3A_103 : i32
    "tpu.region"() ({
      %run_scoped3A_113 = tpu.sem_alloc : memref<!tpu.dma_semaphore, #tpu.memory_space<semaphore_mem>>
      %dma_start3A_114 = arith.constant 0 : i32
      %dma_start3A_115 = tpu.memref_slice %arg5[%arg0, %add3A_104, %dma_start3A_114] : memref<2x10240x128xf32, #tpu.memory_space<hbm>> -> memref<1x128x128xf32, #tpu.memory_space<hbm>>
      %dma_start3A_116 = tpu.memref_squeeze %dma_start3A_115 : memref<1x128x128xf32, #tpu.memory_space<hbm>> -> memref<128x128xf32, #tpu.memory_space<hbm>>
      %dma_start3A_117 = arith.constant 0 : i32
      %dma_start3A_118 = tpu.memref_slice %arg5[%arg0, %add3A_104, %dma_start3A_117] : memref<2x10240x128xf32, #tpu.memory_space<hbm>> -> memref<1x128x128xf32, #tpu.memory_space<hbm>>
      %dma_start3A_119 = tpu.memref_squeeze %dma_start3A_118 : memref<1x128x128xf32, #tpu.memory_space<hbm>> -> memref<128x128xf32, #tpu.memory_space<hbm>>
      tpu.enqueue_dma source(%arg7 : memref<128x128xf32, #tpu.memory_space<vmem>>) target(%dma_start3A_119 : memref<128x128xf32, #tpu.memory_space<hbm>>) target_semaphore(%run_scoped3A_113 : memref<!tpu.dma_semaphore, #tpu.memory_space<semaphore_mem>>)
      %dma_wait3A_120 = arith.constant 0 : i32
      %dma_wait3A_121 = tpu.memref_slice %arg5[%arg0, %add3A_104, %dma_wait3A_120] : memref<2x10240x128xf32, #tpu.memory_space<hbm>> -> memref<1x128x128xf32, #tpu.memory_space<hbm>>
      %dma_wait3A_122 = tpu.memref_squeeze %dma_wait3A_121 : memref<1x128x128xf32, #tpu.memory_space<hbm>> -> memref<128x128xf32, #tpu.memory_space<hbm>>
      %dma_wait3A_123 = arith.constant 0 : i32
      %dma_wait3A_124 = tpu.memref_slice %arg5[%arg0, %add3A_104, %dma_wait3A_123] : memref<2x10240x128xf32, #tpu.memory_space<hbm>> -> memref<1x128x128xf32, #tpu.memory_space<hbm>>
      %dma_wait3A_125 = tpu.memref_squeeze %dma_wait3A_124 : memref<1x128x128xf32, #tpu.memory_space<hbm>> -> memref<128x128xf32, #tpu.memory_space<hbm>>
      tpu.wait_dma2 semaphore(%run_scoped3A_113 : memref<!tpu.dma_semaphore, #tpu.memory_space<semaphore_mem>>) src(%arg7 : memref<128x128xf32, #tpu.memory_space<vmem>>) dst(%dma_wait3A_125 : memref<128x128xf32, #tpu.memory_space<hbm>>)
      tpu.yield
    }) : () -> ()
    %add3A_105 = arith.constant 512 : i32
    %add3A_106 = arith.addi %mul3A_6, %add3A_105 : i32
    %dma_wait3A_107 = arith.constant 0 : i32
    %dma_wait3A_108 = tpu.memref_slice %arg11[%add3A_106, %dma_wait3A_107] : memref<10240x128xf32, #tpu.memory_space<vmem_shared>> -> memref<128x128xf32, #tpu.memory_space<vmem_shared>>
    %dma_wait3A_109 = arith.constant 0 : i32
    %dma_wait3A_110 = tpu.memref_slice %arg11[%add3A_106, %dma_wait3A_109] : memref<10240x128xf32, #tpu.memory_space<vmem_shared>> -> memref<128x128xf32, #tpu.memory_space<vmem_shared>>
    tpu.wait_dma2 semaphore(%arg12 : memref<!tpu.dma_semaphore, #tpu.memory_space<semaphore_mem>>) src(%dma_wait3A_110 : memref<128x128xf32, #tpu.memory_space<vmem_shared>>) dst(%arg6 : memref<128x128xf32, #tpu.memory_space<vmem>>)
    %add3A_111 = arith.constant 512 : i32
    %add3A_112 = arith.addi %mul3A_6, %add3A_111 : i32
    "tpu.region"() ({
      %run_scoped3A_113 = tpu.sem_alloc : memref<!tpu.dma_semaphore, #tpu.memory_space<semaphore_mem>>
      %dma_start3A_114 = arith.constant 0 : i32
      %dma_start3A_115 = tpu.memref_slice %arg5[%arg0, %add3A_112, %dma_start3A_114] : memref<2x10240x128xf32, #tpu.memory_space<hbm>> -> memref<1x128x128xf32, #tpu.memory_space<hbm>>
      %dma_start3A_116 = tpu.memref_squeeze %dma_start3A_115 : memref<1x128x128xf32, #tpu.memory_space<hbm>> -> memref<128x128xf32, #tpu.memory_space<hbm>>
      %dma_start3A_117 = arith.constant 0 : i32
      %dma_start3A_118 = tpu.memref_slice %arg5[%arg0, %add3A_112, %dma_start3A_117] : memref<2x10240x128xf32, #tpu.memory_space<hbm>> -> memref<1x128x128xf32, #tpu.memory_space<hbm>>
      %dma_start3A_119 = tpu.memref_squeeze %dma_start3A_118 : memref<1x128x128xf32, #tpu.memory_space<hbm>> -> memref<128x128xf32, #tpu.memory_space<hbm>>
      tpu.enqueue_dma source(%arg6 : memref<128x128xf32, #tpu.memory_space<vmem>>) target(%dma_start3A_119 : memref<128x128xf32, #tpu.memory_space<hbm>>) target_semaphore(%run_scoped3A_113 : memref<!tpu.dma_semaphore, #tpu.memory_space<semaphore_mem>>)
      %dma_wait3A_120 = arith.constant 0 : i32
      %dma_wait3A_121 = tpu.memref_slice %arg5[%arg0, %add3A_112, %dma_wait3A_120] : memref<2x10240x128xf32, #tpu.memory_space<hbm>> -> memref<1x128x128xf32, #tpu.memory_space<hbm>>
      %dma_wait3A_122 = tpu.memref_squeeze %dma_wait3A_121 : memref<1x128x128xf32, #tpu.memory_space<hbm>> -> memref<128x128xf32, #tpu.memory_space<hbm>>
      %dma_wait3A_123 = arith.constant 0 : i32
      %dma_wait3A_124 = tpu.memref_slice %arg5[%arg0, %add3A_112, %dma_wait3A_123] : memref<2x10240x128xf32, #tpu.memory_space<hbm>> -> memref<1x128x128xf32, #tpu.memory_space<hbm>>
      %dma_wait3A_125 = tpu.memref_squeeze %dma_wait3A_124 : memref<1x128x128xf32, #tpu.memory_space<hbm>> -> memref<128x128xf32, #tpu.memory_space<hbm>>
      tpu.wait_dma2 semaphore(%run_scoped3A_113 : memref<!tpu.dma_semaphore, #tpu.memory_space<semaphore_mem>>) src(%arg6 : memref<128x128xf32, #tpu.memory_space<vmem>>) dst(%dma_wait3A_125 : memref<128x128xf32, #tpu.memory_space<hbm>>)
      tpu.yield
    }) : () -> ()
    return
  }
}

#map = affine_map<(d0, d1) -> (0, 0, 0)>
module attributes {stable_mosaic.version = 14 : i64} {
  func.func @deg_kernel(%arg0: i32, %arg1: i32, %arg2: memref<32x79x128xi32, #tpu.memory_space<hbm>>, %arg3: memref<2x10240x16xf32, #tpu.memory_space<hbm>>, %arg4: memref<128x16xf32, #tpu.memory_space<vmem>>, %arg5: memref<128x16xf32, #tpu.memory_space<vmem>>, %arg6: memref<79x128xi32, #tpu.memory_space<vmem>>, %arg7: memref<10240x16xf32, #tpu.memory_space<vmem_shared>>, %arg8: memref<!tpu.dma_semaphore, #tpu.memory_space<semaphore_mem>>) attributes {dimension_semantics = [#tpu.dimension_semantics<core_parallel>, #tpu.dimension_semantics<subcore_parallel>], iteration_bounds = array<i64: 2, 16>, scalar_prefetch = 0 : i64, scratch_operands = 5 : i64, tpu.core_type = #tpu.core_type<sc_vector_subcore>, window_params = [{transform_indices = #map}, {transform_indices = #map}]} {
    %mul3A = arith.constant 16 : i32
    %mul3A_0 = arith.muli %arg0, %mul3A : i32
    %add3A = arith.addi %mul3A_0, %arg1 : i32
    %eq3A = arith.constant 0 : i32
    %eq3A_1 = arith.cmpi eq, %arg0, %eq3A : i32
    %jit3A = arith.constant 1.000000e+00 : f32
    %jit3A_2 = arith.constant 0.000000e+00 : f32
    %select_n3A = arith.select %eq3A_1, %jit3A, %jit3A_2 : f32
    "tpu.region"() ({
      %run_scoped3A = tpu.sem_alloc : memref<!tpu.dma_semaphore, #tpu.memory_space<semaphore_mem>>
      %dma_start3A = arith.constant 0 : i32
      %dma_start3A_30 = arith.constant 0 : i32
      %dma_start3A_31 = tpu.memref_slice %arg2[%add3A, %dma_start3A, %dma_start3A_30] : memref<32x79x128xi32, #tpu.memory_space<hbm>> -> memref<1x79x128xi32, #tpu.memory_space<hbm>>
      %dma_start3A_32 = tpu.memref_squeeze %dma_start3A_31 : memref<1x79x128xi32, #tpu.memory_space<hbm>> -> memref<79x128xi32, #tpu.memory_space<hbm>>
      %dma_start3A_33 = arith.constant 0 : i32
      %dma_start3A_34 = arith.constant 0 : i32
      %dma_start3A_35 = tpu.memref_slice %arg2[%add3A, %dma_start3A_33, %dma_start3A_34] : memref<32x79x128xi32, #tpu.memory_space<hbm>> -> memref<1x79x128xi32, #tpu.memory_space<hbm>>
      %dma_start3A_36 = tpu.memref_squeeze %dma_start3A_35 : memref<1x79x128xi32, #tpu.memory_space<hbm>> -> memref<79x128xi32, #tpu.memory_space<hbm>>
      tpu.enqueue_dma source(%dma_start3A_36 : memref<79x128xi32, #tpu.memory_space<hbm>>) target(%arg6 : memref<79x128xi32, #tpu.memory_space<vmem>>) target_semaphore(%run_scoped3A : memref<!tpu.dma_semaphore, #tpu.memory_space<semaphore_mem>>)
      %dma_wait3A = arith.constant 0 : i32
      %dma_wait3A_37 = arith.constant 0 : i32
      %dma_wait3A_38 = tpu.memref_slice %arg2[%add3A, %dma_wait3A, %dma_wait3A_37] : memref<32x79x128xi32, #tpu.memory_space<hbm>> -> memref<1x79x128xi32, #tpu.memory_space<hbm>>
      %dma_wait3A_39 = tpu.memref_squeeze %dma_wait3A_38 : memref<1x79x128xi32, #tpu.memory_space<hbm>> -> memref<79x128xi32, #tpu.memory_space<hbm>>
      %dma_wait3A_40 = arith.constant 0 : i32
      %dma_wait3A_41 = arith.constant 0 : i32
      %dma_wait3A_42 = tpu.memref_slice %arg2[%add3A, %dma_wait3A_40, %dma_wait3A_41] : memref<32x79x128xi32, #tpu.memory_space<hbm>> -> memref<1x79x128xi32, #tpu.memory_space<hbm>>
      %dma_wait3A_43 = tpu.memref_squeeze %dma_wait3A_42 : memref<1x79x128xi32, #tpu.memory_space<hbm>> -> memref<79x128xi32, #tpu.memory_space<hbm>>
      tpu.wait_dma2 semaphore(%run_scoped3A : memref<!tpu.dma_semaphore, #tpu.memory_space<semaphore_mem>>) src(%dma_wait3A_43 : memref<79x128xi32, #tpu.memory_space<hbm>>) dst(%arg6 : memref<79x128xi32, #tpu.memory_space<vmem>>)
      tpu.yield
    }) : () -> ()
    %scan3A = arith.constant 0 : i32
    %scan3A_3 = arith.constant 128 : i32
    %scan3A_4 = arith.addi %scan3A, %scan3A_3 : i32
    %scan3A_5 = arith.constant 1 : i32
    scf.for %scan3A_30 = %scan3A to %scan3A_4 step %scan3A_5  : i32 {
      %mul3A_31 = arith.constant 1 : i32
      %mul3A_32 = arith.muli %scan3A_30, %mul3A_31 : i32
      %add3A_33 = arith.constant 0 : i32
      %add3A_34 = arith.addi %add3A_33, %mul3A_32 : i32
      %broadcast_in_dim3A = arith.constant 1.000000e+00 : f32
      %broadcast_in_dim3A_35 = vector.broadcast %broadcast_in_dim3A : f32 to vector<16xf32>
      %swap3A = arith.index_cast %add3A_34 : i32 to index
      %swap3A_36 = arith.constant 0 : index
      %swap3A_37 = tpu.vector_load %arg4[%swap3A, %swap3A_36] {strides = array<i32>} : memref<128x16xf32, #tpu.memory_space<vmem>>, vector<1x16xf32>,
      %swap3A_38 = vector.shape_cast %swap3A_37 : vector<1x16xf32> to vector<16xf32>
      %swap3A_39 = vector.shape_cast %broadcast_in_dim3A_35 : vector<16xf32> to vector<1x16xf32>
      tpu.vector_store %arg4[%swap3A, %swap3A_36], %swap3A_39 {strides = array<i32>} : memref<128x16xf32, #tpu.memory_space<vmem>>, vector<1x16xf32>,
      %broadcast_in_dim3A_40 = vector.broadcast %select_n3A : f32 to vector<16xf32>
      %swap3A_41 = arith.index_cast %add3A_34 : i32 to index
      %swap3A_42 = arith.constant 0 : index
      %swap3A_43 = tpu.vector_load %arg5[%swap3A_41, %swap3A_42] {strides = array<i32>} : memref<128x16xf32, #tpu.memory_space<vmem>>, vector<1x16xf32>,
      %swap3A_44 = vector.shape_cast %swap3A_43 : vector<1x16xf32> to vector<16xf32>
      %swap3A_45 = vector.shape_cast %broadcast_in_dim3A_40 : vector<16xf32> to vector<1x16xf32>
      tpu.vector_store %arg5[%swap3A_41, %swap3A_42], %swap3A_45 {strides = array<i32>} : memref<128x16xf32, #tpu.memory_space<vmem>>, vector<1x16xf32>,
    }
    %scan3A_6 = arith.constant 128 : i32
    %mul3A_7 = arith.constant 640 : i32
    %mul3A_8 = arith.muli %arg1, %mul3A_7 : i32
    %scan3A_9 = arith.constant 0 : i32
    %scan3A_10 = arith.constant 5 : i32
    %scan3A_11 = arith.addi %scan3A_9, %scan3A_10 : i32
    %scan3A_12 = arith.constant 1 : i32
    scf.for %scan3A_30 = %scan3A_9 to %scan3A_11 step %scan3A_12  : i32 {
      %mul3A_31 = arith.constant 1 : i32
      %mul3A_32 = arith.muli %scan3A_30, %mul3A_31 : i32
      %add3A_33 = arith.constant 0 : i32
      %add3A_34 = arith.addi %add3A_33, %mul3A_32 : i32
      %mul3A_35 = arith.constant 128 : i32
      %mul3A_36 = arith.muli %add3A_34, %mul3A_35 : i32
      %add3A_37 = arith.addi %mul3A_8, %mul3A_36 : i32
      %dma_start3A = arith.constant 0 : i32
      %dma_start3A_38 = tpu.memref_slice %arg7[%add3A_37, %dma_start3A] : memref<10240x16xf32, #tpu.memory_space<vmem_shared>> -> memref<128x16xf32, #tpu.memory_space<vmem_shared>>
      %dma_start3A_39 = arith.constant 0 : i32
      %dma_start3A_40 = tpu.memref_slice %arg7[%add3A_37, %dma_start3A_39] : memref<10240x16xf32, #tpu.memory_space<vmem_shared>> -> memref<128x16xf32, #tpu.memory_space<vmem_shared>>
      tpu.enqueue_dma source(%arg5 : memref<128x16xf32, #tpu.memory_space<vmem>>) target(%dma_start3A_40 : memref<128x16xf32, #tpu.memory_space<vmem_shared>>) target_semaphore(%arg8 : memref<!tpu.dma_semaphore, #tpu.memory_space<semaphore_mem>>)
    }
    %scan3A_13 = arith.constant 5 : i32
    %scan3A_14 = arith.constant 0 : i32
    %scan3A_15 = arith.constant 5 : i32
    %scan3A_16 = arith.addi %scan3A_14, %scan3A_15 : i32
    %scan3A_17 = arith.constant 1 : i32
    scf.for %scan3A_30 = %scan3A_14 to %scan3A_16 step %scan3A_17  : i32 {
      %mul3A_31 = arith.constant 1 : i32
      %mul3A_32 = arith.muli %scan3A_30, %mul3A_31 : i32
      %add3A_33 = arith.constant 0 : i32
      %add3A_34 = arith.addi %add3A_33, %mul3A_32 : i32
      %mul3A_35 = arith.constant 128 : i32
      %mul3A_36 = arith.muli %add3A_34, %mul3A_35 : i32
      %add3A_37 = arith.addi %mul3A_8, %mul3A_36 : i32
      %dma_wait3A = arith.constant 0 : i32
      %dma_wait3A_38 = tpu.memref_slice %arg7[%add3A_37, %dma_wait3A] : memref<10240x16xf32, #tpu.memory_space<vmem_shared>> -> memref<128x16xf32, #tpu.memory_space<vmem_shared>>
      %dma_wait3A_39 = arith.constant 0 : i32
      %dma_wait3A_40 = tpu.memref_slice %arg7[%add3A_37, %dma_wait3A_39] : memref<10240x16xf32, #tpu.memory_space<vmem_shared>> -> memref<128x16xf32, #tpu.memory_space<vmem_shared>>
      tpu.wait_dma2 semaphore(%arg8 : memref<!tpu.dma_semaphore, #tpu.memory_space<semaphore_mem>>) src(%arg5 : memref<128x16xf32, #tpu.memory_space<vmem>>) dst(%dma_wait3A_40 : memref<128x16xf32, #tpu.memory_space<vmem_shared>>)
    }
    %scan3A_18 = arith.constant 5 : i32
    %barrier3A = arith.constant 0 : index
    tpu.barrier barrier_id(%barrier3A)
    %scan3A_19 = arith.constant 0 : i32
    %scan3A_20 = arith.constant 79 : i32
    %scan3A_21 = arith.addi %scan3A_19, %scan3A_20 : i32
    %scan3A_22 = arith.constant 1 : i32
    scf.for %scan3A_30 = %scan3A_19 to %scan3A_21 step %scan3A_22  : i32 {
      %mul3A_31 = arith.constant 1 : i32
      %mul3A_32 = arith.muli %scan3A_30, %mul3A_31 : i32
      %add3A_33 = arith.constant 0 : i32
      %add3A_34 = arith.addi %add3A_33, %mul3A_32 : i32
      "tpu.region"() ({
        %run_scoped3A = tpu.sem_alloc : memref<!tpu.dma_semaphore, #tpu.memory_space<semaphore_mem>>
        %dma_start3A = arith.constant 0 : i32
        %dma_start3A_35 = tpu.memref_slice %arg6[%add3A_34, %dma_start3A] : memref<79x128xi32, #tpu.memory_space<vmem>> -> memref<1x128xi32, #tpu.memory_space<vmem>>
        %dma_start3A_36 = tpu.memref_squeeze %dma_start3A_35 : memref<1x128xi32, #tpu.memory_space<vmem>> -> memref<128xi32, #tpu.memory_space<vmem>>
        %dma_start3A_37 = arith.constant 0 : i32
        %dma_start3A_38 = arith.constant 0 : i32
        %dma_start3A_39 = tpu.memref_slice %arg7[%dma_start3A_37, %dma_start3A_38] : memref<10240x16xf32, #tpu.memory_space<vmem_shared>> -> memref<10240x16xf32, #tpu.memory_space<vmem_shared>>
        tpu.enqueue_indirect_dma source(%arg4 : memref<128x16xf32, #tpu.memory_space<vmem>>) target(%dma_start3A_39 : memref<10240x16xf32, #tpu.memory_space<vmem_shared>>) offsets(%dma_start3A_36 : memref<128xi32, #tpu.memory_space<vmem>>) semaphore(%run_scoped3A : memref<!tpu.dma_semaphore, #tpu.memory_space<semaphore_mem>>) {add = true}
        %dma_wait3A = arith.constant 0 : i32
        %dma_wait3A_40 = tpu.memref_slice %arg6[%add3A_34, %dma_wait3A] : memref<79x128xi32, #tpu.memory_space<vmem>> -> memref<1x128xi32, #tpu.memory_space<vmem>>
        %dma_wait3A_41 = tpu.memref_squeeze %dma_wait3A_40 : memref<1x128xi32, #tpu.memory_space<vmem>> -> memref<128xi32, #tpu.memory_space<vmem>>
        %dma_wait3A_42 = arith.constant 0 : i32
        %dma_wait3A_43 = arith.constant 0 : i32
        %dma_wait3A_44 = tpu.memref_slice %arg7[%dma_wait3A_42, %dma_wait3A_43] : memref<10240x16xf32, #tpu.memory_space<vmem_shared>> -> memref<10240x16xf32, #tpu.memory_space<vmem_shared>>
        tpu.wait_indirect_dma semaphore(%run_scoped3A : memref<!tpu.dma_semaphore, #tpu.memory_space<semaphore_mem>>) src(%arg4 : memref<128x16xf32, #tpu.memory_space<vmem>>) dst(%dma_wait3A_44 : memref<10240x16xf32, #tpu.memory_space<vmem_shared>>)
        tpu.yield
      }) : () -> ()
    }
    %scan3A_23 = arith.constant 79 : i32
    %barrier3A_24 = arith.constant 0 : index
    tpu.barrier barrier_id(%barrier3A_24)
    %scan3A_25 = arith.constant 0 : i32
    %scan3A_26 = arith.constant 5 : i32
    %scan3A_27 = arith.addi %scan3A_25, %scan3A_26 : i32
    %scan3A_28 = arith.constant 1 : i32
    scf.for %scan3A_30 = %scan3A_25 to %scan3A_27 step %scan3A_28  : i32 {
      %mul3A_31 = arith.constant 1 : i32
      %mul3A_32 = arith.muli %scan3A_30, %mul3A_31 : i32
      %add3A_33 = arith.constant 0 : i32
      %add3A_34 = arith.addi %add3A_33, %mul3A_32 : i32
      %mul3A_35 = arith.constant 128 : i32
      %mul3A_36 = arith.muli %add3A_34, %mul3A_35 : i32
      %add3A_37 = arith.addi %mul3A_8, %mul3A_36 : i32
      "tpu.region"() ({
        %run_scoped3A = tpu.sem_alloc : memref<!tpu.dma_semaphore, #tpu.memory_space<semaphore_mem>>
        %dma_start3A = arith.constant 0 : i32
        %dma_start3A_41 = tpu.memref_slice %arg7[%add3A_37, %dma_start3A] : memref<10240x16xf32, #tpu.memory_space<vmem_shared>> -> memref<128x16xf32, #tpu.memory_space<vmem_shared>>
        %dma_start3A_42 = arith.constant 0 : i32
        %dma_start3A_43 = tpu.memref_slice %arg7[%add3A_37, %dma_start3A_42] : memref<10240x16xf32, #tpu.memory_space<vmem_shared>> -> memref<128x16xf32, #tpu.memory_space<vmem_shared>>
        tpu.enqueue_dma source(%dma_start3A_43 : memref<128x16xf32, #tpu.memory_space<vmem_shared>>) target(%arg5 : memref<128x16xf32, #tpu.memory_space<vmem>>) target_semaphore(%run_scoped3A : memref<!tpu.dma_semaphore, #tpu.memory_space<semaphore_mem>>)
        %dma_wait3A = arith.constant 0 : i32
        %dma_wait3A_44 = tpu.memref_slice %arg7[%add3A_37, %dma_wait3A] : memref<10240x16xf32, #tpu.memory_space<vmem_shared>> -> memref<128x16xf32, #tpu.memory_space<vmem_shared>>
        %dma_wait3A_45 = arith.constant 0 : i32
        %dma_wait3A_46 = tpu.memref_slice %arg7[%add3A_37, %dma_wait3A_45] : memref<10240x16xf32, #tpu.memory_space<vmem_shared>> -> memref<128x16xf32, #tpu.memory_space<vmem_shared>>
        tpu.wait_dma2 semaphore(%run_scoped3A : memref<!tpu.dma_semaphore, #tpu.memory_space<semaphore_mem>>) src(%dma_wait3A_46 : memref<128x16xf32, #tpu.memory_space<vmem_shared>>) dst(%arg5 : memref<128x16xf32, #tpu.memory_space<vmem>>)
        tpu.yield
      }) : () -> ()
      %mul3A_38 = arith.constant 128 : i32
      %mul3A_39 = arith.muli %add3A_34, %mul3A_38 : i32
      %add3A_40 = arith.addi %mul3A_8, %mul3A_39 : i32
      "tpu.region"() ({
        %run_scoped3A = tpu.sem_alloc : memref<!tpu.dma_semaphore, #tpu.memory_space<semaphore_mem>>
        %dma_start3A = arith.constant 0 : i32
        %dma_start3A_41 = tpu.memref_slice %arg3[%arg0, %add3A_40, %dma_start3A] : memref<2x10240x16xf32, #tpu.memory_space<hbm>> -> memref<1x128x16xf32, #tpu.memory_space<hbm>>
        %dma_start3A_42 = tpu.memref_squeeze %dma_start3A_41 : memref<1x128x16xf32, #tpu.memory_space<hbm>> -> memref<128x16xf32, #tpu.memory_space<hbm>>
        %dma_start3A_43 = arith.constant 0 : i32
        %dma_start3A_44 = tpu.memref_slice %arg3[%arg0, %add3A_40, %dma_start3A_43] : memref<2x10240x16xf32, #tpu.memory_space<hbm>> -> memref<1x128x16xf32, #tpu.memory_space<hbm>>
        %dma_start3A_45 = tpu.memref_squeeze %dma_start3A_44 : memref<1x128x16xf32, #tpu.memory_space<hbm>> -> memref<128x16xf32, #tpu.memory_space<hbm>>
        tpu.enqueue_dma source(%arg5 : memref<128x16xf32, #tpu.memory_space<vmem>>) target(%dma_start3A_45 : memref<128x16xf32, #tpu.memory_space<hbm>>) target_semaphore(%run_scoped3A : memref<!tpu.dma_semaphore, #tpu.memory_space<semaphore_mem>>)
        %dma_wait3A = arith.constant 0 : i32
        %dma_wait3A_46 = tpu.memref_slice %arg3[%arg0, %add3A_40, %dma_wait3A] : memref<2x10240x16xf32, #tpu.memory_space<hbm>> -> memref<1x128x16xf32, #tpu.memory_space<hbm>>
        %dma_wait3A_47 = tpu.memref_squeeze %dma_wait3A_46 : memref<1x128x16xf32, #tpu.memory_space<hbm>> -> memref<128x16xf32, #tpu.memory_space<hbm>>
        %dma_wait3A_48 = arith.constant 0 : i32
        %dma_wait3A_49 = tpu.memref_slice %arg3[%arg0, %add3A_40, %dma_wait3A_48] : memref<2x10240x16xf32, #tpu.memory_space<hbm>> -> memref<1x128x16xf32, #tpu.memory_space<hbm>>
        %dma_wait3A_50 = tpu.memref_squeeze %dma_wait3A_49 : memref<1x128x16xf32, #tpu.memory_space<hbm>> -> memref<128x16xf32, #tpu.memory_space<hbm>>
        tpu.wait_dma2 semaphore(%run_scoped3A : memref<!tpu.dma_semaphore, #tpu.memory_space<semaphore_mem>>) src(%arg5 : memref<128x16xf32, #tpu.memory_space<vmem>>) dst(%dma_wait3A_50 : memref<128x16xf32, #tpu.memory_space<hbm>>)
        tpu.yield
      }) : () -> ()
    }
    %scan3A_29 = arith.constant 5 : i32
    return
  }
}

module attributes {stable_mosaic.version = 14 : i64} {
  func.func @_mmscale_body(%arg0: i32, %arg1: memref<2000x128xf32, #tpu.memory_space<vmem>>, %arg2: memref<128x128xf32, #tpu.memory_space<vmem>>, %arg3: memref<2x2000x16xf32, #tpu.memory_space<vmem>>, %arg4: memref<2000x128xf32, #tpu.memory_space<vmem>>) attributes {dimension_semantics = [#tpu.dimension_semantics<arbitrary>], iteration_bounds = array<i64: 5>, scalar_prefetch = 0 : i64, scratch_operands = 0 : i64, tpu.core_type = #tpu.core_type<tc>, window_params = [{transform_indices = @transform_0, window_bounds = array<i64: 2000, 128>}, {pipeline_mode = #tpu.pipeline_mode<synchronous>, transform_indices = @transform_1, window_bounds = array<i64: 128, 128>}, {transform_indices = @transform_2, window_bounds = array<i64: 2, 2000, 16>}, {transform_indices = @transform_3, window_bounds = array<i64: 2000, 128>}]} {
    %get3A = arith.constant 0 : index
    %get3A_0 = arith.constant 0 : index
    %get3A_1 = vector.load %arg1[%get3A, %get3A_0] : memref<2000x128xf32, #tpu.memory_space<vmem>>, vector<2000x128xf32>
    %get3A_2 = arith.constant 0 : index
    %get3A_3 = arith.constant 0 : index
    %get3A_4 = vector.load %arg2[%get3A_2, %get3A_3] : memref<128x128xf32, #tpu.memory_space<vmem>>, vector<128x128xf32>
    %dot_general3A = arith.constant dense<0.000000e+00> : vector<2000x128xf32>
    %dot_general3A_5 = tpu.matmul %get3A_1, %get3A_4, %dot_general3A {dimension_numbers = #tpu.dot_dimension_numbers<[1], [0], [0], [1], [0, 0, 1, 1], [], []>, transpose_lhs_hint = false} : vector<2000x128xf32>, vector<128x128xf32>, vector<2000x128xf32> -> vector<2000x128xf32>
    %get3A_6 = arith.constant 0 : index
    %get3A_7 = arith.constant 0 : index
    %get3A_8 = arith.constant 0 : index
    %get3A_9 = vector.load %arg3[%get3A_6, %get3A_7, %get3A_8] : memref<2x2000x16xf32, #tpu.memory_space<vmem>>, vector<1x2000x16xf32>
    %get3A_10 = vector.shape_cast %get3A_9 : vector<1x2000x16xf32> to vector<2000x16xf32>
    %get3A_11 = arith.constant 1 : index
    %get3A_12 = arith.constant 0 : index
    %get3A_13 = arith.constant 0 : index
    %get3A_14 = vector.load %arg3[%get3A_11, %get3A_12, %get3A_13] : memref<2x2000x16xf32, #tpu.memory_space<vmem>>, vector<1x2000x16xf32>
    %get3A_15 = vector.shape_cast %get3A_14 : vector<1x2000x16xf32> to vector<2000x16xf32>
    %add3A = arith.addf %get3A_10, %get3A_15 : vector<2000x16xf32>
    %slice3A = vector.extract_strided_slice %add3A {offsets = [0, 0], sizes = [2000, 1], strides = [1, 1]} : vector<2000x16xf32> to vector<2000x1xf32>
    %rsqrt3A = math.rsqrt %slice3A : vector<2000x1xf32>
    %mul3A = vector.broadcast %rsqrt3A : vector<2000x1xf32> to vector<2000x128xf32>
    %mul3A_16 = arith.mulf %dot_general3A_5, %mul3A : vector<2000x128xf32>
    %swap3A = arith.constant 0 : index
    %swap3A_17 = arith.constant 0 : index
    %swap3A_18 = vector.load %arg4[%swap3A, %swap3A_17] : memref<2000x128xf32, #tpu.memory_space<vmem>>, vector<2000x128xf32>
    tpu.vector_store %arg4[%swap3A, %swap3A_17], %mul3A_16 {strides = array<i32>} : memref<2000x128xf32, #tpu.memory_space<vmem>>, vector<2000x128xf32>,
    return
  }
  func.func @transform_0(%arg0: i32) -> (i32, i32) {
    %c0_i32 = arith.constant 0 : i32
    %c0_i32_0 = arith.constant 0 : i32
    return %arg0, %c0_i32 : i32, i32
  }
  func.func @transform_1(%arg0: i32) -> (i32, i32) {
    %c0_i32 = arith.constant 0 : i32
    %c0_i32_0 = arith.constant 0 : i32
    %c0_i32_1 = arith.constant 0 : i32
    return %c0_i32, %c0_i32_0 : i32, i32
  }
  func.func @transform_2(%arg0: i32) -> (i32, i32, i32) {
    %c0_i32 = arith.constant 0 : i32
    %c0_i32_0 = arith.constant 0 : i32
    %c0_i32_1 = arith.constant 0 : i32
    return %c0_i32, %arg0, %c0_i32_0 : i32, i32, i32
  }
  func.func @transform_3(%arg0: i32) -> (i32, i32) {
    %c0_i32 = arith.constant 0 : i32
    %c0_i32_0 = arith.constant 0 : i32
    return %arg0, %c0_i32 : i32, i32
  }
}

module attributes {stable_mosaic.version = 14 : i64} {
  func.func @_stage2_body(%arg0: i32, %arg1: memref<2x2000x128xf32, #tpu.memory_space<vmem>>, %arg2: memref<2000x128xf32, #tpu.memory_space<vmem>>, %arg3: memref<2x2000x16xf32, #tpu.memory_space<vmem>>, %arg4: memref<128x128xf32, #tpu.memory_space<vmem>>, %arg5: memref<1x128xf32, #tpu.memory_space<vmem>>, %arg6: memref<2000x128xf32, #tpu.memory_space<vmem>>) attributes {dimension_semantics = [#tpu.dimension_semantics<arbitrary>], iteration_bounds = array<i64: 5>, scalar_prefetch = 0 : i64, scratch_operands = 0 : i64, tpu.core_type = #tpu.core_type<tc>, window_params = [{transform_indices = @transform_0, window_bounds = array<i64: 2, 2000, 128>}, {transform_indices = @transform_1, window_bounds = array<i64: 2000, 128>}, {transform_indices = @transform_2, window_bounds = array<i64: 2, 2000, 16>}, {pipeline_mode = #tpu.pipeline_mode<synchronous>, transform_indices = @transform_3, window_bounds = array<i64: 128, 128>}, {pipeline_mode = #tpu.pipeline_mode<synchronous>, transform_indices = @transform_4, window_bounds = array<i64: 1, 128>}, {transform_indices = @transform_5, window_bounds = array<i64: 2000, 128>}]} {
    %get3A = arith.constant 0 : index
    %get3A_0 = arith.constant 0 : index
    %get3A_1 = arith.constant 0 : index
    %get3A_2 = vector.load %arg3[%get3A, %get3A_0, %get3A_1] : memref<2x2000x16xf32, #tpu.memory_space<vmem>>, vector<1x2000x16xf32>
    %get3A_3 = vector.shape_cast %get3A_2 : vector<1x2000x16xf32> to vector<2000x16xf32>
    %get3A_4 = arith.constant 1 : index
    %get3A_5 = arith.constant 0 : index
    %get3A_6 = arith.constant 0 : index
    %get3A_7 = vector.load %arg3[%get3A_4, %get3A_5, %get3A_6] : memref<2x2000x16xf32, #tpu.memory_space<vmem>>, vector<1x2000x16xf32>
    %get3A_8 = vector.shape_cast %get3A_7 : vector<1x2000x16xf32> to vector<2000x16xf32>
    %add3A = arith.addf %get3A_3, %get3A_8 : vector<2000x16xf32>
    %slice3A = vector.extract_strided_slice %add3A {offsets = [0, 0], sizes = [2000, 1], strides = [1, 1]} : vector<2000x16xf32> to vector<2000x1xf32>
    %rsqrt3A = math.rsqrt %slice3A : vector<2000x1xf32>
    %get3A_9 = arith.constant 0 : index
    %get3A_10 = arith.constant 0 : index
    %get3A_11 = arith.constant 0 : index
    %get3A_12 = vector.load %arg1[%get3A_9, %get3A_10, %get3A_11] : memref<2x2000x128xf32, #tpu.memory_space<vmem>>, vector<1x2000x128xf32>
    %get3A_13 = vector.shape_cast %get3A_12 : vector<1x2000x128xf32> to vector<2000x128xf32>
    %get3A_14 = arith.constant 1 : index
    %get3A_15 = arith.constant 0 : index
    %get3A_16 = arith.constant 0 : index
    %get3A_17 = vector.load %arg1[%get3A_14, %get3A_15, %get3A_16] : memref<2x2000x128xf32, #tpu.memory_space<vmem>>, vector<1x2000x128xf32>
    %get3A_18 = vector.shape_cast %get3A_17 : vector<1x2000x128xf32> to vector<2000x128xf32>
    %add3A_19 = arith.addf %get3A_13, %get3A_18 : vector<2000x128xf32>
    %get3A_20 = arith.constant 0 : index
    %get3A_21 = arith.constant 0 : index
    %get3A_22 = vector.load %arg2[%get3A_20, %get3A_21] : memref<2000x128xf32, #tpu.memory_space<vmem>>, vector<2000x128xf32>
    %add3A_23 = arith.addf %add3A_19, %get3A_22 : vector<2000x128xf32>
    %mul3A = vector.broadcast %rsqrt3A : vector<2000x1xf32> to vector<2000x128xf32>
    %mul3A_24 = arith.mulf %add3A_23, %mul3A : vector<2000x128xf32>
    %get3A_25 = arith.constant 0 : index
    %get3A_26 = arith.constant 0 : index
    %get3A_27 = vector.load %arg5[%get3A_25, %get3A_26] : memref<1x128xf32, #tpu.memory_space<vmem>>, vector<1x128xf32>
    %add3A_28 = vector.broadcast %get3A_27 : vector<1x128xf32> to vector<2000x128xf32>
    %add3A_29 = arith.addf %mul3A_24, %add3A_28 : vector<2000x128xf32>
    %gt3A = arith.constant 0.000000e+00 : f32
    %gt3A_30 = vector.broadcast %gt3A : f32 to vector<2000x128xf32>
    %gt3A_31 = arith.cmpf ogt, %add3A_29, %gt3A_30 : vector<2000x128xf32>
    %min3A = arith.constant 0.000000e+00 : f32
    %min3A_32 = vector.broadcast %min3A : f32 to vector<2000x128xf32>
    %min3A_33 = arith.minimumf %add3A_29, %min3A_32 : vector<2000x128xf32>
    %exp3A = math.exp %min3A_33 : vector<2000x128xf32>
    %sub3A = arith.constant 1.000000e+00 : f32
    %sub3A_34 = vector.broadcast %sub3A : f32 to vector<2000x128xf32>
    %sub3A_35 = arith.subf %exp3A, %sub3A_34 : vector<2000x128xf32>
    %select_n3A = arith.select %gt3A_31, %add3A_29, %sub3A_35 : vector<2000x128xi1>, vector<2000x128xf32>
    %get3A_36 = arith.constant 0 : index
    %get3A_37 = arith.constant 0 : index
    %get3A_38 = vector.load %arg4[%get3A_36, %get3A_37] : memref<128x128xf32, #tpu.memory_space<vmem>>, vector<128x128xf32>
    %dot_general3A = arith.constant dense<0.000000e+00> : vector<2000x128xf32>
    %dot_general3A_39 = tpu.matmul %select_n3A, %get3A_38, %dot_general3A {dimension_numbers = #tpu.dot_dimension_numbers<[1], [0], [0], [1], [0, 0, 1, 1], [], []>, transpose_lhs_hint = false} : vector<2000x128xf32>, vector<128x128xf32>, vector<2000x128xf32> -> vector<2000x128xf32>
    %mul3A_40 = vector.broadcast %rsqrt3A : vector<2000x1xf32> to vector<2000x128xf32>
    %mul3A_41 = arith.mulf %dot_general3A_39, %mul3A_40 : vector<2000x128xf32>
    %swap3A = arith.constant 0 : index
    %swap3A_42 = arith.constant 0 : index
    %swap3A_43 = vector.load %arg6[%swap3A, %swap3A_42] : memref<2000x128xf32, #tpu.memory_space<vmem>>, vector<2000x128xf32>
    tpu.vector_store %arg6[%swap3A, %swap3A_42], %mul3A_41 {strides = array<i32>} : memref<2000x128xf32, #tpu.memory_space<vmem>>, vector<2000x128xf32>,
    return
  }
  func.func @transform_0(%arg0: i32) -> (i32, i32, i32) {
    %c0_i32 = arith.constant 0 : i32
    %c0_i32_0 = arith.constant 0 : i32
    %c0_i32_1 = arith.constant 0 : i32
    return %c0_i32, %arg0, %c0_i32_0 : i32, i32, i32
  }
  func.func @transform_1(%arg0: i32) -> (i32, i32) {
    %c0_i32 = arith.constant 0 : i32
    %c0_i32_0 = arith.constant 0 : i32
    return %arg0, %c0_i32 : i32, i32
  }
  func.func @transform_2(%arg0: i32) -> (i32, i32, i32) {
    %c0_i32 = arith.constant 0 : i32
    %c0_i32_0 = arith.constant 0 : i32
    %c0_i32_1 = arith.constant 0 : i32
    return %c0_i32, %arg0, %c0_i32_0 : i32, i32, i32
  }
  func.func @transform_3(%arg0: i32) -> (i32, i32) {
    %c0_i32 = arith.constant 0 : i32
    %c0_i32_0 = arith.constant 0 : i32
    %c0_i32_1 = arith.constant 0 : i32
    return %c0_i32, %c0_i32_0 : i32, i32
  }
  func.func @transform_4(%arg0: i32) -> (i32, i32) {
    %c0_i32 = arith.constant 0 : i32
    %c0_i32_0 = arith.constant 0 : i32
    %c0_i32_1 = arith.constant 0 : i32
    return %c0_i32, %c0_i32_0 : i32, i32
  }
  func.func @transform_5(%arg0: i32) -> (i32, i32) {
    %c0_i32 = arith.constant 0 : i32
    %c0_i32_0 = arith.constant 0 : i32
    return %arg0, %c0_i32 : i32, i32
  }
}

module attributes {stable_mosaic.version = 14 : i64} {
  func.func @_stage3_body(%arg0: i32, %arg1: memref<2x2000x128xf32, #tpu.memory_space<vmem>>, %arg2: memref<2000x128xf32, #tpu.memory_space<vmem>>, %arg3: memref<2x2000x16xf32, #tpu.memory_space<vmem>>, %arg4: memref<1x128xf32, #tpu.memory_space<vmem>>, %arg5: memref<2000x128xf32, #tpu.memory_space<vmem>>) attributes {dimension_semantics = [#tpu.dimension_semantics<arbitrary>], iteration_bounds = array<i64: 5>, scalar_prefetch = 0 : i64, scratch_operands = 0 : i64, tpu.core_type = #tpu.core_type<tc>, window_params = [{transform_indices = @transform_0, window_bounds = array<i64: 2, 2000, 128>}, {transform_indices = @transform_1, window_bounds = array<i64: 2000, 128>}, {transform_indices = @transform_2, window_bounds = array<i64: 2, 2000, 16>}, {pipeline_mode = #tpu.pipeline_mode<synchronous>, transform_indices = @transform_3, window_bounds = array<i64: 1, 128>}, {transform_indices = @transform_4, window_bounds = array<i64: 2000, 128>}]} {
    %get3A = arith.constant 0 : index
    %get3A_0 = arith.constant 0 : index
    %get3A_1 = arith.constant 0 : index
    %get3A_2 = vector.load %arg3[%get3A, %get3A_0, %get3A_1] : memref<2x2000x16xf32, #tpu.memory_space<vmem>>, vector<1x2000x16xf32>
    %get3A_3 = vector.shape_cast %get3A_2 : vector<1x2000x16xf32> to vector<2000x16xf32>
    %get3A_4 = arith.constant 1 : index
    %get3A_5 = arith.constant 0 : index
    %get3A_6 = arith.constant 0 : index
    %get3A_7 = vector.load %arg3[%get3A_4, %get3A_5, %get3A_6] : memref<2x2000x16xf32, #tpu.memory_space<vmem>>, vector<1x2000x16xf32>
    %get3A_8 = vector.shape_cast %get3A_7 : vector<1x2000x16xf32> to vector<2000x16xf32>
    %add3A = arith.addf %get3A_3, %get3A_8 : vector<2000x16xf32>
    %slice3A = vector.extract_strided_slice %add3A {offsets = [0, 0], sizes = [2000, 1], strides = [1, 1]} : vector<2000x16xf32> to vector<2000x1xf32>
    %rsqrt3A = math.rsqrt %slice3A : vector<2000x1xf32>
    %get3A_9 = arith.constant 0 : index
    %get3A_10 = arith.constant 0 : index
    %get3A_11 = arith.constant 0 : index
    %get3A_12 = vector.load %arg1[%get3A_9, %get3A_10, %get3A_11] : memref<2x2000x128xf32, #tpu.memory_space<vmem>>, vector<1x2000x128xf32>
    %get3A_13 = vector.shape_cast %get3A_12 : vector<1x2000x128xf32> to vector<2000x128xf32>
    %get3A_14 = arith.constant 1 : index
    %get3A_15 = arith.constant 0 : index
    %get3A_16 = arith.constant 0 : index
    %get3A_17 = vector.load %arg1[%get3A_14, %get3A_15, %get3A_16] : memref<2x2000x128xf32, #tpu.memory_space<vmem>>, vector<1x2000x128xf32>
    %get3A_18 = vector.shape_cast %get3A_17 : vector<1x2000x128xf32> to vector<2000x128xf32>
    %add3A_19 = arith.addf %get3A_13, %get3A_18 : vector<2000x128xf32>
    %get3A_20 = arith.constant 0 : index
    %get3A_21 = arith.constant 0 : index
    %get3A_22 = vector.load %arg2[%get3A_20, %get3A_21] : memref<2000x128xf32, #tpu.memory_space<vmem>>, vector<2000x128xf32>
    %add3A_23 = arith.addf %add3A_19, %get3A_22 : vector<2000x128xf32>
    %mul3A = vector.broadcast %rsqrt3A : vector<2000x1xf32> to vector<2000x128xf32>
    %mul3A_24 = arith.mulf %add3A_23, %mul3A : vector<2000x128xf32>
    %get3A_25 = arith.constant 0 : index
    %get3A_26 = arith.constant 0 : index
    %get3A_27 = vector.load %arg4[%get3A_25, %get3A_26] : memref<1x128xf32, #tpu.memory_space<vmem>>, vector<1x128xf32>
    %add3A_28 = vector.broadcast %get3A_27 : vector<1x128xf32> to vector<2000x128xf32>
    %add3A_29 = arith.addf %mul3A_24, %add3A_28 : vector<2000x128xf32>
    %swap3A = arith.constant 0 : index
    %swap3A_30 = arith.constant 0 : index
    %swap3A_31 = vector.load %arg5[%swap3A, %swap3A_30] : memref<2000x128xf32, #tpu.memory_space<vmem>>, vector<2000x128xf32>
    tpu.vector_store %arg5[%swap3A, %swap3A_30], %add3A_29 {strides = array<i32>} : memref<2000x128xf32, #tpu.memory_space<vmem>>, vector<2000x128xf32>,
    return
  }
  func.func @transform_0(%arg0: i32) -> (i32, i32, i32) {
    %c0_i32 = arith.constant 0 : i32
    %c0_i32_0 = arith.constant 0 : i32
    %c0_i32_1 = arith.constant 0 : i32
    return %c0_i32, %arg0, %c0_i32_0 : i32, i32, i32
  }
  func.func @transform_1(%arg0: i32) -> (i32, i32) {
    %c0_i32 = arith.constant 0 : i32
    %c0_i32_0 = arith.constant 0 : i32
    return %arg0, %c0_i32 : i32, i32
  }
  func.func @transform_2(%arg0: i32) -> (i32, i32, i32) {
    %c0_i32 = arith.constant 0 : i32
    %c0_i32_0 = arith.constant 0 : i32
    %c0_i32_1 = arith.constant 0 : i32
    return %c0_i32, %arg0, %c0_i32_0 : i32, i32, i32
  }
  func.func @transform_3(%arg0: i32) -> (i32, i32) {
    %c0_i32 = arith.constant 0 : i32
    %c0_i32_0 = arith.constant 0 : i32
    %c0_i32_1 = arith.constant 0 : i32
    return %c0_i32, %c0_i32_0 : i32, i32
  }
  func.func @transform_4(%arg0: i32) -> (i32, i32) {
    %c0_i32 = arith.constant 0 : i32
    %c0_i32_0 = arith.constant 0 : i32
    return %arg0, %c0_i32 : i32, i32
  }
}

</mosaic_0001>

<sc_bundles>
// kernel: kernel.11.cloned.1.call-start
scs
__scs_entry_jumppad:
0x0: {  	(pc) =	sbr.rel $0x88, $3  }
0x1: {  	(tag) =	ssettag $0x0;
	lr =	simm.s32 $0x1  }
0x2: {  	[smem:$0x3F9B] =	sst lr;
	_ =	strace $0xD0000000  }
0x3: {  	_ = 	snop  }
0x4: {  	_ = 	snop  }
0x5: {  	_ = 	snop  }
0x6: {  	_ = 	snop  }
0x7: {  	_ = 	snop  }
__scs_overlays_trampoline_lowered:
0x8: {  	[smem:$0x3FAA] =	sst s0  }
0x9: {  	[smem:$0x3FAB] =	sst s1  }
0xa: {  	[smem:$0x3FAC] =	sst s2  }
0xb: {  	[smem:$0x3FAD] =	sst s3  }
0xc: {  	[smem:$0x3FAE] =	sst s4  }
0xd: {  	[smem:$0x3FAF] =	sst s5  }
0xe: {  	[smem:$0x3FB0] =	sst s6  }
0xf: {  	[smem:$0x3FB1] =	sst s7  }
0x10: {  	[smem:$0x3FB2] =	sst s8  }
0x11: {  	[smem:$0x3FB3] =	sst s9;
	s0 =	simm.s32 @!p0 $0x0  }
0x12: {  	s1 =	sld [smem:$0x3F99];
	s0 =	simm.s32 @p0 $0x1  }
0x13: {  	[smem:$0x3FB4] =	sst s0;
	s0 =	simm.s32 @!p1 $0x0  }
0x14: {  	s2 =	sld [smem:$0x3F98];
	s0 =	simm.s32 @p1 $0x1  }
0x15: {  	[smem:$0x3FB5] =	sst s0;
	s0 =	simm.s32 @!p2 $0x0  }
0x16: {  	s3 =	sld [smem:$0x3FDB];
	s0 =	simm.s32 @p2 $0x1  }
0x17: {  	s4 =	simm.s32 $0x1BF5;
	[smem:$0x3FB7] =	sst s0  }
0x18: {  	s0 =	sld [smem:$0x3F9A];
	_ =	swait.ge [sflag:s4], $0x0  }
0x19: {  	s7 =	sld [smem:$0x3F9B]  }
0x1a: {  	s8 =	sadd.s32 $0xFFFFE003, lr  }
0x1b: {  	s9 =	sadd.s32 $0xFFFFFEF7, lr;
	s5 =	simm.s32 $0xFFFFFFFF;
	p2 =	slt.u32 s8, $0xFFFFF086  }
0x1c: {  	p1 =	slt.u32 s9, $0xF7A;
	s5 =	simm.s32 @!p2 $0x0  }
0x1d: {  	s5 =	simm.s32 @p1 $0x1;
	p0 =	seq.s32 s7, s2  }
0x1e: {  	s7 =	smul.u32 @!p0 $0xF7A, s2;
	p2 =	seq.s32 @!p0 s5, $0x0  }
0x1f: {  	s9 =	smul.u32 $0xF7A, s1;
	s8 =	simm.s32 @!p0 $0x1BF5;
	p2 =	por !p2, p0  }
0x20: {  	[sflag:s8] =	ssyncset.s32 @!p0 $0xFFFFF086;
	s6 =	sadd.s32 @!p0 s3, s7;
	s7 =	simm.s32 @!p0 $0x108  }
0x21: {  	s3 =	sadd.s32 s3, s9;
	s6 =	sadd.s32 @!p0 $0x88, s6;
	s7 =	simm.s32 @p2 $0x1082  }
0x22: {  	[simem:s7], [sflag:s8] =	dma.local @!p0 [hbm:s6], $0xF7A  }
0x23: {  	s9 =	sor.u32 $0xD0000000, s2;
	s6 =	simm.s32 $0x108;
	_ =	swait.ge @!p0 [sflag:s8], $0x0  }
0x24: {  	s3 =	sadd.s32 $0x88, s3;
	s6 =	simm.s32 @!p1 $0x1082;
	[sflag:s4] =	ssyncset.s32 $0xFFFFF086  }
0x25: {  	[simem:s6], [sflag:s4] =	dma.local [hbm:s3], $0xF7A  }
0x26: {  	[smem:$0x3F9B] =	sst s1;
	(tag) =	ssettag s2;
	_ =	strace s9  }
0x27: {  	s1 =	sld [smem:$0x3FAB]  }
0x28: {  	s2 =	sld [smem:$0x3FAC]  }
0x29: {  	s4 =	sld [smem:$0x3FAE]  }
0x2a: {  	p0 =	seq.s32 s5, $0x0;
	s5 =	sld [smem:$0x3FAF]  }
0x2b: {  	s6 =	sld [smem:$0x3FB0]  }
0x2c: {  	s7 =	sld [smem:$0x3FB1]  }
0x2d: {  	s3 =	simm.s32 $0x108;
	s8 =	sld [smem:$0x3FB2]  }
0x2e: {  	s3 =	simm.s32 @!p0 $0x1082;
	s9 =	sld [smem:$0x3FB3]  }
0x2f: {  	lr =	sadd.s32 s0, s3;
	s0 =	sld [smem:$0x3FAA]  }
0x30: {  	s3 =	sld [smem:$0x3FAD]  }
0x31: {  	[smem:$0x3FB6] =	sst s10  }
0x32: {  	s10 =	sld [smem:$0x3FB4];
	_ =	sdelay $0x3  }
0x33: {  	p0 =	seq.s32 s10, $0x1;
	s10 =	sld [smem:$0x3FB6];
	_ =	sdelay $0x3  }
0x34: {  	[smem:$0x3FB6] =	sst s10  }
0x35: {  	s10 =	sld [smem:$0x3FB5];
	_ =	sdelay $0x3  }
0x36: {  	p1 =	seq.s32 s10, $0x1;
	s10 =	sld [smem:$0x3FB6];
	_ =	sdelay $0x3  }
0x37: {  	[smem:$0x3FB6] =	sst s10  }
0x38: {  	s10 =	sld [smem:$0x3FB7]  }
0x39: {  	_ = 	snop;
	(pc) =	sbr.ind lr, $3  }
0x3a: {  	_ = 	snop  }
0x3b: {  	_ = 	snop  }
0x3c: {  	p2 =	seq.s32 s10, $0x1;
	s10 =	sld [smem:$0x3FB6]  }
0x3d: {  	_ =	shalt  }
0x3e: {  	_ =	shalt  }
0x3f: {  	_ =	shalt  }
0x40: {  	_ =	shalt  }
0x41: {  	_ =	shalt  }
0x42: {  	_ =	shalt  }
0x43: {  	_ =	shalt  }
0x44: {  	_ =	shalt  }
0x45: {  	_ =	shalt  }
0x46: {  	_ =	shalt  }
0x47: {  	_ =	shalt  }
0x48: {  	_ =	shalt  }
0x49: {  	_ =	shalt  }
0x4a: {  	_ =	shalt  }
0x4b: {  	_ =	shalt  }
0x4c: {  	_ =	shalt  }
0x4d: {  	_ =	shalt  }
0x4e: {  	_ =	shalt  }
0x4f: {  	_ =	shalt  }
0x50: {  	_ =	shalt  }
0x51: {  	_ =	shalt  }
0x52: {  	_ =	shalt  }
0x53: {  	_ =	shalt  }
0x54: {  	_ =	shalt  }
0x55: {  	_ =	shalt  }
0x56: {  	_ =	shalt  }
0x57: {  	_ =	shalt  }
0x58: {  	_ =	shalt  }
0x59: {  	_ =	shalt  }
0x5a: {  	_ =	shalt  }
0x5b: {  	_ =	shalt  }
0x5c: {  	_ =	shalt  }
0x5d: {  	_ =	shalt  }
0x5e: {  	_ =	shalt  }
0x5f: {  	_ =	shalt  }
0x60: {  	_ =	shalt  }
0x61: {  	_ =	shalt  }
0x62: {  	_ =	shalt  }
0x63: {  	_ =	shalt  }
0x64: {  	_ =	shalt  }
0x65: {  	_ =	shalt  }
0x66: {  	_ =	shalt  }
0x67: {  	_ =	shalt  }
0x68: {  	_ =	shalt  }
0x69: {  	_ =	shalt  }
0x6a: {  	_ =	shalt  }
0x6b: {  	_ =	shalt  }
0x6c: {  	_ =	shalt  }
0x6d: {  	_ =	shalt  }
0x6e: {  	_ =	shalt  }
0x6f: {  	_ =	shalt  }
0x70: {  	_ =	shalt  }
0x71: {  	_ =	shalt  }
0x72: {  	_ =	shalt  }
0x73: {  	_ =	shalt  }
0x74: {  	_ =	shalt  }
0x75: {  	_ =	shalt  }
0x76: {  	_ =	shalt  }
0x77: {  	_ =	shalt  }
0x78: {  	_ =	shalt  }
0x79: {  	_ =	shalt  }
0x7a: {  	_ =	shalt  }
0x7b: {  	_ =	shalt  }
0x7c: {  	_ =	shalt  }
0x7d: {  	_ =	shalt  }
0x7e: {  	_ =	shalt  }
0x7f: {  	_ =	shalt  }
0x80: {  	_ =	shalt  }
0x81: {  	_ =	shalt  }
0x82: {  	_ =	shalt  }
0x83: {  	_ =	shalt  }
0x84: {  	_ =	shalt  }
0x85: {  	_ =	shalt  }
0x86: {  	_ =	shalt  }
0x87: {  	_ =	shalt  }
.Lfunc_end0:
.L_simem_size_0:
called_computation.1_lowered:
.L_overlay_start_0:
0x88: {  	s2 =	sld [smem:$0x3FD9]  }
0x89: {  	s3 =	sld [smem:$0x3FFE];
	_ =	sdelay $0x1  }
0x8a: {  	s1 =	srdreg.scid  }
0x8b: {  	s0 =	sand.u32 $0x1, s1  }
0x8c: {  	s17 =	sshll.u32 s0, $0xA;
	s2 =	sadd.s32 s3, s2  }
0x8d: {  	s2 =	sadd.s32 s2, s17  }
0x8e: {  	[smem:$0x3FC2] =	sst s2  }
0x8f: {  	_ = 	snop  }
0x90: {  	s2 =	sld [smem:$0x3FD0];
	(tm) =	ssettm $0x1  }
0x91: {  	s18 =	sld [smem:$0x3FFB];
	_ =	sdelay $0x3  }
0x92: {  	_ =	strace s18  }
0x93: {  	s3 =	sld [smem:$0x3FFC];
	_ =	sdelay $0x3  }
0x94: {  	_ =	strace s3  }
0x95: {  	s3 =	sld [smem:$0x3FFD];
	_ =	sdelay $0x3  }
0x96: {  	_ =	strace s3  }
0x97: {  	_ =	strace $0x8FFFFFFF  }
0x98: {  	s19 =	sld [smem:$0x3FDB];
	_ =	sdelay $0x1  }
0x99: {  	s4 =	simm.s32 $_scs_section_size  }
0x9a: {  	s5 =	simm.s32 $_size__tile_overlayer_lowered;
	s6 =	simm.s32 $_tile_overlayer_lowered  }
0x9b: {  	s22 =	simm.s32 $0x1BFF;
	s21 =	sshll.u32 s6, $0x1;
	s3 =	sadd.s32 s4, s19  }
0x9c: {  	s7 =	simm.s32 $0x0;
	s20 =	sshll.u32 s5, $0x1;
	s5 =	sadd.s32 s21, s3  }
0x9d: {  	[timem:s7], [sflag:s22] =	dma.local [hbm:s5], s20  }
0x9e: {  	_ =	swait.ge [sflag:s22], s20  }
0x9f: {  	s4 =	ssub.s32 $0x0, s20;
	[sflag:s22] =	ssyncset.done $0x0  }
0xa0: {  	[sflag:s22] =	ssyncadd.s32 s4;
	_ =	sdelay $0x1  }
0xa1: {  	s23 =	simm.s32 $0x1B8B  }
0xa2: {  	_ =	swait.ge [sflag:s23], $0x1  }
0xa3: {  	[sflag:s23] =	ssyncset.done $0x0  }
0xa4: {  	s25 =	simm.s32 $0x1B8E;
	s24 =	sld [smem:$0x3FFE];
	[sflag:s23] =	ssyncadd.s32 $0xFFFFFFFF  }
0xa5: {  	s26 =	simm.s32 $execute0_lowered;
	[smem:$0x3FD2] =	sst s25  }
0xa6: {  	s5 =	sshll.u32 s26, $0x1;
	_ =	strace $0x80000049;
	[dreg:$0x1] =	wrdreg $0xFFFFFFFF  }
0xa7: {  	s28 =	simm.s32 $_size_execute0_lowered;
	s3 =	sadd.s32 s3, s5;
	[dreg:$0x0] =	wrdreg $0x0  }
0xa8: {  	s5 =	sshll.u32 s28, $0x1;
	[dreg:$0x2] =	wrdreg s3  }
0xa9: {  	[dreg:$0x3] =	wrdreg s5  }
0xaa: {  	[dreg:$0x4] =	wrdreg $0xC0  }
0xab: {  	_ =	task [dreg:s7], $0x5FFFF  }
0xac: {  	[dreg:$0x1] =	wrdreg $0xFFFFFFFF  }
0xad: {  	[dreg:$0x0] =	wrdreg $0x60  }
0xae: {  	[dreg:$0x2] =	wrdreg s24  }
0xaf: {  	[dreg:$0x3] =	wrdreg s2  }
0xb0: {  	[dreg:$0x4] =	wrdreg $0xA9000  }
0xb1: {  	[dreg:$0x5] =	wrdreg $0x9  }
0xb2: {  	_ =	task.clear_ibuf [dreg:s7], $0x6FFFF;
	_ =	strace $0x90000049  }
0xb3: {  	s29 =	simm.s32 $0x9;
	_ =	strace $0x8000004B  }
0xb4: {  	_ =	swait.ge [sflag:s29], $0x1  }
0xb5: {  	[sflag:s29] =	ssyncadd.s32 $0xFFFFFFFF  }
0xb6: {  	_ =	strace $0x9000004B  }
0xb7: {  	_ =	sfence  }
0xb8: {  	s30 =	sld [smem:$0x0];
	_ =	sdelay $0x2  }
0xb9: {  	s31 =	sshll.u32 s1, $0xD;
	s1 =	sshrl.u32 s1, $0x2  }
0xba: {  	s3 =	sand.u32 $0x4000, s31;
	s1 =	sadd.s32 s1, s30  }
0xbb: {  	s0 =	sor.u32 s3, s0;
	s1 =	sshll.u32 s1, $0x11  }
0xbc: {  	s0 =	sor.u32 s1, s0  }
0xbd: {  	s0 =	sadd.s32 $0x8F2B, s0  }
0xbe: {  	[sflag:s0] =	ssyncadd.remote.s32 $0x1  }
0xbf: {  	_ =	sfence.sel $0xFFFF  }
0xc0: {  	[dreg:$0x0] =	wrdreg $0xFFFFFFFF;
	(pc) =	sbr.abs _section_cstart, $3  }
0xc1: {  	[dreg:$0x1] =	wrdreg $0xFFFFFFFF  }
0xc2: {  	_ =	task.clear_ibuf [dreg:s7], $0x2FFFF;
	_ =	strace $0x9FFFFFFF  }
0xc3: {  	(tm) =	ssettm $0x7FFFFFFF  }
tec
execute0_lowered:
.L_overlay_start_1:
0x0: {  	(tag) =	ssettag $0x1  }
0x1: {  	s0 =	rddreg [dreg:$0x0]  }
0x2: {  	s1 =	srdreg.scid;
	s5 =	rddreg [dreg:$0x1]  }
0x3: {  	s2 =	rddreg [dreg:$0x2];
	s11 =	stileid.u32;
	s3 =	simm.s32 $0x0  }
0x4: {  	s28 =	simm.s32 $0x8080;
	s29 =	simm.s32 $0x4;
	s30 =	simm.s32 $0x4000  }
0x5: {  	s31 =	simm.s32 $0x2;
	s1 =	sand.u32 $0x1, s1;
	s9 =	smul.u32 $0x50000, s11  }
0x6: {  	[smem:$0x7FF] =	sst s3;
	s13 =	smul.u32 $0x14000, s11;
	s4 =	sshll.u32 s1, $0x4  }
0x7: {  	_ =	strace $0x8000004A;
	s8 =	ssub.s32 $0x2, s1;
	s1 =	smul.u32 $0x140000, s1  }
0x8: {  	s4 =	sor.u32 s11, s4;
	s10 =	sshrl.u32 s8, $0x1;
	s21 =	sshrl.u32 s9, $0x2  }
0x9: {  	s22 =	sadd.s32 $0x4000, s13;
	s12 =	sadd.s32 $0x8000, s13;
	s26 =	sadd.s32 $0xC000, s13  }
0xa: {  	s15 =	sadd.s32 $0x10000, s13;
	s6 =	smul.u32 $0x500, s4;
	s4 =	sadd.s32 $0x5C600, s0  }
0xb: {  	s17 =	ssub.s32 s8, s10;
	s23 =	sadd.s32 s22, s2;
	s24 =	sadd.s32 s13, s1  }
0xc: {  	s10 =	sadd.s32 s12, s2;
	s14 =	sadd.s32 s1, s12;
	s12 =	sadd.s32 s26, s2  }
0xd: {  	[dreg:$0x5] =	wrdreg s23;
	s9 =	sshrl.u32 s24, $0x3;
	s14 =	sshrl.u32 s14, $0x3  }
0xe: {  	s17 =	smax.u32 s17, $0x1;
	s23 =	simm.s32 $0x5;
	s24 =	simm.s32 $0x1  }
0xf: {  	s7 =	sadd.s32 s6, s0;
	s0 =	sadd.s32 $0x84600, s0;
	s5 =	sadd.s32 s5, s6  }
0x10: {  	s6 =	sadd.s32 s21, s2;
	[dreg:$0x4] =	wrdreg s5;
	s7 =	sadd.s32 $0x52600, s7  }
0x11: {  	s5 =	sadd.s32 s1, s22;
	s25 =	sadd.s32 s0, s9;
	s13 =	sadd.s32 s0, s14  }
0x12: {  	s14 =	sadd.s32 s15, s2;
	s18 =	sadd.s32 $0x4000, s6;
	s19 =	sadd.s32 $0x8000, s6  }
0x13: {  	s20 =	sadd.s32 $0xC000, s6;
	s21 =	sadd.s32 $0x10000, s6;
	s22 =	simm.s32 $0x0  }
0x14: {  	[dreg:$0x6] =	wrdreg s25;
	s5 =	sshrl.u32 s5, $0x3;
	s25 =	simm.s32 $0x8000  }
0x15: {  	s11 =	sadd.s32 s0, s5;
	s5 =	sadd.s32 s1, s26;
	s1 =	sadd.s32 s1, s15  }
0x16: {  	s26 =	simm.s32 $0x80;
	s5 =	sshrl.u32 s5, $0x3;
	s1 =	sshrl.u32 s1, $0x3  }
0x17: {  	v0 =	vimm.f32 $0.0e+00;
	s15 =	sadd.s32 s0, s5;
	s16 =	sadd.s32 s0, s1;
	s0 =	simm.s32 $0x3  }
.LBB2_1:
0x18: {  	s1 =	rddreg [dreg:$0x4];
	s5 =	simm.s32 $0x8100  }
0x19: {  	[tilespmem:s5], [sflag:$0x5] =	stream.linear.gather [hbm4b:s1+s3], $0x2780, $0x38;
	[tilespmem:$0x1E900] =	vst v63  }
0x1a: {  	_ =	swait.ge [sflag:s23], $0x2780  }
0x1b: {  	[sflag:s23] =	ssyncset.done $0x0  }
0x1c: {  	s1 =	simm.s32 $0x0;
	s5 =	simm.s32 $0x200;
	[sflag:s23] =	ssyncadd.s32 $0xFFFFD880  }
.LBB2_2:
0x1d: {  	p0 =	sne.s32 s5, $0xFE00;
	[tilespmem:s1+$0x70] =	vst v0  }
0x1e: {  	[tilespmem:s1+$0x0] =	vst v0  }
0x1f: {  	[tilespmem:s1+$0x10] =	vst v0  }
.Ltmp0:
0x20: {  	[tilespmem:s1+$0x20] =	vst v0;
	(pc) =	sbr.rel @p0 .LBB2_2-.Ltmp0, $4  }
0x21: {  	[tilespmem:s1+$0x30] =	vst v0  }
0x22: {  	[tilespmem:s1+$0x40] =	vst v0  }
0x23: {  	[tilespmem:s1+$0x50] =	vst v0  }
0x24: {  	[tilespmem:s1+$0x60] =	vst v0;
	s1 =	sshra.s32 s5, $0x2;
	s5 =	sadd.s32 $0x200, s5  }
0x25: {  	[tilespmem:s1+$0x70] =	vst v0  }
0x26: {  	[tilespmem:s1+$0x0] =	vst v0  }
0x27: {  	[tilespmem:s1+$0x10] =	vst v0  }
0x28: {  	[tilespmem:s1+$0x20] =	vst v0  }
0x29: {  	[tilespmem:s1+$0x30] =	vst v0  }
0x2a: {  	[tilespmem:s1+$0x40] =	vst v0  }
0x2b: {  	[tilespmem:s1+$0x50] =	vst v0  }
0x2c: {  	[tilespmem:s1+$0x60] =	vst v0;
	s8 =	simm.s32 $0x0  }
0x2d: {  	[spmem:s6] =	stream.linear.scatter [tilespmem:s8], [sflag:$0x1], $0x4000, $0x38;
	[tilespmem:$0x1E900] =	vst v63  }
0x2e: {  	_ = 	snop  }
0x2f: {  	[spmem:s18] =	stream.linear.scatter [tilespmem:s8], [sflag:$0x1], $0x4000, $0x38;
	[tilespmem:$0x1E900] =	vst v63  }
0x30: {  	_ = 	snop  }
0x31: {  	[spmem:s19] =	stream.linear.scatter [tilespmem:s8], [sflag:$0x1], $0x4000, $0x38;
	[tilespmem:$0x1E900] =	vst v63  }
0x32: {  	_ = 	snop  }
0x33: {  	[spmem:s20] =	stream.linear.scatter [tilespmem:s8], [sflag:$0x1], $0x4000, $0x38;
	[tilespmem:$0x1E900] =	vst v63  }
0x34: {  	_ = 	snop  }
0x35: {  	[spmem:s21] =	stream.linear.scatter [tilespmem:s8], [sflag:$0x1], $0x4000, $0x38;
	[tilespmem:$0x1E900] =	vst v63  }
0x36: {  	_ =	swait.ge [sflag:s24], $0x4000  }
0x37: {  	[sflag:s24] =	ssyncset.done $0x0  }
0x38: {  	[sflag:s24] =	ssyncadd.s32 $0xFFFFC000  }
0x39: {  	_ =	swait.ge [sflag:s24], $0x4000  }
0x3a: {  	[sflag:s24] =	ssyncset.done $0x0  }
0x3b: {  	[sflag:s24] =	ssyncadd.s32 $0xFFFFC000  }
0x3c: {  	_ =	swait.ge [sflag:s24], $0x4000  }
0x3d: {  	[sflag:s24] =	ssyncset.done $0x0  }
0x3e: {  	[sflag:s24] =	ssyncadd.s32 $0xFFFFC000  }
0x3f: {  	_ =	swait.ge [sflag:s24], $0x4000  }
0x40: {  	[sflag:s24] =	ssyncset.done $0x0  }
0x41: {  	[sflag:s24] =	ssyncadd.s32 $0xFFFFC000  }
0x42: {  	_ =	swait.ge [sflag:s24], $0x4000  }
0x43: {  	[sflag:s24] =	ssyncset.done $0x0  }
0x44: {  	[sflag:s24] =	ssyncadd.s32 $0xFFFFC000  }
0x45: {  	[bflag:$0x0] =	sbarrier.arrive $0xFFFF  }
0x46: {  	[tilespmem:s25], [sflag:$0x5] =	stream.linear.gather [hbm4b:s7+s8], $0x80, $0x38;
	[tilespmem:$0x1E900] =	vst v63  }
0x47: {  	_ =	swait.ge [sflag:s23], $0x80  }
0x48: {  	[sflag:s23] =	ssyncset.done $0x0  }
0x49: {  	[sflag:s23] =	ssyncadd.s32 $0xFFFFFF80  }
0x4a: {  	[tilespmem:s8], [sflag:$0x1] =	stream.indirect.gather [hbm4b:s4+s26], $0x80, s25, s26, $0xb8;
	[tilespmem:$0x1E900] =	vst v63  }
0x4b: {  	s5 =	sadd.s32 $0x10, s7  }
0x4c: {  	[tilespmem:s28], [sflag:$0x4] =	stream.linear.gather [hbm4b:s5+s8], $0x80, $0x38;
	[tilespmem:$0x1E900] =	vst v63  }
0x4d: {  	_ =	swait.ge [sflag:s24], $0x4000  }
0x4e: {  	[sflag:s24] =	ssyncset.done $0x0  }
0x4f: {  	[sflag:s24] =	ssyncadd.s32 $0xFFFFC000  }
0x50: {  	_ =	swait.ge [sflag:s29], $0x80  }
0x51: {  	[sflag:s29] =	ssyncset.done $0x0  }
0x52: {  	s1 =	sadd.s32 $0x30, s7;
	[sflag:s29] =	ssyncadd.s32 $0xFFFFFF80  }
0x53: {  	[tilespmem:s30], [sflag:$0x2] =	stream.indirect.gather [hbm4b:s4+s26], $0x80, s28, s26, $0xb8;
	[tilespmem:$0x1E900] =	vst v63  }
0x54: {  	s9 =	sadd.s32 $0xFFFFFFF0, s1  }
0x55: {  	[tilespmem:s25], [sflag:$0x3] =	stream.linear.gather [hbm4b:s9+s3], $0x80, $0x38;
	[tilespmem:$0x1E900] =	vst v63  }
0x56: {  	s8 =	simm.s32 $0x8100  }
0x57: {  	[spmem:s2] =	stream.indirect.scatter.add.f32 [tilespmem:s3], [sflag:$0x5], $0x80, s8, s26, $0xb8;
	[tilespmem:$0x1E900] =	vst v63  }
0x58: {  	_ =	swait.ge [sflag:s23], $0x4000  }
0x59: {  	[sflag:s23] =	ssyncset.done $0x0  }
0x5a: {  	[sflag:s23] =	ssyncadd.s32 $0xFFFFC000  }
0x5b: {  	_ =	swait.ge [sflag:s31], $0x4000  }
0x5c: {  	[sflag:s31] =	ssyncset.done $0x0  }
0x5d: {  	[sflag:s31] =	ssyncadd.s32 $0xFFFFC000  }
0x5e: {  	_ =	swait.ge [sflag:s0], $0x80  }
0x5f: {  	[sflag:s0] =	ssyncset.done $0x0  }
0x60: {  	[sflag:s0] =	ssyncadd.s32 $0xFFFFFF80  }
0x61: {  	[tilespmem:s3], [sflag:$0x1] =	stream.indirect.gather [hbm4b:s4+s26], $0x80, s25, s26, $0xb8;
	[tilespmem:$0x1E900] =	vst v63  }
0x62: {  	_ = 	snop  }
0x63: {  	[tilespmem:s28], [sflag:$0x4] =	stream.linear.gather [hbm4b:s1+s3], $0x80, $0x38;
	[tilespmem:$0x1E900] =	vst v63  }
0x64: {  	s9 =	simm.s32 $0x8180  }
0x65: {  	[spmem:s2] =	stream.indirect.scatter.add.f32 [tilespmem:s30], [sflag:$0x5], $0x80, s9, s26, $0xb8;
	[tilespmem:$0x1E900] =	vst v63  }
0x66: {  	_ =	swait.ge [sflag:s23], $0x4000  }
0x67: {  	s5 =	simm.s32 $0x400;
	[sflag:s23] =	ssyncset.done $0x0  }
.LBB2_4:
0x68: {  	p0 =	sne.s32 s5, $0x9400;
	[sflag:s23] =	ssyncadd.s32 $0xFFFFC000;
	s1 =	sadd.s32 $0x20, s1  }
0x69: {  	s8 =	smov.u32 s5;
	s5 =	sadd.s32 $0x400, s5  }
0x6a: {  	_ =	swait.ge [sflag:s24], $0x4000  }
0x6b: {  	[sflag:s24] =	ssyncset.done $0x0  }
0x6c: {  	[sflag:s24] =	ssyncadd.s32 $0xFFFFC000  }
0x6d: {  	_ =	swait.ge [sflag:s29], $0x80  }
0x6e: {  	[sflag:s29] =	ssyncset.done $0x0  }
0x6f: {  	[sflag:s29] =	ssyncadd.s32 $0xFFFFFF80  }
0x70: {  	[tilespmem:s30], [sflag:$0x2] =	stream.indirect.gather [hbm4b:s4+s26], $0x80, s28, s26, $0xb8;
	[tilespmem:$0x1E900] =	vst v63  }
0x71: {  	s9 =	sadd.s32 $0xFFFFFFF0, s1;
	s8 =	sshra.s32 s8, $0x2  }
0x72: {  	[tilespmem:s25], [sflag:$0x3] =	stream.linear.gather [hbm4b:s9+s3], $0x80, $0x38;
	[tilespmem:$0x1E900] =	vst v63  }
0x73: {  	s9 =	sadd.s32 $0x8100, s8  }
0x74: {  	[spmem:s2] =	stream.indirect.scatter.add.f32 [tilespmem:s3], [sflag:$0x5], $0x80, s9, s26, $0xb8;
	[tilespmem:$0x1E900] =	vst v63  }
0x75: {  	_ =	swait.ge [sflag:s23], $0x4000  }
0x76: {  	[sflag:s23] =	ssyncset.done $0x0  }
0x77: {  	[sflag:s23] =	ssyncadd.s32 $0xFFFFC000  }
0x78: {  	_ =	swait.ge [sflag:s31], $0x4000  }
0x79: {  	[sflag:s31] =	ssyncset.done $0x0  }
0x7a: {  	[sflag:s31] =	ssyncadd.s32 $0xFFFFC000  }
0x7b: {  	_ =	swait.ge [sflag:s0], $0x80  }
0x7c: {  	[sflag:s0] =	ssyncset.done $0x0  }
0x7d: {  	[sflag:s0] =	ssyncadd.s32 $0xFFFFFF80  }
0x7e: {  	[tilespmem:s3], [sflag:$0x1] =	stream.indirect.gather [hbm4b:s4+s26], $0x80, s25, s26, $0xb8;
	[tilespmem:$0x1E900] =	vst v63  }
0x7f: {  	_ = 	snop  }
0x80: {  	[tilespmem:s28], [sflag:$0x4] =	stream.linear.gather [hbm4b:s1+s3], $0x80, $0x38;
	[tilespmem:$0x1E900] =	vst v63  }
.Ltmp1:
0x81: {  	_ = 	snop;
	(pc) =	sbr.rel @p0 .LBB2_4-.Ltmp1, $4  }
0x82: {  	s8 =	sadd.s32 $0x8180, s8  }
0x83: {  	[spmem:s2] =	stream.indirect.scatter.add.f32 [tilespmem:s30], [sflag:$0x5], $0x80, s8, s26, $0xb8;
	[tilespmem:$0x1E900] =	vst v63  }
0x84: {  	_ =	swait.ge [sflag:s23], $0x4000  }
0x85: {  	[sflag:s23] =	ssyncset.done $0x0  }
0x86: {  	[sflag:s23] =	ssyncadd.s32 $0xFFFFC000  }
0x87: {  	_ =	swait.ge [sflag:s24], $0x4000  }
0x88: {  	[sflag:s24] =	ssyncset.done $0x0  }
0x89: {  	[sflag:s24] =	ssyncadd.s32 $0xFFFFC000  }
0x8a: {  	_ =	swait.ge [sflag:s29], $0x80  }
0x8b: {  	[sflag:s29] =	ssyncset.done $0x0  }
0x8c: {  	[sflag:s29] =	ssyncadd.s32 $0xFFFFFF80  }
0x8d: {  	[tilespmem:s30], [sflag:$0x2] =	stream.indirect.gather [hbm4b:s4+s26], $0x80, s28, s26, $0xb8;
	[tilespmem:$0x1E900] =	vst v63  }
0x8e: {  	s1 =	sadd.s32 $0x4E0, s7  }
0x8f: {  	[tilespmem:s25], [sflag:$0x3] =	stream.linear.gather [hbm4b:s1+s3], $0x80, $0x38;
	[tilespmem:$0x1E900] =	vst v63  }
0x90: {  	s8 =	simm.s32 $0xA700  }
0x91: {  	[spmem:s2] =	stream.indirect.scatter.add.f32 [tilespmem:s3], [sflag:$0x5], $0x80, s8, s26, $0xb8;
	[tilespmem:$0x1E900] =	vst v63  }
0x92: {  	_ =	swait.ge [sflag:s23], $0x4000  }
0x93: {  	[sflag:s23] =	ssyncset.done $0x0  }
0x94: {  	[sflag:s23] =	ssyncadd.s32 $0xFFFFC000  }
0x95: {  	_ =	swait.ge [sflag:s31], $0x4000  }
0x96: {  	[sflag:s31] =	ssyncset.done $0x0  }
0x97: {  	[sflag:s31] =	ssyncadd.s32 $0xFFFFC000  }
0x98: {  	_ =	swait.ge [sflag:s0], $0x80  }
0x99: {  	[sflag:s0] =	ssyncset.done $0x0  }
0x9a: {  	[sflag:s0] =	ssyncadd.s32 $0xFFFFFF80  }
0x9b: {  	[tilespmem:s3], [sflag:$0x1] =	stream.indirect.gather [hbm4b:s4+s26], $0x80, s25, s26, $0xb8;
	[tilespmem:$0x1E900] =	vst v63  }
0x9c: {  	s9 =	simm.s32 $0xA780  }
0x9d: {  	[spmem:s2] =	stream.indirect.scatter.add.f32 [tilespmem:s30], [sflag:$0x5], $0x80, s9, s26, $0xb8;
	[tilespmem:$0x1E900] =	vst v63  }
0x9e: {  	_ =	swait.ge [sflag:s23], $0x4000  }
0x9f: {  	[sflag:s23] =	ssyncset.done $0x0  }
0xa0: {  	[sflag:s23] =	ssyncadd.s32 $0xFFFFC000  }
0xa1: {  	_ =	swait.ge [sflag:s24], $0x4000  }
0xa2: {  	[sflag:s24] =	ssyncset.done $0x0  }
0xa3: {  	s5 =	simm.s32 $0xA800;
	[sflag:s24] =	ssyncadd.s32 $0xFFFFC000  }
0xa4: {  	[spmem:s2] =	stream.indirect.scatter.add.f32 [tilespmem:s3], [sflag:$0x5], $0x80, s5, s26, $0xb8;
	[tilespmem:$0x1E900] =	vst v63  }
0xa5: {  	_ =	swait.ge [sflag:s23], $0x4000  }
0xa6: {  	[sflag:s23] =	ssyncset.done $0x0  }
0xa7: {  	[sflag:s23] =	ssyncadd.s32 $0xFFFFC000  }
0xa8: {  	[bflag:$0x0] =	sbarrier.arrive $0xFFFF  }
0xa9: {  	[tilespmem:s3], [sflag:$0x1] =	stream.linear.gather [spmem:s6], $0x4000, $0x38;
	[tilespmem:$0x1E900] =	vst v63  }
0xaa: {  	_ =	swait.ge [sflag:s24], $0x4000  }
0xab: {  	[sflag:s24] =	ssyncset.done $0x0  }
0xac: {  	s8 =	rddreg [dreg:$0x5];
	[sflag:s24] =	ssyncadd.s32 $0xFFFFC000  }
0xad: {  	[tilespmem:s30], [sflag:$0x2] =	stream.linear.gather [spmem:s8], $0x4000, $0x38;
	[tilespmem:$0x1E900] =	vst v63  }
0xae: {  	s9 =	rddreg [dreg:$0x6]  }
0xaf: {  	[hbm4b:s9+s3] =	stream.linear.scatter [tilespmem:s3], [sflag:$0x5], $0x4000, $0x38;
	[tilespmem:$0x1E900] =	vst v63  }
0xb0: {  	_ =	swait.ge [sflag:s23], $0x4000  }
0xb1: {  	[sflag:s23] =	ssyncset.done $0x0  }
0xb2: {  	[sflag:s23] =	ssyncadd.s32 $0xFFFFC000  }
0xb3: {  	_ =	swait.ge [sflag:s31], $0x4000  }
0xb4: {  	[sflag:s31] =	ssyncset.done $0x0  }
0xb5: {  	[sflag:s31] =	ssyncadd.s32 $0xFFFFC000  }
0xb6: {  	[tilespmem:s3], [sflag:$0x1] =	stream.linear.gather [spmem:s10], $0x4000, $0x38;
	[tilespmem:$0x1E900] =	vst v63  }
0xb7: {  	_ = 	snop  }
0xb8: {  	[hbm4b:s11+s3] =	stream.linear.scatter [tilespmem:s30], [sflag:$0x5], $0x4000, $0x38;
	[tilespmem:$0x1E900] =	vst v63  }
0xb9: {  	_ =	swait.ge [sflag:s23], $0x4000  }
0xba: {  	[sflag:s23] =	ssyncset.done $0x0  }
0xbb: {  	[sflag:s23] =	ssyncadd.s32 $0xFFFFC000  }
0xbc: {  	_ =	swait.ge [sflag:s24], $0x4000  }
0xbd: {  	[sflag:s24] =	ssyncset.done $0x0  }
0xbe: {  	[sflag:s24] =	ssyncadd.s32 $0xFFFFC000  }
0xbf: {  	[tilespmem:s30], [sflag:$0x2] =	stream.linear.gather [spmem:s12], $0x4000, $0x38;
	[tilespmem:$0x1E900] =	vst v63  }
0xc0: {  	_ = 	snop  }
0xc1: {  	[hbm4b:s13+s3] =	stream.linear.scatter [tilespmem:s3], [sflag:$0x5], $0x4000, $0x38;
	[tilespmem:$0x1E900] =	vst v63  }
0xc2: {  	_ =	swait.ge [sflag:s23], $0x4000  }
0xc3: {  	[sflag:s23] =	ssyncset.done $0x0  }
0xc4: {  	[sflag:s23] =	ssyncadd.s32 $0xFFFFC000  }
0xc5: {  	_ =	swait.ge [sflag:s31], $0x4000  }
0xc6: {  	[sflag:s31] =	ssyncset.done $0x0  }
0xc7: {  	[sflag:s31] =	ssyncadd.s32 $0xFFFFC000  }
0xc8: {  	[tilespmem:s3], [sflag:$0x1] =	stream.linear.gather [spmem:s14], $0x4000, $0x38;
	[tilespmem:$0x1E900] =	vst v63  }
0xc9: {  	_ = 	snop  }
0xca: {  	[hbm4b:s15+s3] =	stream.linear.scatter [tilespmem:s30], [sflag:$0x5], $0x4000, $0x38;
	[tilespmem:$0x1E900] =	vst v63  }
0xcb: {  	_ =	swait.ge [sflag:s23], $0x4000  }
0xcc: {  	[sflag:s23] =	ssyncset.done $0x0  }
0xcd: {  	[sflag:s23] =	ssyncadd.s32 $0xFFFFC000  }
0xce: {  	s22 =	sadd.s32 $0x1, s22;
	_ =	swait.ge [sflag:s24], $0x4000  }
0xcf: {  	p0 =	sne.s32 s22, s17;
	[sflag:s24] =	ssyncset.done $0x0  }
.Ltmp2:
0xd0: {  	[sflag:s24] =	ssyncadd.s32 $0xFFFFC000;
	(pc) =	sbr.rel @p0 .LBB2_1-.Ltmp2, $4  }
0xd1: {  	[hbm4b:s16+s3] =	stream.linear.scatter [tilespmem:s3], [sflag:$0x5], $0x4000, $0x38;
	[tilespmem:$0x1E900] =	vst v63  }
0xd2: {  	_ =	swait.ge [sflag:s23], $0x4000  }
0xd3: {  	[sflag:s23] =	ssyncset.done $0x0  }
0xd4: {  	[sflag:s23] =	ssyncadd.s32 $0xFFFFC000  }
0xd5: {  	_ =	sfence.sel $0x180000  }
0xd6: {  	[bflag:$0x0] =	sbarrier.arrive $0xFFFF  }
0xd7: {  	_ =	strace $0x9000004A  }
0xd8: {  	s0 =	stileid.u32;
	[bflag:$0x2] =	sbarrier.arrive $0xFFFF  }
0xd9: {  	p0 =	sne.s32 s0, $0x0;
	s0 =	rddreg [dreg:$0x3]  }
0xda: {  	s0 =	sadd.s32 @!p0 $0x100000, s0  }
0xdb: {  	[sflag:s0] =	ssyncadd.tile.s32 @!p0 $0x1;
	_ =	shalt  }
.Lfunc_end2:
_tile_overlayer_lowered:
.L_overlay_start_2:
0xdc: {  	(tag) =	ssettag $0x2  }
0xdd: {  	s0 =	rddreg [dreg:$0x0];
	s2 =	stileid.u32  }
0xde: {  	s1 =	rddreg [dreg:$0x1];
	p0 =	sne.s32 s2, $0x0  }
0xdf: {  	s3 =	rddreg [dreg:$0x2];
	[bflag:$0x3] =	sbarrier.arrive $0xFFFF;
	s2 =	simm.s32 @!p0 $0x1C05  }
0xe0: {  	[timem:s3], [sflag:s2] =	dma.local @!p0 [hbm:s0], s1  }
0xe1: {  	s0 =	simm.s32 @!p0 $0x5  }
0xe2: {  	_ =	swait.ge @!p0 [sflag:s0], s1  }
0xe3: {  	s1 =	ssub.s32 @!p0 $0x0, s1;
	[sflag:s0] =	ssyncset.done @!p0 $0x0  }
0xe4: {  	[sflag:s0] =	ssyncadd.s32 @!p0 s1  }
0xe5: {  	[bflag:$0x3] =	sbarrier.arrive $0xFFFF  }
0xe6: {  	_ =	shalt  }

// kernel: kernel.14.cloned.1.call-start
scs
__scs_entry_jumppad:
0x0: {  	(pc) =	sbr.rel $0x88, $3  }
0x1: {  	(tag) =	ssettag $0x0;
	lr =	simm.s32 $0x1  }
0x2: {  	[smem:$0x3F9B] =	sst lr;
	_ =	strace $0xD0000000  }
0x3: {  	_ = 	snop  }
0x4: {  	_ = 	snop  }
0x5: {  	_ = 	snop  }
0x6: {  	_ = 	snop  }
0x7: {  	_ = 	snop  }
__scs_overlays_trampoline_lowered:
0x8: {  	[smem:$0x3FAA] =	sst s0  }
0x9: {  	[smem:$0x3FAB] =	sst s1  }
0xa: {  	[smem:$0x3FAC] =	sst s2  }
0xb: {  	[smem:$0x3FAD] =	sst s3  }
0xc: {  	[smem:$0x3FAE] =	sst s4  }
0xd: {  	[smem:$0x3FAF] =	sst s5  }
0xe: {  	[smem:$0x3FB0] =	sst s6  }
0xf: {  	[smem:$0x3FB1] =	sst s7  }
0x10: {  	[smem:$0x3FB2] =	sst s8  }
0x11: {  	[smem:$0x3FB3] =	sst s9;
	s0 =	simm.s32 @!p0 $0x0  }
0x12: {  	s1 =	sld [smem:$0x3F99];
	s0 =	simm.s32 @p0 $0x1  }
0x13: {  	[smem:$0x3FB4] =	sst s0;
	s0 =	simm.s32 @!p1 $0x0  }
0x14: {  	s2 =	sld [smem:$0x3F98];
	s0 =	simm.s32 @p1 $0x1  }
0x15: {  	[smem:$0x3FB5] =	sst s0;
	s0 =	simm.s32 @!p2 $0x0  }
0x16: {  	s3 =	sld [smem:$0x3FDB];
	s0 =	simm.s32 @p2 $0x1  }
0x17: {  	s4 =	simm.s32 $0x1BF5;
	[smem:$0x3FB7] =	sst s0  }
0x18: {  	s0 =	sld [smem:$0x3F9A];
	_ =	swait.ge [sflag:s4], $0x0  }
0x19: {  	s7 =	sld [smem:$0x3F9B]  }
0x1a: {  	s8 =	sadd.s32 $0xFFFFE003, lr  }
0x1b: {  	s9 =	sadd.s32 $0xFFFFFEF7, lr;
	s5 =	simm.s32 $0xFFFFFFFF;
	p2 =	slt.u32 s8, $0xFFFFF086  }
0x1c: {  	p1 =	slt.u32 s9, $0xF7A;
	s5 =	simm.s32 @!p2 $0x0  }
0x1d: {  	s5 =	simm.s32 @p1 $0x1;
	p0 =	seq.s32 s7, s2  }
0x1e: {  	s7 =	smul.u32 @!p0 $0xF7A, s2;
	p2 =	seq.s32 @!p0 s5, $0x0  }
0x1f: {  	s9 =	smul.u32 $0xF7A, s1;
	s8 =	simm.s32 @!p0 $0x1BF5;
	p2 =	por !p2, p0  }
0x20: {  	[sflag:s8] =	ssyncset.s32 @!p0 $0xFFFFF086;
	s6 =	sadd.s32 @!p0 s3, s7;
	s7 =	simm.s32 @!p0 $0x108  }
0x21: {  	s3 =	sadd.s32 s3, s9;
	s6 =	sadd.s32 @!p0 $0x88, s6;
	s7 =	simm.s32 @p2 $0x1082  }
0x22: {  	[simem:s7], [sflag:s8] =	dma.local @!p0 [hbm:s6], $0xF7A  }
0x23: {  	s9 =	sor.u32 $0xD0000000, s2;
	s6 =	simm.s32 $0x108;
	_ =	swait.ge @!p0 [sflag:s8], $0x0  }
0x24: {  	s3 =	sadd.s32 $0x88, s3;
	s6 =	simm.s32 @!p1 $0x1082;
	[sflag:s4] =	ssyncset.s32 $0xFFFFF086  }
0x25: {  	[simem:s6], [sflag:s4] =	dma.local [hbm:s3], $0xF7A  }
0x26: {  	[smem:$0x3F9B] =	sst s1;
	(tag) =	ssettag s2;
	_ =	strace s9  }
0x27: {  	s1 =	sld [smem:$0x3FAB]  }
0x28: {  	s2 =	sld [smem:$0x3FAC]  }
0x29: {  	s4 =	sld [smem:$0x3FAE]  }
0x2a: {  	p0 =	seq.s32 s5, $0x0;
	s5 =	sld [smem:$0x3FAF]  }
0x2b: {  	s6 =	sld [smem:$0x3FB0]  }
0x2c: {  	s7 =	sld [smem:$0x3FB1]  }
0x2d: {  	s3 =	simm.s32 $0x108;
	s8 =	sld [smem:$0x3FB2]  }
0x2e: {  	s3 =	simm.s32 @!p0 $0x1082;
	s9 =	sld [smem:$0x3FB3]  }
0x2f: {  	lr =	sadd.s32 s0, s3;
	s0 =	sld [smem:$0x3FAA]  }
0x30: {  	s3 =	sld [smem:$0x3FAD]  }
0x31: {  	[smem:$0x3FB6] =	sst s10  }
0x32: {  	s10 =	sld [smem:$0x3FB4];
	_ =	sdelay $0x3  }
0x33: {  	p0 =	seq.s32 s10, $0x1;
	s10 =	sld [smem:$0x3FB6];
	_ =	sdelay $0x3  }
0x34: {  	[smem:$0x3FB6] =	sst s10  }
0x35: {  	s10 =	sld [smem:$0x3FB5];
	_ =	sdelay $0x3  }
0x36: {  	p1 =	seq.s32 s10, $0x1;
	s10 =	sld [smem:$0x3FB6];
	_ =	sdelay $0x3  }
0x37: {  	[smem:$0x3FB6] =	sst s10  }
0x38: {  	s10 =	sld [smem:$0x3FB7]  }
0x39: {  	_ = 	snop;
	(pc) =	sbr.ind lr, $3  }
0x3a: {  	_ = 	snop  }
0x3b: {  	_ = 	snop  }
0x3c: {  	p2 =	seq.s32 s10, $0x1;
	s10 =	sld [smem:$0x3FB6]  }
0x3d: {  	_ =	shalt  }
0x3e: {  	_ =	shalt  }
0x3f: {  	_ =	shalt  }
0x40: {  	_ =	shalt  }
0x41: {  	_ =	shalt  }
0x42: {  	_ =	shalt  }
0x43: {  	_ =	shalt  }
0x44: {  	_ =	shalt  }
0x45: {  	_ =	shalt  }
0x46: {  	_ =	shalt  }
0x47: {  	_ =	shalt  }
0x48: {  	_ =	shalt  }
0x49: {  	_ =	shalt  }
0x4a: {  	_ =	shalt  }
0x4b: {  	_ =	shalt  }
0x4c: {  	_ =	shalt  }
0x4d: {  	_ =	shalt  }
0x4e: {  	_ =	shalt  }
0x4f: {  	_ =	shalt  }
0x50: {  	_ =	shalt  }
0x51: {  	_ =	shalt  }
0x52: {  	_ =	shalt  }
0x53: {  	_ =	shalt  }
0x54: {  	_ =	shalt  }
0x55: {  	_ =	shalt  }
0x56: {  	_ =	shalt  }
0x57: {  	_ =	shalt  }
0x58: {  	_ =	shalt  }
0x59: {  	_ =	shalt  }
0x5a: {  	_ =	shalt  }
0x5b: {  	_ =	shalt  }
0x5c: {  	_ =	shalt  }
0x5d: {  	_ =	shalt  }
0x5e: {  	_ =	shalt  }
0x5f: {  	_ =	shalt  }
0x60: {  	_ =	shalt  }
0x61: {  	_ =	shalt  }
0x62: {  	_ =	shalt  }
0x63: {  	_ =	shalt  }
0x64: {  	_ =	shalt  }
0x65: {  	_ =	shalt  }
0x66: {  	_ =	shalt  }
0x67: {  	_ =	shalt  }
0x68: {  	_ =	shalt  }
0x69: {  	_ =	shalt  }
0x6a: {  	_ =	shalt  }
0x6b: {  	_ =	shalt  }
0x6c: {  	_ =	shalt  }
0x6d: {  	_ =	shalt  }
0x6e: {  	_ =	shalt  }
0x6f: {  	_ =	shalt  }
0x70: {  	_ =	shalt  }
0x71: {  	_ =	shalt  }
0x72: {  	_ =	shalt  }
0x73: {  	_ =	shalt  }
0x74: {  	_ =	shalt  }
0x75: {  	_ =	shalt  }
0x76: {  	_ =	shalt  }
0x77: {  	_ =	shalt  }
0x78: {  	_ =	shalt  }
0x79: {  	_ =	shalt  }
0x7a: {  	_ =	shalt  }
0x7b: {  	_ =	shalt  }
0x7c: {  	_ =	shalt  }
0x7d: {  	_ =	shalt  }
0x7e: {  	_ =	shalt  }
0x7f: {  	_ =	shalt  }
0x80: {  	_ =	shalt  }
0x81: {  	_ =	shalt  }
0x82: {  	_ =	shalt  }
0x83: {  	_ =	shalt  }
0x84: {  	_ =	shalt  }
0x85: {  	_ =	shalt  }
0x86: {  	_ =	shalt  }
0x87: {  	_ =	shalt  }
.Lfunc_end0:
.L_simem_size_0:
called_computation.2_lowered:
.L_overlay_start_0:
0x88: {  	s2 =	sld [smem:$0x3FD9]  }
0x89: {  	s3 =	sld [smem:$0x3FFE];
	_ =	sdelay $0x1  }
0x8a: {  	s1 =	srdreg.scid  }
0x8b: {  	s0 =	sand.u32 $0x1, s1  }
0x8c: {  	s17 =	sshll.u32 s0, $0xA;
	s2 =	sadd.s32 s3, s2  }
0x8d: {  	s2 =	sadd.s32 s2, s17  }
0x8e: {  	[smem:$0x3FC2] =	sst s2  }
0x8f: {  	_ = 	snop  }
0x90: {  	s2 =	sld [smem:$0x3FD0];
	(tm) =	ssettm $0x1  }
0x91: {  	s18 =	sld [smem:$0x3FFB];
	_ =	sdelay $0x3  }
0x92: {  	_ =	strace s18  }
0x93: {  	s3 =	sld [smem:$0x3FFC];
	_ =	sdelay $0x3  }
0x94: {  	_ =	strace s3  }
0x95: {  	s3 =	sld [smem:$0x3FFD];
	_ =	sdelay $0x3  }
0x96: {  	_ =	strace s3  }
0x97: {  	_ =	strace $0x8FFFFFFF  }
0x98: {  	s19 =	sld [smem:$0x3FDB];
	_ =	sdelay $0x1  }
0x99: {  	s4 =	simm.s32 $_scs_section_size  }
0x9a: {  	s5 =	simm.s32 $_size__tile_overlayer_lowered;
	s6 =	simm.s32 $_tile_overlayer_lowered  }
0x9b: {  	s22 =	simm.s32 $0x1BFF;
	s21 =	sshll.u32 s6, $0x1;
	s3 =	sadd.s32 s4, s19  }
0x9c: {  	s7 =	simm.s32 $0x0;
	s20 =	sshll.u32 s5, $0x1;
	s5 =	sadd.s32 s21, s3  }
0x9d: {  	[timem:s7], [sflag:s22] =	dma.local [hbm:s5], s20  }
0x9e: {  	_ =	swait.ge [sflag:s22], s20  }
0x9f: {  	s4 =	ssub.s32 $0x0, s20;
	[sflag:s22] =	ssyncset.done $0x0  }
0xa0: {  	[sflag:s22] =	ssyncadd.s32 s4;
	_ =	sdelay $0x1  }
0xa1: {  	s23 =	simm.s32 $0x1B8B  }
0xa2: {  	_ =	swait.ge [sflag:s23], $0x1  }
0xa3: {  	[sflag:s23] =	ssyncset.done $0x0  }
0xa4: {  	s25 =	simm.s32 $0x1B8E;
	s24 =	sld [smem:$0x3FFE];
	[sflag:s23] =	ssyncadd.s32 $0xFFFFFFFF  }
0xa5: {  	s26 =	simm.s32 $execute0_lowered;
	[smem:$0x3FD2] =	sst s25  }
0xa6: {  	s5 =	sshll.u32 s26, $0x1;
	_ =	strace $0x8000004C;
	[dreg:$0x1] =	wrdreg $0xFFFFFFFF  }
0xa7: {  	s28 =	simm.s32 $_size_execute0_lowered;
	s3 =	sadd.s32 s3, s5;
	[dreg:$0x0] =	wrdreg $0x0  }
0xa8: {  	s5 =	sshll.u32 s28, $0x1;
	[dreg:$0x2] =	wrdreg s3  }
0xa9: {  	[dreg:$0x3] =	wrdreg s5  }
0xaa: {  	[dreg:$0x4] =	wrdreg $0xC0  }
0xab: {  	_ =	task [dreg:s7], $0x5FFFF  }
0xac: {  	[dreg:$0x1] =	wrdreg $0xFFFFFFFF  }
0xad: {  	[dreg:$0x0] =	wrdreg $0x60  }
0xae: {  	[dreg:$0x2] =	wrdreg s24  }
0xaf: {  	[dreg:$0x3] =	wrdreg s2  }
0xb0: {  	[dreg:$0x4] =	wrdreg $0xA9000  }
0xb1: {  	[dreg:$0x5] =	wrdreg $0x9  }
0xb2: {  	_ =	task.clear_ibuf [dreg:s7], $0x6FFFF;
	_ =	strace $0x9000004C  }
0xb3: {  	s29 =	simm.s32 $0x9;
	_ =	strace $0x8000004E  }
0xb4: {  	_ =	swait.ge [sflag:s29], $0x1  }
0xb5: {  	[sflag:s29] =	ssyncadd.s32 $0xFFFFFFFF  }
0xb6: {  	_ =	strace $0x9000004E  }
0xb7: {  	_ =	sfence  }
0xb8: {  	s30 =	sld [smem:$0x0];
	_ =	sdelay $0x2  }
0xb9: {  	s31 =	sshll.u32 s1, $0xD;
	s1 =	sshrl.u32 s1, $0x2  }
0xba: {  	s3 =	sand.u32 $0x4000, s31;
	s1 =	sadd.s32 s1, s30  }
0xbb: {  	s0 =	sor.u32 s3, s0;
	s1 =	sshll.u32 s1, $0x11  }
0xbc: {  	s0 =	sor.u32 s1, s0  }
0xbd: {  	s0 =	sadd.s32 $0x8F2B, s0  }
0xbe: {  	[sflag:s0] =	ssyncadd.remote.s32 $0x1  }
0xbf: {  	_ =	sfence.sel $0xFFFF  }
0xc0: {  	[dreg:$0x0] =	wrdreg $0xFFFFFFFF;
	(pc) =	sbr.abs _section_cstart, $3  }
0xc1: {  	[dreg:$0x1] =	wrdreg $0xFFFFFFFF  }
0xc2: {  	_ =	task.clear_ibuf [dreg:s7], $0x2FFFF;
	_ =	strace $0x9FFFFFFF  }
0xc3: {  	(tm) =	ssettm $0x7FFFFFFF  }
tec
execute0_lowered:
.L_overlay_start_1:
0x0: {  	(tag) =	ssettag $0x1  }
0x1: {  	s0 =	rddreg [dreg:$0x0]  }
0x2: {  	s1 =	srdreg.scid;
	s5 =	rddreg [dreg:$0x1]  }
0x3: {  	s2 =	rddreg [dreg:$0x2];
	s11 =	stileid.u32;
	s3 =	simm.s32 $0x0  }
0x4: {  	s28 =	simm.s32 $0x8080;
	s29 =	simm.s32 $0x4;
	s30 =	simm.s32 $0x4000  }
0x5: {  	s31 =	simm.s32 $0x2;
	s1 =	sand.u32 $0x1, s1;
	s9 =	smul.u32 $0x50000, s11  }
0x6: {  	[smem:$0x7FF] =	sst s3;
	s13 =	smul.u32 $0x14000, s11;
	s4 =	sshll.u32 s1, $0x4  }
0x7: {  	_ =	strace $0x8000004D;
	s8 =	ssub.s32 $0x2, s1;
	s1 =	smul.u32 $0x140000, s1  }
0x8: {  	s4 =	sor.u32 s11, s4;
	s10 =	sshrl.u32 s8, $0x1;
	s21 =	sshrl.u32 s9, $0x2  }
0x9: {  	s22 =	sadd.s32 $0x4000, s13;
	s12 =	sadd.s32 $0x8000, s13;
	s26 =	sadd.s32 $0xC000, s13  }
0xa: {  	s15 =	sadd.s32 $0x10000, s13;
	s6 =	smul.u32 $0x500, s4;
	s4 =	sadd.s32 $0x5C600, s0  }
0xb: {  	s17 =	ssub.s32 s8, s10;
	s23 =	sadd.s32 s22, s2;
	s24 =	sadd.s32 s13, s1  }
0xc: {  	s10 =	sadd.s32 s12, s2;
	s14 =	sadd.s32 s1, s12;
	s12 =	sadd.s32 s26, s2  }
0xd: {  	[dreg:$0x5] =	wrdreg s23;
	s9 =	sshrl.u32 s24, $0x3;
	s14 =	sshrl.u32 s14, $0x3  }
0xe: {  	s17 =	smax.u32 s17, $0x1;
	s23 =	simm.s32 $0x5;
	s24 =	simm.s32 $0x1  }
0xf: {  	s7 =	sadd.s32 s6, s0;
	s0 =	sadd.s32 $0x84600, s0;
	s5 =	sadd.s32 s5, s6  }
0x10: {  	s6 =	sadd.s32 s21, s2;
	[dreg:$0x4] =	wrdreg s5;
	s7 =	sadd.s32 $0x52600, s7  }
0x11: {  	s5 =	sadd.s32 s1, s22;
	s25 =	sadd.s32 s0, s9;
	s13 =	sadd.s32 s0, s14  }
0x12: {  	s14 =	sadd.s32 s15, s2;
	s18 =	sadd.s32 $0x4000, s6;
	s19 =	sadd.s32 $0x8000, s6  }
0x13: {  	s20 =	sadd.s32 $0xC000, s6;
	s21 =	sadd.s32 $0x10000, s6;
	s22 =	simm.s32 $0x0  }
0x14: {  	[dreg:$0x6] =	wrdreg s25;
	s5 =	sshrl.u32 s5, $0x3;
	s25 =	simm.s32 $0x8000  }
0x15: {  	s11 =	sadd.s32 s0, s5;
	s5 =	sadd.s32 s1, s26;
	s1 =	sadd.s32 s1, s15  }
0x16: {  	s26 =	simm.s32 $0x80;
	s5 =	sshrl.u32 s5, $0x3;
	s1 =	sshrl.u32 s1, $0x3  }
0x17: {  	v0 =	vimm.f32 $0.0e+00;
	s15 =	sadd.s32 s0, s5;
	s16 =	sadd.s32 s0, s1;
	s0 =	simm.s32 $0x3  }
.LBB2_1:
0x18: {  	s1 =	rddreg [dreg:$0x4];
	s5 =	simm.s32 $0x8100  }
0x19: {  	[tilespmem:s5], [sflag:$0x5] =	stream.linear.gather [hbm4b:s1+s3], $0x2780, $0x38;
	[tilespmem:$0x1E900] =	vst v63  }
0x1a: {  	_ =	swait.ge [sflag:s23], $0x2780  }
0x1b: {  	[sflag:s23] =	ssyncset.done $0x0  }
0x1c: {  	s1 =	simm.s32 $0x0;
	s5 =	simm.s32 $0x200;
	[sflag:s23] =	ssyncadd.s32 $0xFFFFD880  }
.LBB2_2:
0x1d: {  	p0 =	sne.s32 s5, $0xFE00;
	[tilespmem:s1+$0x70] =	vst v0  }
0x1e: {  	[tilespmem:s1+$0x0] =	vst v0  }
0x1f: {  	[tilespmem:s1+$0x10] =	vst v0  }
.Ltmp0:
0x20: {  	[tilespmem:s1+$0x20] =	vst v0;
	(pc) =	sbr.rel @p0 .LBB2_2-.Ltmp0, $4  }
0x21: {  	[tilespmem:s1+$0x30] =	vst v0  }
0x22: {  	[tilespmem:s1+$0x40] =	vst v0  }
0x23: {  	[tilespmem:s1+$0x50] =	vst v0  }
0x24: {  	[tilespmem:s1+$0x60] =	vst v0;
	s1 =	sshra.s32 s5, $0x2;
	s5 =	sadd.s32 $0x200, s5  }
0x25: {  	[tilespmem:s1+$0x70] =	vst v0  }
0x26: {  	[tilespmem:s1+$0x0] =	vst v0  }
0x27: {  	[tilespmem:s1+$0x10] =	vst v0  }
0x28: {  	[tilespmem:s1+$0x20] =	vst v0  }
0x29: {  	[tilespmem:s1+$0x30] =	vst v0  }
0x2a: {  	[tilespmem:s1+$0x40] =	vst v0  }
0x2b: {  	[tilespmem:s1+$0x50] =	vst v0  }
0x2c: {  	[tilespmem:s1+$0x60] =	vst v0;
	s8 =	simm.s32 $0x0  }
0x2d: {  	[spmem:s6] =	stream.linear.scatter [tilespmem:s8], [sflag:$0x1], $0x4000, $0x38;
	[tilespmem:$0x1E900] =	vst v63  }
0x2e: {  	_ = 	snop  }
0x2f: {  	[spmem:s18] =	stream.linear.scatter [tilespmem:s8], [sflag:$0x1], $0x4000, $0x38;
	[tilespmem:$0x1E900] =	vst v63  }
0x30: {  	_ = 	snop  }
0x31: {  	[spmem:s19] =	stream.linear.scatter [tilespmem:s8], [sflag:$0x1], $0x4000, $0x38;
	[tilespmem:$0x1E900] =	vst v63  }
0x32: {  	_ = 	snop  }
0x33: {  	[spmem:s20] =	stream.linear.scatter [tilespmem:s8], [sflag:$0x1], $0x4000, $0x38;
	[tilespmem:$0x1E900] =	vst v63  }
0x34: {  	_ = 	snop  }
0x35: {  	[spmem:s21] =	stream.linear.scatter [tilespmem:s8], [sflag:$0x1], $0x4000, $0x38;
	[tilespmem:$0x1E900] =	vst v63  }
0x36: {  	_ =	swait.ge [sflag:s24], $0x4000  }
0x37: {  	[sflag:s24] =	ssyncset.done $0x0  }
0x38: {  	[sflag:s24] =	ssyncadd.s32 $0xFFFFC000  }
0x39: {  	_ =	swait.ge [sflag:s24], $0x4000  }
0x3a: {  	[sflag:s24] =	ssyncset.done $0x0  }
0x3b: {  	[sflag:s24] =	ssyncadd.s32 $0xFFFFC000  }
0x3c: {  	_ =	swait.ge [sflag:s24], $0x4000  }
0x3d: {  	[sflag:s24] =	ssyncset.done $0x0  }
0x3e: {  	[sflag:s24] =	ssyncadd.s32 $0xFFFFC000  }
0x3f: {  	_ =	swait.ge [sflag:s24], $0x4000  }
0x40: {  	[sflag:s24] =	ssyncset.done $0x0  }
0x41: {  	[sflag:s24] =	ssyncadd.s32 $0xFFFFC000  }
0x42: {  	_ =	swait.ge [sflag:s24], $0x4000  }
0x43: {  	[sflag:s24] =	ssyncset.done $0x0  }
0x44: {  	[sflag:s24] =	ssyncadd.s32 $0xFFFFC000  }
0x45: {  	[bflag:$0x0] =	sbarrier.arrive $0xFFFF  }
0x46: {  	[tilespmem:s25], [sflag:$0x5] =	stream.linear.gather [hbm4b:s7+s8], $0x80, $0x38;
	[tilespmem:$0x1E900] =	vst v63  }
0x47: {  	_ =	swait.ge [sflag:s23], $0x80  }
0x48: {  	[sflag:s23] =	ssyncset.done $0x0  }
0x49: {  	[sflag:s23] =	ssyncadd.s32 $0xFFFFFF80  }
0x4a: {  	[tilespmem:s8], [sflag:$0x1] =	stream.indirect.gather [hbm4b:s4+s26], $0x80, s25, s26, $0xb8;
	[tilespmem:$0x1E900] =	vst v63  }
0x4b: {  	s5 =	sadd.s32 $0x10, s7  }
0x4c: {  	[tilespmem:s28], [sflag:$0x4] =	stream.linear.gather [hbm4b:s5+s8], $0x80, $0x38;
	[tilespmem:$0x1E900] =	vst v63  }
0x4d: {  	_ =	swait.ge [sflag:s24], $0x4000  }
0x4e: {  	[sflag:s24] =	ssyncset.done $0x0  }
0x4f: {  	[sflag:s24] =	ssyncadd.s32 $0xFFFFC000  }
0x50: {  	_ =	swait.ge [sflag:s29], $0x80  }
0x51: {  	[sflag:s29] =	ssyncset.done $0x0  }
0x52: {  	s1 =	sadd.s32 $0x30, s7;
	[sflag:s29] =	ssyncadd.s32 $0xFFFFFF80  }
0x53: {  	[tilespmem:s30], [sflag:$0x2] =	stream.indirect.gather [hbm4b:s4+s26], $0x80, s28, s26, $0xb8;
	[tilespmem:$0x1E900] =	vst v63  }
0x54: {  	s9 =	sadd.s32 $0xFFFFFFF0, s1  }
0x55: {  	[tilespmem:s25], [sflag:$0x3] =	stream.linear.gather [hbm4b:s9+s3], $0x80, $0x38;
	[tilespmem:$0x1E900] =	vst v63  }
0x56: {  	s8 =	simm.s32 $0x8100  }
0x57: {  	[spmem:s2] =	stream.indirect.scatter.add.f32 [tilespmem:s3], [sflag:$0x5], $0x80, s8, s26, $0xb8;
	[tilespmem:$0x1E900] =	vst v63  }
0x58: {  	_ =	swait.ge [sflag:s23], $0x4000  }
0x59: {  	[sflag:s23] =	ssyncset.done $0x0  }
0x5a: {  	[sflag:s23] =	ssyncadd.s32 $0xFFFFC000  }
0x5b: {  	_ =	swait.ge [sflag:s31], $0x4000  }
0x5c: {  	[sflag:s31] =	ssyncset.done $0x0  }
0x5d: {  	[sflag:s31] =	ssyncadd.s32 $0xFFFFC000  }
0x5e: {  	_ =	swait.ge [sflag:s0], $0x80  }
0x5f: {  	[sflag:s0] =	ssyncset.done $0x0  }
0x60: {  	[sflag:s0] =	ssyncadd.s32 $0xFFFFFF80  }
0x61: {  	[tilespmem:s3], [sflag:$0x1] =	stream.indirect.gather [hbm4b:s4+s26], $0x80, s25, s26, $0xb8;
	[tilespmem:$0x1E900] =	vst v63  }
0x62: {  	_ = 	snop  }
0x63: {  	[tilespmem:s28], [sflag:$0x4] =	stream.linear.gather [hbm4b:s1+s3], $0x80, $0x38;
	[tilespmem:$0x1E900] =	vst v63  }
0x64: {  	s9 =	simm.s32 $0x8180  }
0x65: {  	[spmem:s2] =	stream.indirect.scatter.add.f32 [tilespmem:s30], [sflag:$0x5], $0x80, s9, s26, $0xb8;
	[tilespmem:$0x1E900] =	vst v63  }
0x66: {  	_ =	swait.ge [sflag:s23], $0x4000  }
0x67: {  	s5 =	simm.s32 $0x400;
	[sflag:s23] =	ssyncset.done $0x0  }
.LBB2_4:
0x68: {  	p0 =	sne.s32 s5, $0x9400;
	[sflag:s23] =	ssyncadd.s32 $0xFFFFC000;
	s1 =	sadd.s32 $0x20, s1  }
0x69: {  	s8 =	smov.u32 s5;
	s5 =	sadd.s32 $0x400, s5  }
0x6a: {  	_ =	swait.ge [sflag:s24], $0x4000  }
0x6b: {  	[sflag:s24] =	ssyncset.done $0x0  }
0x6c: {  	[sflag:s24] =	ssyncadd.s32 $0xFFFFC000  }
0x6d: {  	_ =	swait.ge [sflag:s29], $0x80  }
0x6e: {  	[sflag:s29] =	ssyncset.done $0x0  }
0x6f: {  	[sflag:s29] =	ssyncadd.s32 $0xFFFFFF80  }
0x70: {  	[tilespmem:s30], [sflag:$0x2] =	stream.indirect.gather [hbm4b:s4+s26], $0x80, s28, s26, $0xb8;
	[tilespmem:$0x1E900] =	vst v63  }
0x71: {  	s9 =	sadd.s32 $0xFFFFFFF0, s1;
	s8 =	sshra.s32 s8, $0x2  }
0x72: {  	[tilespmem:s25], [sflag:$0x3] =	stream.linear.gather [hbm4b:s9+s3], $0x80, $0x38;
	[tilespmem:$0x1E900] =	vst v63  }
0x73: {  	s9 =	sadd.s32 $0x8100, s8  }
0x74: {  	[spmem:s2] =	stream.indirect.scatter.add.f32 [tilespmem:s3], [sflag:$0x5], $0x80, s9, s26, $0xb8;
	[tilespmem:$0x1E900] =	vst v63  }
0x75: {  	_ =	swait.ge [sflag:s23], $0x4000  }
0x76: {  	[sflag:s23] =	ssyncset.done $0x0  }
0x77: {  	[sflag:s23] =	ssyncadd.s32 $0xFFFFC000  }
0x78: {  	_ =	swait.ge [sflag:s31], $0x4000  }
0x79: {  	[sflag:s31] =	ssyncset.done $0x0  }
0x7a: {  	[sflag:s31] =	ssyncadd.s32 $0xFFFFC000  }
0x7b: {  	_ =	swait.ge [sflag:s0], $0x80  }
0x7c: {  	[sflag:s0] =	ssyncset.done $0x0  }
0x7d: {  	[sflag:s0] =	ssyncadd.s32 $0xFFFFFF80  }
0x7e: {  	[tilespmem:s3], [sflag:$0x1] =	stream.indirect.gather [hbm4b:s4+s26], $0x80, s25, s26, $0xb8;
	[tilespmem:$0x1E900] =	vst v63  }
0x7f: {  	_ = 	snop  }
0x80: {  	[tilespmem:s28], [sflag:$0x4] =	stream.linear.gather [hbm4b:s1+s3], $0x80, $0x38;
	[tilespmem:$0x1E900] =	vst v63  }
.Ltmp1:
0x81: {  	_ = 	snop;
	(pc) =	sbr.rel @p0 .LBB2_4-.Ltmp1, $4  }
0x82: {  	s8 =	sadd.s32 $0x8180, s8  }
0x83: {  	[spmem:s2] =	stream.indirect.scatter.add.f32 [tilespmem:s30], [sflag:$0x5], $0x80, s8, s26, $0xb8;
	[tilespmem:$0x1E900] =	vst v63  }
0x84: {  	_ =	swait.ge [sflag:s23], $0x4000  }
0x85: {  	[sflag:s23] =	ssyncset.done $0x0  }
0x86: {  	[sflag:s23] =	ssyncadd.s32 $0xFFFFC000  }
0x87: {  	_ =	swait.ge [sflag:s24], $0x4000  }
0x88: {  	[sflag:s24] =	ssyncset.done $0x0  }
0x89: {  	[sflag:s24] =	ssyncadd.s32 $0xFFFFC000  }
0x8a: {  	_ =	swait.ge [sflag:s29], $0x80  }
0x8b: {  	[sflag:s29] =	ssyncset.done $0x0  }
0x8c: {  	[sflag:s29] =	ssyncadd.s32 $0xFFFFFF80  }
0x8d: {  	[tilespmem:s30], [sflag:$0x2] =	stream.indirect.gather [hbm4b:s4+s26], $0x80, s28, s26, $0xb8;
	[tilespmem:$0x1E900] =	vst v63  }
0x8e: {  	s1 =	sadd.s32 $0x4E0, s7  }
0x8f: {  	[tilespmem:s25], [sflag:$0x3] =	stream.linear.gather [hbm4b:s1+s3], $0x80, $0x38;
	[tilespmem:$0x1E900] =	vst v63  }
0x90: {  	s8 =	simm.s32 $0xA700  }
0x91: {  	[spmem:s2] =	stream.indirect.scatter.add.f32 [tilespmem:s3], [sflag:$0x5], $0x80, s8, s26, $0xb8;
	[tilespmem:$0x1E900] =	vst v63  }
0x92: {  	_ =	swait.ge [sflag:s23], $0x4000  }
0x93: {  	[sflag:s23] =	ssyncset.done $0x0  }
0x94: {  	[sflag:s23] =	ssyncadd.s32 $0xFFFFC000  }
0x95: {  	_ =	swait.ge [sflag:s31], $0x4000  }
0x96: {  	[sflag:s31] =	ssyncset.done $0x0  }
0x97: {  	[sflag:s31] =	ssyncadd.s32 $0xFFFFC000  }
0x98: {  	_ =	swait.ge [sflag:s0], $0x80  }
0x99: {  	[sflag:s0] =	ssyncset.done $0x0  }
0x9a: {  	[sflag:s0] =	ssyncadd.s32 $0xFFFFFF80  }
0x9b: {  	[tilespmem:s3], [sflag:$0x1] =	stream.indirect.gather [hbm4b:s4+s26], $0x80, s25, s26, $0xb8;
	[tilespmem:$0x1E900] =	vst v63  }
0x9c: {  	s9 =	simm.s32 $0xA780  }
0x9d: {  	[spmem:s2] =	stream.indirect.scatter.add.f32 [tilespmem:s30], [sflag:$0x5], $0x80, s9, s26, $0xb8;
	[tilespmem:$0x1E900] =	vst v63  }
0x9e: {  	_ =	swait.ge [sflag:s23], $0x4000  }
0x9f: {  	[sflag:s23] =	ssyncset.done $0x0  }
0xa0: {  	[sflag:s23] =	ssyncadd.s32 $0xFFFFC000  }
0xa1: {  	_ =	swait.ge [sflag:s24], $0x4000  }
0xa2: {  	[sflag:s24] =	ssyncset.done $0x0  }
0xa3: {  	s5 =	simm.s32 $0xA800;
	[sflag:s24] =	ssyncadd.s32 $0xFFFFC000  }
0xa4: {  	[spmem:s2] =	stream.indirect.scatter.add.f32 [tilespmem:s3], [sflag:$0x5], $0x80, s5, s26, $0xb8;
	[tilespmem:$0x1E900] =	vst v63  }
0xa5: {  	_ =	swait.ge [sflag:s23], $0x4000  }
0xa6: {  	[sflag:s23] =	ssyncset.done $0x0  }
0xa7: {  	[sflag:s23] =	ssyncadd.s32 $0xFFFFC000  }
0xa8: {  	[bflag:$0x0] =	sbarrier.arrive $0xFFFF  }
0xa9: {  	[tilespmem:s3], [sflag:$0x1] =	stream.linear.gather [spmem:s6], $0x4000, $0x38;
	[tilespmem:$0x1E900] =	vst v63  }
0xaa: {  	_ =	swait.ge [sflag:s24], $0x4000  }
0xab: {  	[sflag:s24] =	ssyncset.done $0x0  }
0xac: {  	s8 =	rddreg [dreg:$0x5];
	[sflag:s24] =	ssyncadd.s32 $0xFFFFC000  }
0xad: {  	[tilespmem:s30], [sflag:$0x2] =	stream.linear.gather [spmem:s8], $0x4000, $0x38;
	[tilespmem:$0x1E900] =	vst v63  }
0xae: {  	s9 =	rddreg [dreg:$0x6]  }
0xaf: {  	[hbm4b:s9+s3] =	stream.linear.scatter [tilespmem:s3], [sflag:$0x5], $0x4000, $0x38;
	[tilespmem:$0x1E900] =	vst v63  }
0xb0: {  	_ =	swait.ge [sflag:s23], $0x4000  }
0xb1: {  	[sflag:s23] =	ssyncset.done $0x0  }
0xb2: {  	[sflag:s23] =	ssyncadd.s32 $0xFFFFC000  }
0xb3: {  	_ =	swait.ge [sflag:s31], $0x4000  }
0xb4: {  	[sflag:s31] =	ssyncset.done $0x0  }
0xb5: {  	[sflag:s31] =	ssyncadd.s32 $0xFFFFC000  }
0xb6: {  	[tilespmem:s3], [sflag:$0x1] =	stream.linear.gather [spmem:s10], $0x4000, $0x38;
	[tilespmem:$0x1E900] =	vst v63  }
0xb7: {  	_ = 	snop  }
0xb8: {  	[hbm4b:s11+s3] =	stream.linear.scatter [tilespmem:s30], [sflag:$0x5], $0x4000, $0x38;
	[tilespmem:$0x1E900] =	vst v63  }
0xb9: {  	_ =	swait.ge [sflag:s23], $0x4000  }
0xba: {  	[sflag:s23] =	ssyncset.done $0x0  }
0xbb: {  	[sflag:s23] =	ssyncadd.s32 $0xFFFFC000  }
0xbc: {  	_ =	swait.ge [sflag:s24], $0x4000  }
0xbd: {  	[sflag:s24] =	ssyncset.done $0x0  }
0xbe: {  	[sflag:s24] =	ssyncadd.s32 $0xFFFFC000  }
0xbf: {  	[tilespmem:s30], [sflag:$0x2] =	stream.linear.gather [spmem:s12], $0x4000, $0x38;
	[tilespmem:$0x1E900] =	vst v63  }
0xc0: {  	_ = 	snop  }
0xc1: {  	[hbm4b:s13+s3] =	stream.linear.scatter [tilespmem:s3], [sflag:$0x5], $0x4000, $0x38;
	[tilespmem:$0x1E900] =	vst v63  }
0xc2: {  	_ =	swait.ge [sflag:s23], $0x4000  }
0xc3: {  	[sflag:s23] =	ssyncset.done $0x0  }
0xc4: {  	[sflag:s23] =	ssyncadd.s32 $0xFFFFC000  }
0xc5: {  	_ =	swait.ge [sflag:s31], $0x4000  }
0xc6: {  	[sflag:s31] =	ssyncset.done $0x0  }
0xc7: {  	[sflag:s31] =	ssyncadd.s32 $0xFFFFC000  }
0xc8: {  	[tilespmem:s3], [sflag:$0x1] =	stream.linear.gather [spmem:s14], $0x4000, $0x38;
	[tilespmem:$0x1E900] =	vst v63  }
0xc9: {  	_ = 	snop  }
0xca: {  	[hbm4b:s15+s3] =	stream.linear.scatter [tilespmem:s30], [sflag:$0x5], $0x4000, $0x38;
	[tilespmem:$0x1E900] =	vst v63  }
0xcb: {  	_ =	swait.ge [sflag:s23], $0x4000  }
0xcc: {  	[sflag:s23] =	ssyncset.done $0x0  }
0xcd: {  	[sflag:s23] =	ssyncadd.s32 $0xFFFFC000  }
0xce: {  	s22 =	sadd.s32 $0x1, s22;
	_ =	swait.ge [sflag:s24], $0x4000  }
0xcf: {  	p0 =	sne.s32 s22, s17;
	[sflag:s24] =	ssyncset.done $0x0  }
.Ltmp2:
0xd0: {  	[sflag:s24] =	ssyncadd.s32 $0xFFFFC000;
	(pc) =	sbr.rel @p0 .LBB2_1-.Ltmp2, $4  }
0xd1: {  	[hbm4b:s16+s3] =	stream.linear.scatter [tilespmem:s3], [sflag:$0x5], $0x4000, $0x38;
	[tilespmem:$0x1E900] =	vst v63  }
0xd2: {  	_ =	swait.ge [sflag:s23], $0x4000  }
0xd3: {  	[sflag:s23] =	ssyncset.done $0x0  }
0xd4: {  	[sflag:s23] =	ssyncadd.s32 $0xFFFFC000  }
0xd5: {  	_ =	sfence.sel $0x180000  }
0xd6: {  	[bflag:$0x0] =	sbarrier.arrive $0xFFFF  }
0xd7: {  	_ =	strace $0x9000004D  }
0xd8: {  	s0 =	stileid.u32;
	[bflag:$0x2] =	sbarrier.arrive $0xFFFF  }
0xd9: {  	p0 =	sne.s32 s0, $0x0;
	s0 =	rddreg [dreg:$0x3]  }
0xda: {  	s0 =	sadd.s32 @!p0 $0x100000, s0  }
0xdb: {  	[sflag:s0] =	ssyncadd.tile.s32 @!p0 $0x1;
	_ =	shalt  }
.Lfunc_end2:
_tile_overlayer_lowered:
.L_overlay_start_2:
0xdc: {  	(tag) =	ssettag $0x2  }
0xdd: {  	s0 =	rddreg [dreg:$0x0];
	s2 =	stileid.u32  }
0xde: {  	s1 =	rddreg [dreg:$0x1];
	p0 =	sne.s32 s2, $0x0  }
0xdf: {  	s3 =	rddreg [dreg:$0x2];
	[bflag:$0x3] =	sbarrier.arrive $0xFFFF;
	s2 =	simm.s32 @!p0 $0x1C05  }
0xe0: {  	[timem:s3], [sflag:s2] =	dma.local @!p0 [hbm:s0], s1  }
0xe1: {  	s0 =	simm.s32 @!p0 $0x5  }
0xe2: {  	_ =	swait.ge @!p0 [sflag:s0], s1  }
0xe3: {  	s1 =	ssub.s32 @!p0 $0x0, s1;
	[sflag:s0] =	ssyncset.done @!p0 $0x0  }
0xe4: {  	[sflag:s0] =	ssyncadd.s32 @!p0 s1  }
0xe5: {  	[bflag:$0x3] =	sbarrier.arrive $0xFFFF  }
0xe6: {  	_ =	shalt  }

// kernel: kernel.8.cloned.1.call-start
scs
__scs_entry_jumppad:
0x0: {  	(pc) =	sbr.rel $0x88, $3  }
0x1: {  	(tag) =	ssettag $0x0;
	lr =	simm.s32 $0x1  }
0x2: {  	[smem:$0x3F9B] =	sst lr;
	_ =	strace $0xD0000000  }
0x3: {  	_ = 	snop  }
0x4: {  	_ = 	snop  }
0x5: {  	_ = 	snop  }
0x6: {  	_ = 	snop  }
0x7: {  	_ = 	snop  }
__scs_overlays_trampoline_lowered:
0x8: {  	[smem:$0x3FAA] =	sst s0  }
0x9: {  	[smem:$0x3FAB] =	sst s1  }
0xa: {  	[smem:$0x3FAC] =	sst s2  }
0xb: {  	[smem:$0x3FAD] =	sst s3  }
0xc: {  	[smem:$0x3FAE] =	sst s4  }
0xd: {  	[smem:$0x3FAF] =	sst s5  }
0xe: {  	[smem:$0x3FB0] =	sst s6  }
0xf: {  	[smem:$0x3FB1] =	sst s7  }
0x10: {  	[smem:$0x3FB2] =	sst s8  }
0x11: {  	[smem:$0x3FB3] =	sst s9;
	s0 =	simm.s32 @!p0 $0x0  }
0x12: {  	s1 =	sld [smem:$0x3F99];
	s0 =	simm.s32 @p0 $0x1  }
0x13: {  	[smem:$0x3FB4] =	sst s0;
	s0 =	simm.s32 @!p1 $0x0  }
0x14: {  	s2 =	sld [smem:$0x3F98];
	s0 =	simm.s32 @p1 $0x1  }
0x15: {  	[smem:$0x3FB5] =	sst s0;
	s0 =	simm.s32 @!p2 $0x0  }
0x16: {  	s3 =	sld [smem:$0x3FDB];
	s0 =	simm.s32 @p2 $0x1  }
0x17: {  	s4 =	simm.s32 $0x1BF5;
	[smem:$0x3FB7] =	sst s0  }
0x18: {  	s0 =	sld [smem:$0x3F9A];
	_ =	swait.ge [sflag:s4], $0x0  }
0x19: {  	s7 =	sld [smem:$0x3F9B]  }
0x1a: {  	s8 =	sadd.s32 $0xFFFFE003, lr  }
0x1b: {  	s9 =	sadd.s32 $0xFFFFFEF7, lr;
	s5 =	simm.s32 $0xFFFFFFFF;
	p2 =	slt.u32 s8, $0xFFFFF086  }
0x1c: {  	p1 =	slt.u32 s9, $0xF7A;
	s5 =	simm.s32 @!p2 $0x0  }
0x1d: {  	s5 =	simm.s32 @p1 $0x1;
	p0 =	seq.s32 s7, s2  }
0x1e: {  	s7 =	smul.u32 @!p0 $0xF7A, s2;
	p2 =	seq.s32 @!p0 s5, $0x0  }
0x1f: {  	s9 =	smul.u32 $0xF7A, s1;
	s8 =	simm.s32 @!p0 $0x1BF5;
	p2 =	por !p2, p0  }
0x20: {  	[sflag:s8] =	ssyncset.s32 @!p0 $0xFFFFF086;
	s6 =	sadd.s32 @!p0 s3, s7;
	s7 =	simm.s32 @!p0 $0x108  }
0x21: {  	s3 =	sadd.s32 s3, s9;
	s6 =	sadd.s32 @!p0 $0x88, s6;
	s7 =	simm.s32 @p2 $0x1082  }
0x22: {  	[simem:s7], [sflag:s8] =	dma.local @!p0 [hbm:s6], $0xF7A  }
0x23: {  	s9 =	sor.u32 $0xD0000000, s2;
	s6 =	simm.s32 $0x108;
	_ =	swait.ge @!p0 [sflag:s8], $0x0  }
0x24: {  	s3 =	sadd.s32 $0x88, s3;
	s6 =	simm.s32 @!p1 $0x1082;
	[sflag:s4] =	ssyncset.s32 $0xFFFFF086  }
0x25: {  	[simem:s6], [sflag:s4] =	dma.local [hbm:s3], $0xF7A  }
0x26: {  	[smem:$0x3F9B] =	sst s1;
	(tag) =	ssettag s2;
	_ =	strace s9  }
0x27: {  	s1 =	sld [smem:$0x3FAB]  }
0x28: {  	s2 =	sld [smem:$0x3FAC]  }
0x29: {  	s4 =	sld [smem:$0x3FAE]  }
0x2a: {  	p0 =	seq.s32 s5, $0x0;
	s5 =	sld [smem:$0x3FAF]  }
0x2b: {  	s6 =	sld [smem:$0x3FB0]  }
0x2c: {  	s7 =	sld [smem:$0x3FB1]  }
0x2d: {  	s3 =	simm.s32 $0x108;
	s8 =	sld [smem:$0x3FB2]  }
0x2e: {  	s3 =	simm.s32 @!p0 $0x1082;
	s9 =	sld [smem:$0x3FB3]  }
0x2f: {  	lr =	sadd.s32 s0, s3;
	s0 =	sld [smem:$0x3FAA]  }
0x30: {  	s3 =	sld [smem:$0x3FAD]  }
0x31: {  	[smem:$0x3FB6] =	sst s10  }
0x32: {  	s10 =	sld [smem:$0x3FB4];
	_ =	sdelay $0x3  }
0x33: {  	p0 =	seq.s32 s10, $0x1;
	s10 =	sld [smem:$0x3FB6];
	_ =	sdelay $0x3  }
0x34: {  	[smem:$0x3FB6] =	sst s10  }
0x35: {  	s10 =	sld [smem:$0x3FB5];
	_ =	sdelay $0x3  }
0x36: {  	p1 =	seq.s32 s10, $0x1;
	s10 =	sld [smem:$0x3FB6];
	_ =	sdelay $0x3  }
0x37: {  	[smem:$0x3FB6] =	sst s10  }
0x38: {  	s10 =	sld [smem:$0x3FB7]  }
0x39: {  	_ = 	snop;
	(pc) =	sbr.ind lr, $3  }
0x3a: {  	_ = 	snop  }
0x3b: {  	_ = 	snop  }
0x3c: {  	p2 =	seq.s32 s10, $0x1;
	s10 =	sld [smem:$0x3FB6]  }
0x3d: {  	_ =	shalt  }
0x3e: {  	_ =	shalt  }
0x3f: {  	_ =	shalt  }
0x40: {  	_ =	shalt  }
0x41: {  	_ =	shalt  }
0x42: {  	_ =	shalt  }
0x43: {  	_ =	shalt  }
0x44: {  	_ =	shalt  }
0x45: {  	_ =	shalt  }
0x46: {  	_ =	shalt  }
0x47: {  	_ =	shalt  }
0x48: {  	_ =	shalt  }
0x49: {  	_ =	shalt  }
0x4a: {  	_ =	shalt  }
0x4b: {  	_ =	shalt  }
0x4c: {  	_ =	shalt  }
0x4d: {  	_ =	shalt  }
0x4e: {  	_ =	shalt  }
0x4f: {  	_ =	shalt  }
0x50: {  	_ =	shalt  }
0x51: {  	_ =	shalt  }
0x52: {  	_ =	shalt  }
0x53: {  	_ =	shalt  }
0x54: {  	_ =	shalt  }
0x55: {  	_ =	shalt  }
0x56: {  	_ =	shalt  }
0x57: {  	_ =	shalt  }
0x58: {  	_ =	shalt  }
0x59: {  	_ =	shalt  }
0x5a: {  	_ =	shalt  }
0x5b: {  	_ =	shalt  }
0x5c: {  	_ =	shalt  }
0x5d: {  	_ =	shalt  }
0x5e: {  	_ =	shalt  }
0x5f: {  	_ =	shalt  }
0x60: {  	_ =	shalt  }
0x61: {  	_ =	shalt  }
0x62: {  	_ =	shalt  }
0x63: {  	_ =	shalt  }
0x64: {  	_ =	shalt  }
0x65: {  	_ =	shalt  }
0x66: {  	_ =	shalt  }
0x67: {  	_ =	shalt  }
0x68: {  	_ =	shalt  }
0x69: {  	_ =	shalt  }
0x6a: {  	_ =	shalt  }
0x6b: {  	_ =	shalt  }
0x6c: {  	_ =	shalt  }
0x6d: {  	_ =	shalt  }
0x6e: {  	_ =	shalt  }
0x6f: {  	_ =	shalt  }
0x70: {  	_ =	shalt  }
0x71: {  	_ =	shalt  }
0x72: {  	_ =	shalt  }
0x73: {  	_ =	shalt  }
0x74: {  	_ =	shalt  }
0x75: {  	_ =	shalt  }
0x76: {  	_ =	shalt  }
0x77: {  	_ =	shalt  }
0x78: {  	_ =	shalt  }
0x79: {  	_ =	shalt  }
0x7a: {  	_ =	shalt  }
0x7b: {  	_ =	shalt  }
0x7c: {  	_ =	shalt  }
0x7d: {  	_ =	shalt  }
0x7e: {  	_ =	shalt  }
0x7f: {  	_ =	shalt  }
0x80: {  	_ =	shalt  }
0x81: {  	_ =	shalt  }
0x82: {  	_ =	shalt  }
0x83: {  	_ =	shalt  }
0x84: {  	_ =	shalt  }
0x85: {  	_ =	shalt  }
0x86: {  	_ =	shalt  }
0x87: {  	_ =	shalt  }
.Lfunc_end0:
.L_simem_size_0:
called_computation_lowered:
.L_overlay_start_0:
0x88: {  	s2 =	sld [smem:$0x3FD9]  }
0x89: {  	s3 =	sld [smem:$0x3FFE];
	_ =	sdelay $0x1  }
0x8a: {  	s1 =	srdreg.scid  }
0x8b: {  	s0 =	sand.u32 $0x1, s1  }
0x8c: {  	s17 =	sshll.u32 s0, $0xA;
	s2 =	sadd.s32 s3, s2  }
0x8d: {  	s2 =	sadd.s32 s2, s17  }
0x8e: {  	[smem:$0x3FC2] =	sst s2  }
0x8f: {  	_ = 	snop  }
0x90: {  	s2 =	sld [smem:$0x3FD0];
	(tm) =	ssettm $0x1  }
0x91: {  	s18 =	sld [smem:$0x3FFB];
	_ =	sdelay $0x3  }
0x92: {  	_ =	strace s18  }
0x93: {  	s3 =	sld [smem:$0x3FFC];
	_ =	sdelay $0x3  }
0x94: {  	_ =	strace s3  }
0x95: {  	s3 =	sld [smem:$0x3FFD];
	_ =	sdelay $0x3  }
0x96: {  	_ =	strace s3  }
0x97: {  	_ =	strace $0x8FFFFFFF  }
0x98: {  	s19 =	sld [smem:$0x3FDB];
	_ =	sdelay $0x1  }
0x99: {  	s4 =	simm.s32 $_scs_section_size  }
0x9a: {  	s5 =	simm.s32 $_size__tile_overlayer_lowered;
	s6 =	simm.s32 $_tile_overlayer_lowered  }
0x9b: {  	s22 =	simm.s32 $0x1BFF;
	s21 =	sshll.u32 s6, $0x1;
	s3 =	sadd.s32 s4, s19  }
0x9c: {  	s7 =	simm.s32 $0x0;
	s20 =	sshll.u32 s5, $0x1;
	s5 =	sadd.s32 s21, s3  }
0x9d: {  	[timem:s7], [sflag:s22] =	dma.local [hbm:s5], s20  }
0x9e: {  	_ =	swait.ge [sflag:s22], s20  }
0x9f: {  	s4 =	ssub.s32 $0x0, s20;
	[sflag:s22] =	ssyncset.done $0x0  }
0xa0: {  	[sflag:s22] =	ssyncadd.s32 s4;
	_ =	sdelay $0x1  }
0xa1: {  	s23 =	simm.s32 $0x1B8B  }
0xa2: {  	_ =	swait.ge [sflag:s23], $0x1  }
0xa3: {  	[sflag:s23] =	ssyncset.done $0x0  }
0xa4: {  	s25 =	simm.s32 $0x1B8E;
	s24 =	sld [smem:$0x3FFE];
	[sflag:s23] =	ssyncadd.s32 $0xFFFFFFFF  }
0xa5: {  	s26 =	simm.s32 $execute0_lowered;
	[smem:$0x3FD2] =	sst s25  }
0xa6: {  	s5 =	sshll.u32 s26, $0x1;
	_ =	strace $0x80000046;
	[dreg:$0x1] =	wrdreg $0xFFFFFFFF  }
0xa7: {  	s28 =	simm.s32 $_size_execute0_lowered;
	s3 =	sadd.s32 s3, s5;
	[dreg:$0x0] =	wrdreg $0x0  }
0xa8: {  	s5 =	sshll.u32 s28, $0x1;
	[dreg:$0x2] =	wrdreg s3  }
0xa9: {  	[dreg:$0x3] =	wrdreg s5  }
0xaa: {  	[dreg:$0x4] =	wrdreg $0xC0  }
0xab: {  	_ =	task [dreg:s7], $0x5FFFF  }
0xac: {  	[dreg:$0x1] =	wrdreg $0xFFFFFFFF  }
0xad: {  	[dreg:$0x0] =	wrdreg $0x60  }
0xae: {  	[dreg:$0x2] =	wrdreg s2  }
0xaf: {  	[dreg:$0x3] =	wrdreg s24  }
0xb0: {  	[dreg:$0x4] =	wrdreg $0xA8000  }
0xb1: {  	[dreg:$0x5] =	wrdreg $0x9  }
0xb2: {  	_ =	task.clear_ibuf [dreg:s7], $0x6FFFF;
	_ =	strace $0x90000046  }
0xb3: {  	s29 =	simm.s32 $0x9;
	_ =	strace $0x80000048  }
0xb4: {  	_ =	swait.ge [sflag:s29], $0x1  }
0xb5: {  	[sflag:s29] =	ssyncadd.s32 $0xFFFFFFFF  }
0xb6: {  	_ =	strace $0x90000048  }
0xb7: {  	_ =	sfence  }
0xb8: {  	s30 =	sld [smem:$0x0];
	_ =	sdelay $0x2  }
0xb9: {  	s31 =	sshll.u32 s1, $0xD;
	s1 =	sshrl.u32 s1, $0x2  }
0xba: {  	s3 =	sand.u32 $0x4000, s31;
	s1 =	sadd.s32 s1, s30  }
0xbb: {  	s0 =	sor.u32 s3, s0;
	s1 =	sshll.u32 s1, $0x11  }
0xbc: {  	s0 =	sor.u32 s1, s0  }
0xbd: {  	s0 =	sadd.s32 $0x8F2B, s0  }
0xbe: {  	[sflag:s0] =	ssyncadd.remote.s32 $0x1  }
0xbf: {  	_ =	sfence.sel $0xFFFF  }
0xc0: {  	[dreg:$0x0] =	wrdreg $0xFFFFFFFF;
	(pc) =	sbr.abs _section_cstart, $3  }
0xc1: {  	[dreg:$0x1] =	wrdreg $0xFFFFFFFF  }
0xc2: {  	_ =	task.clear_ibuf [dreg:s7], $0x2FFFF;
	_ =	strace $0x9FFFFFFF  }
0xc3: {  	(tm) =	ssettm $0x7FFFFFFF  }
tec
execute0_lowered:
.L_overlay_start_1:
0x0: {  	(tag) =	ssettag $0x1  }
0x1: {  	s4 =	rddreg [dreg:$0x0]  }
0x2: {  	s5 =	rddreg [dreg:$0x1]  }
0x3: {  	s1 =	rddreg [dreg:$0x2]  }
0x4: {  	s2 =	srdreg.scid;
	s0 =	rddreg [dreg:$0x3];
	s3 =	simm.s32 $0x0  }
0x5: {  	s23 =	simm.f32 $1.000000000e+00;
	s22 =	simm.s32 $0x4000;
	s24 =	simm.s32 $0x80  }
0x6: {  	s25 =	simm.s32 $0x0;
	s6 =	sand.u32 $0x1, s2;
	s2 =	stileid.u32  }
0x7: {  	[smem:$0x7FF] =	sst s3;
	s19 =	sadd.s32 $0x2600, s5;
	s30 =	smul.u32 $0x50000, s2  }
0x8: {  	s7 =	sshll.u32 s6, $0x4;
	s8 =	ssub.s32 $0x2, s6;
	s16 =	smul.u32 $0x140000, s6  }
0x9: {  	_ =	strace $0x80000047;
	p0 =	seq.s32 s6, $0x0;
	s15 =	smul.u32 $0x14000, s2  }
0xa: {  	s7 =	sor.u32 s2, s7;
	s9 =	sshrl.u32 s8, $0x1;
	s23 =	simm.s32 @!p0 $0x0  }
0xb: {  	s7 =	smul.u32 $0x500, s7;
	s8 =	ssub.s32 s8, s9;
	s5 =	sshrl.u32 s30, $0x2  }
0xc: {  	s10 =	sadd.s32 s16, s15;
	s12 =	sadd.s32 $0x4000, s15;
	s17 =	sadd.s32 $0x8000, s15  }
0xd: {  	s18 =	sadd.s32 $0xC000, s15;
	s20 =	sadd.s32 $0x10000, s15;
	v0 =	vmov s23;
	s23 =	simm.s32 $0x1  }
0xe: {  	s5 =	sadd.s32 s5, s1;
	s6 =	smax.u32 s8, $0x1;
	s11 =	sshrl.u32 s10, $0x3  }
0xf: {  	s13 =	sadd.s32 s16, s12;
	s12 =	sadd.s32 s12, s1;
	s14 =	sadd.s32 s17, s1  }
0x10: {  	s17 =	sadd.s32 s16, s17;
	s31 =	sadd.s32 s16, s18;
	s21 =	sadd.s32 s16, s20  }
0x11: {  	s16 =	sadd.s32 s18, s1;
	s18 =	sadd.s32 s20, s1;
	s20 =	simm.s32 $0x8000  }
0x12: {  	s4 =	sadd.s32 s4, s7;
	s7 =	sadd.s32 $0x4000, s5;
	s8 =	sadd.s32 $0x8000, s5  }
0x13: {  	s9 =	sadd.s32 $0xC000, s5;
	s10 =	sadd.s32 $0x10000, s5;
	s11 =	sadd.s32 s19, s11  }
0x14: {  	s13 =	sshrl.u32 s13, $0x3;
	s17 =	sshrl.u32 s17, $0x3;
	s21 =	sshrl.u32 s21, $0x3  }
0x15: {  	s13 =	sadd.s32 s19, s13;
	s15 =	sadd.s32 s19, s17;
	s17 =	sshrl.u32 s31, $0x3  }
0x16: {  	v1 =	vimm.f32 $1.000000000e+00;
	s17 =	sadd.s32 s19, s17;
	s19 =	sadd.s32 s19, s21;
	s21 =	simm.s32 $0x2  }
.LBB2_1:
0x17: {  	[tilespmem:s20], [sflag:$0x2] =	stream.linear.gather [hbm4b:s4+s3], $0x2780, $0x38;
	[tilespmem:$0xD000] =	vst v63  }
0x18: {  	_ =	swait.ge [sflag:s21], $0x2780  }
0x19: {  	[sflag:s21] =	ssyncset.done $0x0  }
0x1a: {  	s26 =	simm.s32 $0x200;
	s28 =	simm.s32 $0x0;
	[sflag:s21] =	ssyncadd.s32 $0xFFFFD880  }
.LBB2_2:
0x1b: {  	p0 =	sne.s32 s26, $0xFE00;
	[tilespmem:s28+$0x0] =	vst v1;
	s29 =	smov.u32 s26;
	s26 =	sadd.s32 $0x200, s26  }
.Ltmp0:
0x1c: {  	[tilespmem:s28+$0x4000] =	vst v0;
	(pc) =	sbr.rel @p0 .LBB2_2-.Ltmp0, $2  }
0x1d: {  	_ =	sdelay $0x2  }
0x1e: {  	s28 =	sshra.s32 s29, $0x2  }
0x1f: {  	[tilespmem:s28+$0x0] =	vst v1  }
0x20: {  	[tilespmem:s28+$0x4000] =	vst v0  }
0x21: {  	[spmem:s5] =	stream.linear.scatter [tilespmem:s22], [sflag:$0x1], $0x4000, $0x38;
	[tilespmem:$0xD000] =	vst v63  }
0x22: {  	_ = 	snop  }
0x23: {  	[spmem:s7] =	stream.linear.scatter [tilespmem:s22], [sflag:$0x1], $0x4000, $0x38;
	[tilespmem:$0xD000] =	vst v63  }
0x24: {  	_ = 	snop  }
0x25: {  	[spmem:s8] =	stream.linear.scatter [tilespmem:s22], [sflag:$0x1], $0x4000, $0x38;
	[tilespmem:$0xD000] =	vst v63  }
0x26: {  	_ = 	snop  }
0x27: {  	[spmem:s9] =	stream.linear.scatter [tilespmem:s22], [sflag:$0x1], $0x4000, $0x38;
	[tilespmem:$0xD000] =	vst v63  }
0x28: {  	_ = 	snop  }
0x29: {  	[spmem:s10] =	stream.linear.scatter [tilespmem:s22], [sflag:$0x1], $0x4000, $0x38;
	[tilespmem:$0xD000] =	vst v63  }
0x2a: {  	_ =	swait.ge [sflag:s23], $0x4000  }
0x2b: {  	[sflag:s23] =	ssyncset.done $0x0  }
0x2c: {  	[sflag:s23] =	ssyncadd.s32 $0xFFFFC000  }
0x2d: {  	_ =	swait.ge [sflag:s23], $0x4000  }
0x2e: {  	[sflag:s23] =	ssyncset.done $0x0  }
0x2f: {  	[sflag:s23] =	ssyncadd.s32 $0xFFFFC000  }
0x30: {  	_ =	swait.ge [sflag:s23], $0x4000  }
0x31: {  	[sflag:s23] =	ssyncset.done $0x0  }
0x32: {  	[sflag:s23] =	ssyncadd.s32 $0xFFFFC000  }
0x33: {  	_ =	swait.ge [sflag:s23], $0x4000  }
0x34: {  	[sflag:s23] =	ssyncset.done $0x0  }
0x35: {  	[sflag:s23] =	ssyncadd.s32 $0xFFFFC000  }
0x36: {  	_ =	swait.ge [sflag:s23], $0x4000  }
0x37: {  	[sflag:s23] =	ssyncset.done $0x0  }
0x38: {  	[sflag:s23] =	ssyncadd.s32 $0xFFFFC000  }
0x39: {  	s26 =	simm.s32 $0x8000;
	[bflag:$0x0] =	sbarrier.arrive $0xFFFF  }
0x3a: {  	[spmem:s1] =	stream.indirect.scatter.add.f32 [tilespmem:s3], [sflag:$0x2], $0x10, s26, s24, $0xb8;
	[tilespmem:$0xD000] =	vst v63  }
0x3b: {  	s26 =	simm.s32 $0x200;
	_ =	swait.ge [sflag:s21], $0x800  }
.LBB2_4:
0x3c: {  	s28 =	sshra.s32 s26, $0x2;
	[sflag:s21] =	ssyncset.done $0x0;
	p0 =	sne.s32 s26, $0x9C00  }
.Ltmp1:
0x3d: {  	s28 =	sadd.s32 $0x8000, s28;
	[sflag:s21] =	ssyncadd.s32 $0xFFFFF800;
	(pc) =	sbr.rel @p0 .LBB2_4-.Ltmp1, $3  }
0x3e: {  	[spmem:s1] =	stream.indirect.scatter.add.f32 [tilespmem:s3], [sflag:$0x2], $0x10, s28, s24, $0xb8;
	[tilespmem:$0xD000] =	vst v63  }
0x3f: {  	s26 =	sadd.s32 $0x200, s26;
	_ =	sdelay $0x1  }
0x40: {  	_ =	swait.ge [sflag:s21], $0x800  }
0x41: {  	[sflag:s21] =	ssyncset.done $0x0  }
0x42: {  	[sflag:s21] =	ssyncadd.s32 $0xFFFFF800  }
0x43: {  	[bflag:$0x0] =	sbarrier.arrive $0xFFFF  }
0x44: {  	[tilespmem:s22], [sflag:$0x2] =	stream.linear.gather [spmem:s5], $0x4000, $0x38;
	[tilespmem:$0xD000] =	vst v63  }
0x45: {  	_ =	swait.ge [sflag:s21], $0x4000  }
0x46: {  	[sflag:s21] =	ssyncset.done $0x0  }
0x47: {  	[sflag:s21] =	ssyncadd.s32 $0xFFFFC000  }
0x48: {  	[hbm4b:s11+s3] =	stream.linear.scatter [tilespmem:s22], [sflag:$0x2], $0x4000, $0x38;
	[tilespmem:$0xD000] =	vst v63  }
0x49: {  	_ =	swait.ge [sflag:s21], $0x4000  }
0x4a: {  	[sflag:s21] =	ssyncset.done $0x0  }
0x4b: {  	[sflag:s21] =	ssyncadd.s32 $0xFFFFC000  }
0x4c: {  	[tilespmem:s22], [sflag:$0x2] =	stream.linear.gather [spmem:s12], $0x4000, $0x38;
	[tilespmem:$0xD000] =	vst v63  }
0x4d: {  	_ =	swait.ge [sflag:s21], $0x4000  }
0x4e: {  	[sflag:s21] =	ssyncset.done $0x0  }
0x4f: {  	[sflag:s21] =	ssyncadd.s32 $0xFFFFC000  }
0x50: {  	[hbm4b:s13+s3] =	stream.linear.scatter [tilespmem:s22], [sflag:$0x2], $0x4000, $0x38;
	[tilespmem:$0xD000] =	vst v63  }
0x51: {  	_ =	swait.ge [sflag:s21], $0x4000  }
0x52: {  	[sflag:s21] =	ssyncset.done $0x0  }
0x53: {  	[sflag:s21] =	ssyncadd.s32 $0xFFFFC000  }
0x54: {  	[tilespmem:s22], [sflag:$0x2] =	stream.linear.gather [spmem:s14], $0x4000, $0x38;
	[tilespmem:$0xD000] =	vst v63  }
0x55: {  	_ =	swait.ge [sflag:s21], $0x4000  }
0x56: {  	[sflag:s21] =	ssyncset.done $0x0  }
0x57: {  	[sflag:s21] =	ssyncadd.s32 $0xFFFFC000  }
0x58: {  	[hbm4b:s15+s3] =	stream.linear.scatter [tilespmem:s22], [sflag:$0x2], $0x4000, $0x38;
	[tilespmem:$0xD000] =	vst v63  }
0x59: {  	_ =	swait.ge [sflag:s21], $0x4000  }
0x5a: {  	[sflag:s21] =	ssyncset.done $0x0  }
0x5b: {  	[sflag:s21] =	ssyncadd.s32 $0xFFFFC000  }
0x5c: {  	[tilespmem:s22], [sflag:$0x2] =	stream.linear.gather [spmem:s16], $0x4000, $0x38;
	[tilespmem:$0xD000] =	vst v63  }
0x5d: {  	_ =	swait.ge [sflag:s21], $0x4000  }
0x5e: {  	[sflag:s21] =	ssyncset.done $0x0  }
0x5f: {  	[sflag:s21] =	ssyncadd.s32 $0xFFFFC000  }
0x60: {  	[hbm4b:s17+s3] =	stream.linear.scatter [tilespmem:s22], [sflag:$0x2], $0x4000, $0x38;
	[tilespmem:$0xD000] =	vst v63  }
0x61: {  	_ =	swait.ge [sflag:s21], $0x4000  }
0x62: {  	[sflag:s21] =	ssyncset.done $0x0  }
0x63: {  	[sflag:s21] =	ssyncadd.s32 $0xFFFFC000  }
0x64: {  	[tilespmem:s22], [sflag:$0x2] =	stream.linear.gather [spmem:s18], $0x4000, $0x38;
	[tilespmem:$0xD000] =	vst v63  }
0x65: {  	s25 =	sadd.s32 $0x1, s25;
	_ =	swait.ge [sflag:s21], $0x4000  }
0x66: {  	p0 =	sne.s32 s25, s6;
	[sflag:s21] =	ssyncset.done $0x0  }
.Ltmp2:
0x67: {  	[sflag:s21] =	ssyncadd.s32 $0xFFFFC000;
	(pc) =	sbr.rel @p0 .LBB2_1-.Ltmp2, $4  }
0x68: {  	[hbm4b:s19+s3] =	stream.linear.scatter [tilespmem:s22], [sflag:$0x2], $0x4000, $0x38;
	[tilespmem:$0xD000] =	vst v63  }
0x69: {  	_ =	swait.ge [sflag:s21], $0x4000  }
0x6a: {  	[sflag:s21] =	ssyncset.done $0x0  }
0x6b: {  	[sflag:s21] =	ssyncadd.s32 $0xFFFFC000  }
0x6c: {  	_ =	sfence.sel $0x180000  }
0x6d: {  	[bflag:$0x0] =	sbarrier.arrive $0xFFFF  }
0x6e: {  	p0 =	sne.s32 s2, $0x0;
	_ =	strace $0x90000047  }
0x6f: {  	s0 =	sadd.s32 @!p0 $0x100000, s0;
	[bflag:$0x2] =	sbarrier.arrive $0xFFFF  }
0x70: {  	[sflag:s0] =	ssyncadd.tile.s32 @!p0 $0x1;
	_ =	shalt  }
.Lfunc_end2:
_tile_overlayer_lowered:
.L_overlay_start_2:
0x71: {  	(tag) =	ssettag $0x2  }
0x72: {  	s0 =	rddreg [dreg:$0x0];
	s2 =	stileid.u32  }
0x73: {  	s1 =	rddreg [dreg:$0x1];
	p0 =	sne.s32 s2, $0x0  }
0x74: {  	s3 =	rddreg [dreg:$0x2];
	[bflag:$0x3] =	sbarrier.arrive $0xFFFF;
	s2 =	simm.s32 @!p0 $0x1C02  }
0x75: {  	[timem:s3], [sflag:s2] =	dma.local @!p0 [hbm:s0], s1  }
0x76: {  	s0 =	simm.s32 @!p0 $0x2  }
0x77: {  	_ =	swait.ge @!p0 [sflag:s0], s1  }
0x78: {  	s1 =	ssub.s32 @!p0 $0x0, s1;
	[sflag:s0] =	ssyncset.done @!p0 $0x0  }
0x79: {  	[sflag:s0] =	ssyncadd.s32 @!p0 s1  }
0x7a: {  	[bflag:$0x3] =	sbarrier.arrive $0xFFFF  }
0x7b: {  	_ =	shalt  }

</sc_bundles>
